<compile_context>
chip_gen: v7x
topology: tpu7x:2x2x1
jax: 0.10.2.dev20260603
libtpu: 0.0.44.dev20260713+nightly
codegen_flags: <defaults>
</compile_context>

<pallas_src>
import functools
import math

import jax
import jax.numpy as jnp
from jax import lax
from jax.experimental import pallas as pl
from jax.experimental.pallas import tpu as pltpu
from jax.experimental.pallas import tpu_sc as plsc

CUT = 0.5
EPS = 1e-08
NH = 4

_NC = 2
_NS = 16
_NW = _NC * _NS
_C = 128


def _sc_gather(h, row, col):
    N, D = h.shape
    E = row.shape[0]
    n_chunks = E // _C
    mesh = plsc.VectorSubcoreMesh(core_axis_name="c", subcore_axis_name="s")

    @functools.partial(
        pl.kernel, mesh=mesh,
        out_type=[jax.ShapeDtypeStruct((E, D), jnp.float32),
                  jax.ShapeDtypeStruct((E, D), jnp.float32)],
        scratch_types=[pltpu.VMEM((_C,), jnp.int32),
                       pltpu.VMEM((_C,), jnp.int32),
                       pltpu.VMEM((_C, D), jnp.float32),
                       pltpu.VMEM((_C, D), jnp.float32),
                       pltpu.SemaphoreType.DMA,
                       pltpu.SemaphoreType.DMA],
    )
    def k(h_hbm, row_hbm, col_hbm, src_out, tgt_out,
          idx_r, idx_c, rows_s, rows_t, sem_s, sem_t):
        wid = lax.axis_index("s") * _NC + lax.axis_index("c")

        def body(kk, carry):
            chunk = kk * _NW + wid

            @pl.when(chunk < n_chunks)
            def _():
                base = chunk * _C
                pltpu.sync_copy(row_hbm.at[pl.ds(base, _C)], idx_r)
                pltpu.sync_copy(col_hbm.at[pl.ds(base, _C)], idx_c)
                cp_s = pltpu.async_copy(h_hbm.at[idx_r], rows_s, sem_s)
                cp_t = pltpu.async_copy(h_hbm.at[idx_c], rows_t, sem_t)
                cp_s.wait()
                cp_t.wait()
                pltpu.sync_copy(rows_s, src_out.at[pl.ds(base, _C)])
                pltpu.sync_copy(rows_t, tgt_out.at[pl.ds(base, _C)])
            return carry

        lax.fori_loop(0, pl.cdiv(n_chunks, _NW), body, 0)

    return k(h, row, col)


def _sc_scatter(row, ef, zef):
    E, Hd = ef.shape
    NP = zef.shape[0]
    n_chunks = E // _C
    rows_per_sub = NP // _NS
    mesh = plsc.VectorSubcoreMesh(core_axis_name="c", subcore_axis_name="s")

    @functools.partial(
        pl.kernel, mesh=mesh,
        out_type=jax.ShapeDtypeStruct((2 * NP, Hd), jnp.float32),
        scratch_types=[pltpu.VMEM((_C,), jnp.int32),
                       pltpu.VMEM((_C, Hd), jnp.float32),
                       pltpu.VMEM_SHARED((NP, Hd), jnp.float32)],
    )
    def k(row_hbm, ef_hbm, zef_hbm, oef, idx_v, ef_v, acc_ef):
        cid = lax.axis_index("c")
        sid = lax.axis_index("s")
        wid = sid * _NC + cid
        rbase = sid * rows_per_sub
        pltpu.sync_copy(zef_hbm.at[pl.ds(rbase, rows_per_sub)],
                        acc_ef.at[pl.ds(rbase, rows_per_sub)])
        plsc.subcore_barrier()

        def body(kk, carry):
            chunk = kk * _NW + wid

            @pl.when(chunk < n_chunks)
            def _():
                base = chunk * _C
                pltpu.sync_copy(row_hbm.at[pl.ds(base, _C)], idx_v)
                pltpu.sync_copy(ef_hbm.at[pl.ds(base, _C)], ef_v)
                pltpu.sync_copy(ef_v, acc_ef.at[idx_v], add=True)
            return carry

        lax.fori_loop(0, pl.cdiv(n_chunks, _NW), body, 0)
        plsc.subcore_barrier()
        obase = cid * NP + rbase
        pltpu.sync_copy(acc_ef.at[pl.ds(rbase, rows_per_sub)],
                        oef.at[pl.ds(obase, rows_per_sub)])

    return k(row, ef, zef)


def _celu(x, alpha=2.0):
    return jnp.where(x > 0, x, alpha * (jnp.exp(x / alpha) - 1.0))


def _edge_kernel(src_ref, tgt_ref, radial_ref, cdn_ref, rbf_ref,
                 f_w1a_ref, f_w1b_ref, f_b1_ref, f_w2_ref, f_b2_ref,
                 e_w1a_ref, e_w1b_ref, e_w1r_ref, e_w1w_ref, e_b1_ref,
                 e_w2_ref, e_b2_ref,
                 sa_w1p_ref, sa_b1p_ref, sa_w2t_ref, sa_b2b_ref,
                 sp_wr_ref, sp_br_ref,
                 rbf_w_ref, rbf_b_ref,
                 ef_out_ref, av_out_ref):
    src = src_ref[...]
    tgt = tgt_ref[...]
    radial = radial_ref[...]
    rbf = rbf_ref[...]

    rbf_e = jnp.dot(rbf, rbf_w_ref[...],
                    preferred_element_type=jnp.float32) + rbf_b_ref[...]
    t = (jnp.dot(src, f_w1a_ref[...], preferred_element_type=jnp.float32)
         + jnp.dot(tgt, f_w1b_ref[...], preferred_element_type=jnp.float32)
         + f_b1_ref[...])
    wf = _celu(t)
    wf = jnp.dot(wf, f_w2_ref[...],
                 preferred_element_type=jnp.float32) + f_b2_ref[...]
    g = rbf_e * wf
    pre = (jnp.dot(src, e_w1a_ref[...], preferred_element_type=jnp.float32)
           + jnp.dot(tgt, e_w1b_ref[...], preferred_element_type=jnp.float32)
           + radial * e_w1r_ref[...]
           + jnp.dot(g, e_w1w_ref[...], preferred_element_type=jnp.float32)
           + e_b1_ref[...])
    ef = _celu(pre)
    ef = _celu(jnp.dot(ef, e_w2_ref[...],
                       preferred_element_type=jnp.float32) + e_b2_ref[...])

    sem_b = (jnp.dot(_celu(jnp.dot(ef, sa_w1p_ref[...],
                                   preferred_element_type=jnp.float32)
                           + sa_b1p_ref[...]),
                     sa_w2t_ref[...], preferred_element_type=jnp.float32)
             + sa_b2b_ref[...])
    be = src.shape[0]
    rad_b = jnp.broadcast_to(radial, (be, sem_b.shape[1]))
    euclid = 0.5 * (jnp.cos(jnp.sqrt(rad_b) * (math.pi / 2.0 * CUT)) + 1.0)
    ef = ef * sem_b * euclid

    rep = jnp.dot(ef, sp_wr_ref[...],
                  preferred_element_type=jnp.float32) + sp_br_ref[...]
    cdn = cdn_ref[...]
    til = jnp.concatenate([cdn, cdn, cdn, cdn], axis=1)
    av12 = rep * til
    av = jnp.concatenate([av12, jnp.zeros((be, 116), jnp.float32)], axis=1)

    ef_out_ref[...] = ef
    av_out_ref[...] = av


def _node_kernel(h_ref, agg0_ref, agg1_ref, av0_ref, av1_ref,
                 mu_w1_ref, mu_b1_ref, mu_w2_ref, mu_b2_ref,
                 n_w1a_ref, n_w1b_ref, n_w1c_ref, n_b1_ref,
                 n_w2_ref, n_b2_ref,
                 out_ref):
    h = h_ref[...]
    agg = agg0_ref[0] + agg0_ref[1] + agg1_ref[0] + agg1_ref[1]
    av = av0_ref[0] + av0_ref[1] + av1_ref[0] + av1_ref[1]
    sq = av * av
    norms = jnp.concatenate(
        [jnp.sqrt(sq[:, 3 * i:3 * i + 1] + sq[:, 3 * i + 1:3 * i + 2]
                  + sq[:, 3 * i + 2:3 * i + 3]) for i in range(NH)], axis=1)
    spat = _celu(jnp.dot(norms, mu_w1_ref[...],
                         preferred_element_type=jnp.float32) + mu_b1_ref[...])
    spat = _celu(jnp.dot(spat, mu_w2_ref[...],
                         preferred_element_type=jnp.float32) + mu_b2_ref[...])
    out = _celu(jnp.dot(h, n_w1a_ref[...], preferred_element_type=jnp.float32)
                + jnp.dot(agg, n_w1b_ref[...], preferred_element_type=jnp.float32)
                + jnp.dot(spat, n_w1c_ref[...], preferred_element_type=jnp.float32)
                + n_b1_ref[...])
    out_ref[...] = _celu(jnp.dot(out, n_w2_ref[...],
                                 preferred_element_type=jnp.float32)
                         + n_b2_ref[...])


def _full_spec():
    return pl.BlockSpec(lambda i: tuple(), None)


def kernel(h, edge_index, radial, coord_diff, rbf, e_w1, e_b1, e_w2, e_b2,
           n_w1, n_b1, n_w2, n_b2, sp_w, sp_b, sa_w1, sa_b1, sa_w2, sa_b2,
           rbf_w, rbf_b, f_w1, f_b1, f_w2, f_b2, mu_w1, mu_b1, mu_w2, mu_b2):
    N, D = h.shape
    E = edge_index.shape[1]
    H = e_w2.shape[0]
    KS = rbf.shape[1]
    row = edge_index[0]
    col = edge_index[1]

    f_w1a, f_w1b = f_w1[:D], f_w1[D:]
    e_w1a, e_w1b = e_w1[:D], e_w1[D:2 * D]
    e_w1r, e_w1w = e_w1[2 * D:2 * D + 1], e_w1[2 * D + 1:]
    n_w1a, n_w1b, n_w1c = n_w1[:D], n_w1[D:D + H], n_w1[D + H:]

    sa_w1p = jnp.zeros((H, H), jnp.float32).at[:, :NH].set(sa_w1)
    sa_b1p = jnp.zeros((H,), jnp.float32).at[:NH].set(sa_b1)
    sa_w2t = jnp.zeros((H, H), jnp.float32).at[:NH, :].set(
        jnp.broadcast_to(sa_w2, (NH, H)))
    sa_b2b = jnp.broadcast_to(sa_b2, (H,))
    rmat = jnp.zeros((NH, 12), jnp.float32)
    for i in range(NH):
        rmat = rmat.at[i, 3 * i:3 * i + 3].set(1.0)
    sp_wr = sp_w @ rmat
    sp_br = sp_b @ rmat

    nrm = jnp.sqrt(jnp.sum(coord_diff * coord_diff, axis=1, keepdims=True))
    cdn = coord_diff / nrm + EPS

    BE = 1280
    NHALF = 2
    E2 = E // NHALF
    assert E2 % BE == 0 and E2 % _C == 0
    grid_e = E2 // BE

    def espec(width):
        return pl.BlockSpec((BE, width), lambda i: (i, 0))

    def wspec(arr):
        r = arr.ndim
        return pl.BlockSpec(arr.shape, lambda i, r=r: (0,) * r)

    e_weights = (f_w1a, f_w1b, f_b1, f_w2, f_b2,
                 e_w1a, e_w1b, e_w1r, e_w1w, e_b1, e_w2, e_b2,
                 sa_w1p, sa_b1p, sa_w2t, sa_b2b, sp_wr, sp_br, rbf_w, rbf_b)

    NP = ((N + 8 * _NS - 1) // (8 * _NS)) * (8 * _NS)
    zef = jnp.zeros((NP, H), jnp.float32)

    aggs, av_aggs = [], []
    for hh in range(NHALF):
        off = hh * grid_e

        def hspec(width, off=off):
            return pl.BlockSpec((BE, width), lambda i, off=off: (i + off, 0))

        edge_call = pl.pallas_call(
            _edge_kernel,
            grid=(grid_e,),
            in_specs=[espec(D), espec(D), hspec(1), hspec(3), hspec(KS)]
                     + [wspec(a) for a in e_weights],
            out_specs=[espec(H), espec(128)],
            out_shape=[jax.ShapeDtypeStruct((E2, H), jnp.float32),
                       jax.ShapeDtypeStruct((E2, 128), jnp.float32)],
        )
        row_h = lax.dynamic_slice(row, (hh * E2,), (E2,))
        col_h = lax.dynamic_slice(col, (hh * E2,), (E2,))
        src, tgt = _sc_gather(h, row_h, col_h)
        ef, av = edge_call(src, tgt, radial, cdn, rbf, *e_weights)
        aggs.append(_sc_scatter(row_h, ef, zef).reshape(2, NP, H))
        av_aggs.append(_sc_scatter(row_h, av, zef).reshape(2, NP, 128))

    BN = 2000
    assert N % BN == 0
    grid_n = N // BN

    n_weights = (mu_w1, mu_b1, mu_w2, mu_b2,
                 n_w1a, n_w1b, n_w1c, n_b1, n_w2, n_b2)
    pspec = pl.BlockSpec((2, BN, 128), lambda i: (0, i, 0))
    out = pl.pallas_call(
        _node_kernel,
        grid=(grid_n,),
        in_specs=[pl.BlockSpec((BN, D), lambda i: (i, 0)),
                  pspec, pspec, pspec, pspec]
                 + [wspec(a) for a in n_weights],
        out_specs=pl.BlockSpec((BN, D), lambda i: (i, 0)),
        out_shape=jax.ShapeDtypeStruct((N, D), jnp.float32),
    )(h, aggs[0], aggs[1], av_aggs[0], av_aggs[1], *n_weights)
    return out

# --- scband reference (transcript-rebuilt; emitter-appended) ---
"""Pipeline reference for scband-sakelayer-73495480369396 (READ-ONLY COPY).

The authoritative reference and input builder live on the scoring server;
editing this copy changes nothing except your own understanding.
"""

import jax, jax.numpy as jnp
import numpy as np
import math

N = 10000
E = 320000
D = 128
H = 128
NH = 4
KS = 18
CUT = 0.5
EPS = 1e-08


def celu(x, alpha=2.0):
    return jnp.where(x > 0, x, alpha * (jnp.exp(x / alpha) - 1.0))


def setup_inputs(seed: int = 0) -> dict:
    key = jax.random.key(seed)
    ks = jax.random.split(key, 40)
    def w(k, shape):
        return (jax.random.normal(k, shape, dtype=jnp.float32) * 0.05)
    inp = {}
    inp['h'] = jax.random.normal(ks[0], (N, D), dtype=jnp.float32)
    inp['edge_index'] = jax.random.randint(ks[1], (2, E), 0, N, dtype=jnp.int32)
    inp['radial'] = jax.random.uniform(ks[2], (E, 1), dtype=jnp.float32, minval=0.05, maxval=1.0)
    inp['coord_diff'] = jax.random.normal(ks[3], (E, 3), dtype=jnp.float32)
    inp['rbf'] = jax.random.normal(ks[4], (E, KS), dtype=jnp.float32)
    # edge_mlp: in = 2*D + 1 + H = 385
    inp['e_w1'] = w(ks[5], (2 * D + 1 + H, H)); inp['e_b1'] = w(ks[6], (H,))
    inp['e_w2'] = w(ks[7], (H, H)); inp['e_b2'] = w(ks[8], (H,))
    # node_mlp: in = H + D + H = 384
    inp['n_w1'] = w(ks[9], (H + D + H, H)); inp['n_b1'] = w(ks[10], (H,))
    inp['n_w2'] = w(ks[11], (H, D)); inp['n_b2'] = w(ks[12], (D,))
    # spatial_att_mlp
    inp['sp_w'] = w(ks[13], (H, NH)); inp['sp_b'] = w(ks[14], (NH,))
    # semantic_att_mlp
    inp['sa_w1'] = w(ks[15], (H, NH)); inp['sa_b1'] = w(ks[16], (NH,))
    inp['sa_w2'] = w(ks[17], (NH, 1)); inp['sa_b2'] = w(ks[18], (1,))
    # rbf_model
    inp['rbf_w'] = w(ks[19], (KS, H)); inp['rbf_b'] = w(ks[20], (H,))
    # filter_nn
    inp['f_w1'] = w(ks[21], (2 * H, 2 * H)); inp['f_b1'] = w(ks[22], (2 * H,))
    inp['f_w2'] = w(ks[23], (2 * H, H)); inp['f_b2'] = w(ks[24], (H,))
    # mu
    inp['mu_w1'] = w(ks[25], (NH, H)); inp['mu_b1'] = w(ks[26], (H,))
    inp['mu_w2'] = w(ks[27], (H, H)); inp['mu_b2'] = w(ks[28], (H,))
    return inp


def _forward(h, edge_index, radial, coord_diff, rbf,
             e_w1, e_b1, e_w2, e_b2,
             n_w1, n_b1, n_w2, n_b2,
             sp_w, sp_b,
             sa_w1, sa_b1, sa_w2, sa_b2,
             rbf_w, rbf_b,
             f_w1, f_b1, f_w2, f_b2,
             mu_w1, mu_b1, mu_w2, mu_b2):
    row = edge_index[0]
    col = edge_index[1]
    src = jnp.take(h, row, axis=0)
    tgt = jnp.take(h, col, axis=0)
    # edge_model
    rbf_e = rbf @ rbf_w + rbf_b
    st = jnp.concatenate([src, tgt], axis=1)
    Wf = celu(st @ f_w1 + f_b1)
    Wf = Wf @ f_w2 + f_b2
    eout = jnp.concatenate([src, tgt, radial, rbf_e * Wf], axis=1)
    ef = celu(eout @ e_w1 + e_b1)
    ef = celu(ef @ e_w2 + e_b2)
    # dist_x_semantic_attn
    euclid = 0.5 * (jnp.cos(jnp.sqrt(radial) * math.pi / 2.0 * CUT) + 1.0)
    sem = celu(ef @ sa_w1 + sa_b1)
    sem = sem @ sa_w2 + sa_b2
    ef = ef * (sem * euclid)
    # spatial_attention
    cd = coord_diff / jnp.linalg.norm(coord_diff, axis=1, keepdims=True) + EPS
    cd = jnp.repeat(cd[:, None, :], NH, axis=1)
    attn = (ef @ sp_w + sp_b)[:, :, None]
    attn = attn * cd
    all_aggs = jax.ops.segment_sum(attn, row, num_segments=N)
    norms = jnp.linalg.norm(all_aggs, axis=2)
    spat = celu(norms @ mu_w1 + mu_b1)
    spat = celu(spat @ mu_w2 + mu_b2)
    # node_model
    agg = jax.ops.segment_sum(ef, row, num_segments=N)
    nin = jnp.concatenate([h, agg, spat], axis=1)
    out = celu(nin @ n_w1 + n_b1)
    out = celu(out @ n_w2 + n_b2)
    return out


def reference(h, edge_index, radial, coord_diff, rbf,
              e_w1, e_b1, e_w2, e_b2,
              n_w1, n_b1, n_w2, n_b2,
              sp_w, sp_b,
              sa_w1, sa_b1, sa_w2, sa_b2,
              rbf_w, rbf_b,
              f_w1, f_b1, f_w2, f_b2,
              mu_w1, mu_b1, mu_w2, mu_b2):
    return _forward(h, edge_index, radial, coord_diff, rbf,
                    e_w1, e_b1, e_w2, e_b2,
                    n_w1, n_b1, n_w2, n_b2,
                    sp_w, sp_b,
                    sa_w1, sa_b1, sa_w2, sa_b2,
                    rbf_w, rbf_b,
                    f_w1, f_b1, f_w2, f_b2,
                    mu_w1, mu_b1, mu_w2, mu_b2)

if __name__ == "__main__":
    import jax
    _d = setup_inputs()
    print(jax.jit(kernel)(*tuple(_d.values())))

</pallas_src>

<mosaic_0001>
#map = affine_map<(d0, d1) -> (0)>
#map1 = affine_map<(d0, d1) -> (0, 0)>
module attributes {stable_mosaic.version = 14 : i64} {
  func.func @k(%arg0: i32, %arg1: i32, %arg2: memref<160000xi32, #tpu.memory_space<hbm>>, %arg3: memref<160000x128xf32, #tpu.memory_space<hbm>>, %arg4: memref<10112x128xf32, #tpu.memory_space<hbm>>, %arg5: memref<20224x128xf32, #tpu.memory_space<hbm>>, %arg6: memref<128xi32, #tpu.memory_space<vmem>>, %arg7: memref<128x128xf32, #tpu.memory_space<vmem>>, %arg8: memref<10112x128xf32, #tpu.memory_space<vmem_shared>>) attributes {dimension_semantics = [#tpu.dimension_semantics<core_parallel>, #tpu.dimension_semantics<subcore_parallel>], iteration_bounds = array<i64: 2, 16>, scalar_prefetch = 0 : i64, scratch_operands = 3 : i64, tpu.core_type = #tpu.core_type<sc_vector_subcore>, window_params = [{transform_indices = #map}, {transform_indices = #map1}, {transform_indices = #map1}, {transform_indices = #map1}]} {
    %mul3A = arith.constant 2 : i32
    %mul3A_0 = arith.muli %arg1, %mul3A : i32
    %add3A = arith.addi %mul3A_0, %arg0 : i32
    %mul3A_1 = arith.constant 632 : i32
    %mul3A_2 = arith.muli %arg1, %mul3A_1 : i32
    "tpu.region"() ({
      %run_scoped3A = tpu.sem_alloc : memref<!tpu.dma_semaphore, #tpu.memory_space<semaphore_mem>>
      %dma_start3A = arith.constant 0 : i32
      %dma_start3A_12 = tpu.memref_slice %arg8[%mul3A_2, %dma_start3A] : memref<10112x128xf32, #tpu.memory_space<vmem_shared>> -> memref<632x128xf32, #tpu.memory_space<vmem_shared>>
      %dma_start3A_13 = arith.constant 0 : i32
      %dma_start3A_14 = tpu.memref_slice %arg4[%mul3A_2, %dma_start3A_13] : memref<10112x128xf32, #tpu.memory_space<hbm>> -> memref<632x128xf32, #tpu.memory_space<hbm>>
      tpu.enqueue_dma source(%dma_start3A_14 : memref<632x128xf32, #tpu.memory_space<hbm>>) target(%dma_start3A_12 : memref<632x128xf32, #tpu.memory_space<vmem_shared>>) target_semaphore(%run_scoped3A : memref<!tpu.dma_semaphore, #tpu.memory_space<semaphore_mem>>)
      %dma_wait3A = arith.constant 0 : i32
      %dma_wait3A_15 = tpu.memref_slice %arg8[%mul3A_2, %dma_wait3A] : memref<10112x128xf32, #tpu.memory_space<vmem_shared>> -> memref<632x128xf32, #tpu.memory_space<vmem_shared>>
      %dma_wait3A_16 = arith.constant 0 : i32
      %dma_wait3A_17 = tpu.memref_slice %arg4[%mul3A_2, %dma_wait3A_16] : memref<10112x128xf32, #tpu.memory_space<hbm>> -> memref<632x128xf32, #tpu.memory_space<hbm>>
      tpu.wait_dma2 semaphore(%run_scoped3A : memref<!tpu.dma_semaphore, #tpu.memory_space<semaphore_mem>>) src(%dma_wait3A_17 : memref<632x128xf32, #tpu.memory_space<hbm>>) dst(%dma_wait3A_15 : memref<632x128xf32, #tpu.memory_space<vmem_shared>>)
      tpu.yield
    }) : () -> ()
    %barrier3A = arith.constant 0 : index
    tpu.barrier barrier_id(%barrier3A)
    %scan3A = arith.constant 0 : i32
    %scan3A_3 = arith.constant 0 : i32
    %scan3A_4 = arith.constant 40 : i32
    %scan3A_5 = arith.addi %scan3A_3, %scan3A_4 : i32
    %scan3A_6 = arith.constant 1 : i32
    scf.for %scan3A_12 = %scan3A_3 to %scan3A_5 step %scan3A_6  : i32 {
      %mul3A_13 = arith.constant 32 : i32
      %mul3A_14 = arith.muli %scan3A_12, %mul3A_13 : i32
      %add3A_15 = arith.addi %mul3A_14, %add3A : i32
      %lt3A = arith.constant 1250 : i32
      %lt3A_16 = arith.cmpi slt, %add3A_15, %lt3A : i32
      %convert_element_type3A = arith.extui %lt3A_16 : i1 to i32
      %cond3A = arith.constant 0 : i32
      %cond3A_17 = arith.cmpi ne, %convert_element_type3A, %cond3A : i32
      scf.if %cond3A_17 {
        %mul3A_18 = arith.constant 128 : i32
        %mul3A_19 = arith.muli %add3A_15, %mul3A_18 : i32
        "tpu.region"() ({
          %run_scoped3A = tpu.sem_alloc : memref<!tpu.dma_semaphore, #tpu.memory_space<semaphore_mem>>
          %dma_start3A = tpu.memref_slice %arg2[%mul3A_19] : memref<160000xi32, #tpu.memory_space<hbm>> -> memref<128xi32, #tpu.memory_space<hbm>>
          %dma_start3A_20 = tpu.memref_slice %arg2[%mul3A_19] : memref<160000xi32, #tpu.memory_space<hbm>> -> memref<128xi32, #tpu.memory_space<hbm>>
          tpu.enqueue_dma source(%dma_start3A_20 : memref<128xi32, #tpu.memory_space<hbm>>) target(%arg6 : memref<128xi32, #tpu.memory_space<vmem>>) target_semaphore(%run_scoped3A : memref<!tpu.dma_semaphore, #tpu.memory_space<semaphore_mem>>)
          %dma_wait3A = tpu.memref_slice %arg2[%mul3A_19] : memref<160000xi32, #tpu.memory_space<hbm>> -> memref<128xi32, #tpu.memory_space<hbm>>
          %dma_wait3A_21 = tpu.memref_slice %arg2[%mul3A_19] : memref<160000xi32, #tpu.memory_space<hbm>> -> memref<128xi32, #tpu.memory_space<hbm>>
          tpu.wait_dma2 semaphore(%run_scoped3A : memref<!tpu.dma_semaphore, #tpu.memory_space<semaphore_mem>>) src(%dma_wait3A_21 : memref<128xi32, #tpu.memory_space<hbm>>) dst(%arg6 : memref<128xi32, #tpu.memory_space<vmem>>)
          tpu.yield
        }) : () -> ()
        "tpu.region"() ({
          %run_scoped3A = tpu.sem_alloc : memref<!tpu.dma_semaphore, #tpu.memory_space<semaphore_mem>>
          %dma_start3A = arith.constant 0 : i32
          %dma_start3A_20 = tpu.memref_slice %arg3[%mul3A_19, %dma_start3A] : memref<160000x128xf32, #tpu.memory_space<hbm>> -> memref<128x128xf32, #tpu.memory_space<hbm>>
          %dma_start3A_21 = arith.constant 0 : i32
          %dma_start3A_22 = tpu.memref_slice %arg3[%mul3A_19, %dma_start3A_21] : memref<160000x128xf32, #tpu.memory_space<hbm>> -> memref<128x128xf32, #tpu.memory_space<hbm>>
          tpu.enqueue_dma source(%dma_start3A_22 : memref<128x128xf32, #tpu.memory_space<hbm>>) target(%arg7 : memref<128x128xf32, #tpu.memory_space<vmem>>) target_semaphore(%run_scoped3A : memref<!tpu.dma_semaphore, #tpu.memory_space<semaphore_mem>>)
          %dma_wait3A = arith.constant 0 : i32
          %dma_wait3A_23 = tpu.memref_slice %arg3[%mul3A_19, %dma_wait3A] : memref<160000x128xf32, #tpu.memory_space<hbm>> -> memref<128x128xf32, #tpu.memory_space<hbm>>
          %dma_wait3A_24 = arith.constant 0 : i32
          %dma_wait3A_25 = tpu.memref_slice %arg3[%mul3A_19, %dma_wait3A_24] : memref<160000x128xf32, #tpu.memory_space<hbm>> -> memref<128x128xf32, #tpu.memory_space<hbm>>
          tpu.wait_dma2 semaphore(%run_scoped3A : memref<!tpu.dma_semaphore, #tpu.memory_space<semaphore_mem>>) src(%dma_wait3A_25 : memref<128x128xf32, #tpu.memory_space<hbm>>) dst(%arg7 : memref<128x128xf32, #tpu.memory_space<vmem>>)
          tpu.yield
        }) : () -> ()
        "tpu.region"() ({
          %run_scoped3A = tpu.sem_alloc : memref<!tpu.dma_semaphore, #tpu.memory_space<semaphore_mem>>
          %dma_start3A = arith.constant 0 : i32
          %dma_start3A_20 = arith.constant 0 : i32
          %dma_start3A_21 = tpu.memref_slice %arg8[%dma_start3A, %dma_start3A_20] : memref<10112x128xf32, #tpu.memory_space<vmem_shared>> -> memref<10112x128xf32, #tpu.memory_space<vmem_shared>>
          tpu.enqueue_indirect_dma source(%arg7 : memref<128x128xf32, #tpu.memory_space<vmem>>) target(%dma_start3A_21 : memref<10112x128xf32, #tpu.memory_space<vmem_shared>>) offsets(%arg6 : memref<128xi32, #tpu.memory_space<vmem>>) semaphore(%run_scoped3A : memref<!tpu.dma_semaphore, #tpu.memory_space<semaphore_mem>>) {add = true}
          %dma_wait3A = arith.constant 0 : i32
          %dma_wait3A_22 = arith.constant 0 : i32
          %dma_wait3A_23 = tpu.memref_slice %arg8[%dma_wait3A, %dma_wait3A_22] : memref<10112x128xf32, #tpu.memory_space<vmem_shared>> -> memref<10112x128xf32, #tpu.memory_space<vmem_shared>>
          tpu.wait_indirect_dma semaphore(%run_scoped3A : memref<!tpu.dma_semaphore, #tpu.memory_space<semaphore_mem>>) src(%arg7 : memref<128x128xf32, #tpu.memory_space<vmem>>) dst(%dma_wait3A_23 : memref<10112x128xf32, #tpu.memory_space<vmem_shared>>)
          tpu.yield
        }) : () -> ()
      } else {
      }
    }
    %scan3A_7 = arith.constant 40 : i32
    %barrier3A_8 = arith.constant 0 : index
    tpu.barrier barrier_id(%barrier3A_8)
    %mul3A_9 = arith.constant 10112 : i32
    %mul3A_10 = arith.muli %arg0, %mul3A_9 : i32
    %add3A_11 = arith.addi %mul3A_10, %mul3A_2 : i32
    "tpu.region"() ({
      %run_scoped3A = tpu.sem_alloc : memref<!tpu.dma_semaphore, #tpu.memory_space<semaphore_mem>>
      %dma_start3A = arith.constant 0 : i32
      %dma_start3A_12 = tpu.memref_slice %arg5[%add3A_11, %dma_start3A] : memref<20224x128xf32, #tpu.memory_space<hbm>> -> memref<632x128xf32, #tpu.memory_space<hbm>>
      %dma_start3A_13 = arith.constant 0 : i32
      %dma_start3A_14 = tpu.memref_slice %arg8[%mul3A_2, %dma_start3A_13] : memref<10112x128xf32, #tpu.memory_space<vmem_shared>> -> memref<632x128xf32, #tpu.memory_space<vmem_shared>>
      tpu.enqueue_dma source(%dma_start3A_14 : memref<632x128xf32, #tpu.memory_space<vmem_shared>>) target(%dma_start3A_12 : memref<632x128xf32, #tpu.memory_space<hbm>>) target_semaphore(%run_scoped3A : memref<!tpu.dma_semaphore, #tpu.memory_space<semaphore_mem>>)
      %dma_wait3A = arith.constant 0 : i32
      %dma_wait3A_15 = tpu.memref_slice %arg5[%add3A_11, %dma_wait3A] : memref<20224x128xf32, #tpu.memory_space<hbm>> -> memref<632x128xf32, #tpu.memory_space<hbm>>
      %dma_wait3A_16 = arith.constant 0 : i32
      %dma_wait3A_17 = tpu.memref_slice %arg8[%mul3A_2, %dma_wait3A_16] : memref<10112x128xf32, #tpu.memory_space<vmem_shared>> -> memref<632x128xf32, #tpu.memory_space<vmem_shared>>
      tpu.wait_dma2 semaphore(%run_scoped3A : memref<!tpu.dma_semaphore, #tpu.memory_space<semaphore_mem>>) src(%dma_wait3A_17 : memref<632x128xf32, #tpu.memory_space<vmem_shared>>) dst(%dma_wait3A_15 : memref<632x128xf32, #tpu.memory_space<hbm>>)
      tpu.yield
    }) : () -> ()
    return
  }
}

#map = affine_map<(d0, d1) -> (0)>
#map1 = affine_map<(d0, d1) -> (0, 0)>
module attributes {stable_mosaic.version = 14 : i64} {
  func.func @k(%arg0: i32, %arg1: i32, %arg2: memref<160000xi32, #tpu.memory_space<hbm>>, %arg3: memref<160000x128xf32, #tpu.memory_space<hbm>>, %arg4: memref<10112x128xf32, #tpu.memory_space<hbm>>, %arg5: memref<20224x128xf32, #tpu.memory_space<hbm>>, %arg6: memref<128xi32, #tpu.memory_space<vmem>>, %arg7: memref<128x128xf32, #tpu.memory_space<vmem>>, %arg8: memref<10112x128xf32, #tpu.memory_space<vmem_shared>>) attributes {dimension_semantics = [#tpu.dimension_semantics<core_parallel>, #tpu.dimension_semantics<subcore_parallel>], iteration_bounds = array<i64: 2, 16>, scalar_prefetch = 0 : i64, scratch_operands = 3 : i64, tpu.core_type = #tpu.core_type<sc_vector_subcore>, window_params = [{transform_indices = #map}, {transform_indices = #map1}, {transform_indices = #map1}, {transform_indices = #map1}]} {
    %mul3A = arith.constant 2 : i32
    %mul3A_0 = arith.muli %arg1, %mul3A : i32
    %add3A = arith.addi %mul3A_0, %arg0 : i32
    %mul3A_1 = arith.constant 632 : i32
    %mul3A_2 = arith.muli %arg1, %mul3A_1 : i32
    "tpu.region"() ({
      %run_scoped3A = tpu.sem_alloc : memref<!tpu.dma_semaphore, #tpu.memory_space<semaphore_mem>>
      %dma_start3A = arith.constant 0 : i32
      %dma_start3A_12 = tpu.memref_slice %arg8[%mul3A_2, %dma_start3A] : memref<10112x128xf32, #tpu.memory_space<vmem_shared>> -> memref<632x128xf32, #tpu.memory_space<vmem_shared>>
      %dma_start3A_13 = arith.constant 0 : i32
      %dma_start3A_14 = tpu.memref_slice %arg4[%mul3A_2, %dma_start3A_13] : memref<10112x128xf32, #tpu.memory_space<hbm>> -> memref<632x128xf32, #tpu.memory_space<hbm>>
      tpu.enqueue_dma source(%dma_start3A_14 : memref<632x128xf32, #tpu.memory_space<hbm>>) target(%dma_start3A_12 : memref<632x128xf32, #tpu.memory_space<vmem_shared>>) target_semaphore(%run_scoped3A : memref<!tpu.dma_semaphore, #tpu.memory_space<semaphore_mem>>)
      %dma_wait3A = arith.constant 0 : i32
      %dma_wait3A_15 = tpu.memref_slice %arg8[%mul3A_2, %dma_wait3A] : memref<10112x128xf32, #tpu.memory_space<vmem_shared>> -> memref<632x128xf32, #tpu.memory_space<vmem_shared>>
      %dma_wait3A_16 = arith.constant 0 : i32
      %dma_wait3A_17 = tpu.memref_slice %arg4[%mul3A_2, %dma_wait3A_16] : memref<10112x128xf32, #tpu.memory_space<hbm>> -> memref<632x128xf32, #tpu.memory_space<hbm>>
      tpu.wait_dma2 semaphore(%run_scoped3A : memref<!tpu.dma_semaphore, #tpu.memory_space<semaphore_mem>>) src(%dma_wait3A_17 : memref<632x128xf32, #tpu.memory_space<hbm>>) dst(%dma_wait3A_15 : memref<632x128xf32, #tpu.memory_space<vmem_shared>>)
      tpu.yield
    }) : () -> ()
    %barrier3A = arith.constant 0 : index
    tpu.barrier barrier_id(%barrier3A)
    %scan3A = arith.constant 0 : i32
    %scan3A_3 = arith.constant 0 : i32
    %scan3A_4 = arith.constant 40 : i32
    %scan3A_5 = arith.addi %scan3A_3, %scan3A_4 : i32
    %scan3A_6 = arith.constant 1 : i32
    scf.for %scan3A_12 = %scan3A_3 to %scan3A_5 step %scan3A_6  : i32 {
      %mul3A_13 = arith.constant 32 : i32
      %mul3A_14 = arith.muli %scan3A_12, %mul3A_13 : i32
      %add3A_15 = arith.addi %mul3A_14, %add3A : i32
      %lt3A = arith.constant 1250 : i32
      %lt3A_16 = arith.cmpi slt, %add3A_15, %lt3A : i32
      %convert_element_type3A = arith.extui %lt3A_16 : i1 to i32
      %cond3A = arith.constant 0 : i32
      %cond3A_17 = arith.cmpi ne, %convert_element_type3A, %cond3A : i32
      scf.if %cond3A_17 {
        %mul3A_18 = arith.constant 128 : i32
        %mul3A_19 = arith.muli %add3A_15, %mul3A_18 : i32
        "tpu.region"() ({
          %run_scoped3A = tpu.sem_alloc : memref<!tpu.dma_semaphore, #tpu.memory_space<semaphore_mem>>
          %dma_start3A = tpu.memref_slice %arg2[%mul3A_19] : memref<160000xi32, #tpu.memory_space<hbm>> -> memref<128xi32, #tpu.memory_space<hbm>>
          %dma_start3A_20 = tpu.memref_slice %arg2[%mul3A_19] : memref<160000xi32, #tpu.memory_space<hbm>> -> memref<128xi32, #tpu.memory_space<hbm>>
          tpu.enqueue_dma source(%dma_start3A_20 : memref<128xi32, #tpu.memory_space<hbm>>) target(%arg6 : memref<128xi32, #tpu.memory_space<vmem>>) target_semaphore(%run_scoped3A : memref<!tpu.dma_semaphore, #tpu.memory_space<semaphore_mem>>)
          %dma_wait3A = tpu.memref_slice %arg2[%mul3A_19] : memref<160000xi32, #tpu.memory_space<hbm>> -> memref<128xi32, #tpu.memory_space<hbm>>
          %dma_wait3A_21 = tpu.memref_slice %arg2[%mul3A_19] : memref<160000xi32, #tpu.memory_space<hbm>> -> memref<128xi32, #tpu.memory_space<hbm>>
          tpu.wait_dma2 semaphore(%run_scoped3A : memref<!tpu.dma_semaphore, #tpu.memory_space<semaphore_mem>>) src(%dma_wait3A_21 : memref<128xi32, #tpu.memory_space<hbm>>) dst(%arg6 : memref<128xi32, #tpu.memory_space<vmem>>)
          tpu.yield
        }) : () -> ()
        "tpu.region"() ({
          %run_scoped3A = tpu.sem_alloc : memref<!tpu.dma_semaphore, #tpu.memory_space<semaphore_mem>>
          %dma_start3A = arith.constant 0 : i32
          %dma_start3A_20 = tpu.memref_slice %arg3[%mul3A_19, %dma_start3A] : memref<160000x128xf32, #tpu.memory_space<hbm>> -> memref<128x128xf32, #tpu.memory_space<hbm>>
          %dma_start3A_21 = arith.constant 0 : i32
          %dma_start3A_22 = tpu.memref_slice %arg3[%mul3A_19, %dma_start3A_21] : memref<160000x128xf32, #tpu.memory_space<hbm>> -> memref<128x128xf32, #tpu.memory_space<hbm>>
          tpu.enqueue_dma source(%dma_start3A_22 : memref<128x128xf32, #tpu.memory_space<hbm>>) target(%arg7 : memref<128x128xf32, #tpu.memory_space<vmem>>) target_semaphore(%run_scoped3A : memref<!tpu.dma_semaphore, #tpu.memory_space<semaphore_mem>>)
          %dma_wait3A = arith.constant 0 : i32
          %dma_wait3A_23 = tpu.memref_slice %arg3[%mul3A_19, %dma_wait3A] : memref<160000x128xf32, #tpu.memory_space<hbm>> -> memref<128x128xf32, #tpu.memory_space<hbm>>
          %dma_wait3A_24 = arith.constant 0 : i32
          %dma_wait3A_25 = tpu.memref_slice %arg3[%mul3A_19, %dma_wait3A_24] : memref<160000x128xf32, #tpu.memory_space<hbm>> -> memref<128x128xf32, #tpu.memory_space<hbm>>
          tpu.wait_dma2 semaphore(%run_scoped3A : memref<!tpu.dma_semaphore, #tpu.memory_space<semaphore_mem>>) src(%dma_wait3A_25 : memref<128x128xf32, #tpu.memory_space<hbm>>) dst(%arg7 : memref<128x128xf32, #tpu.memory_space<vmem>>)
          tpu.yield
        }) : () -> ()
        "tpu.region"() ({
          %run_scoped3A = tpu.sem_alloc : memref<!tpu.dma_semaphore, #tpu.memory_space<semaphore_mem>>
          %dma_start3A = arith.constant 0 : i32
          %dma_start3A_20 = arith.constant 0 : i32
          %dma_start3A_21 = tpu.memref_slice %arg8[%dma_start3A, %dma_start3A_20] : memref<10112x128xf32, #tpu.memory_space<vmem_shared>> -> memref<10112x128xf32, #tpu.memory_space<vmem_shared>>
          tpu.enqueue_indirect_dma source(%arg7 : memref<128x128xf32, #tpu.memory_space<vmem>>) target(%dma_start3A_21 : memref<10112x128xf32, #tpu.memory_space<vmem_shared>>) offsets(%arg6 : memref<128xi32, #tpu.memory_space<vmem>>) semaphore(%run_scoped3A : memref<!tpu.dma_semaphore, #tpu.memory_space<semaphore_mem>>) {add = true}
          %dma_wait3A = arith.constant 0 : i32
          %dma_wait3A_22 = arith.constant 0 : i32
          %dma_wait3A_23 = tpu.memref_slice %arg8[%dma_wait3A, %dma_wait3A_22] : memref<10112x128xf32, #tpu.memory_space<vmem_shared>> -> memref<10112x128xf32, #tpu.memory_space<vmem_shared>>
          tpu.wait_indirect_dma semaphore(%run_scoped3A : memref<!tpu.dma_semaphore, #tpu.memory_space<semaphore_mem>>) src(%arg7 : memref<128x128xf32, #tpu.memory_space<vmem>>) dst(%dma_wait3A_23 : memref<10112x128xf32, #tpu.memory_space<vmem_shared>>)
          tpu.yield
        }) : () -> ()
      } else {
      }
    }
    %scan3A_7 = arith.constant 40 : i32
    %barrier3A_8 = arith.constant 0 : index
    tpu.barrier barrier_id(%barrier3A_8)
    %mul3A_9 = arith.constant 10112 : i32
    %mul3A_10 = arith.muli %arg0, %mul3A_9 : i32
    %add3A_11 = arith.addi %mul3A_10, %mul3A_2 : i32
    "tpu.region"() ({
      %run_scoped3A = tpu.sem_alloc : memref<!tpu.dma_semaphore, #tpu.memory_space<semaphore_mem>>
      %dma_start3A = arith.constant 0 : i32
      %dma_start3A_12 = tpu.memref_slice %arg5[%add3A_11, %dma_start3A] : memref<20224x128xf32, #tpu.memory_space<hbm>> -> memref<632x128xf32, #tpu.memory_space<hbm>>
      %dma_start3A_13 = arith.constant 0 : i32
      %dma_start3A_14 = tpu.memref_slice %arg8[%mul3A_2, %dma_start3A_13] : memref<10112x128xf32, #tpu.memory_space<vmem_shared>> -> memref<632x128xf32, #tpu.memory_space<vmem_shared>>
      tpu.enqueue_dma source(%dma_start3A_14 : memref<632x128xf32, #tpu.memory_space<vmem_shared>>) target(%dma_start3A_12 : memref<632x128xf32, #tpu.memory_space<hbm>>) target_semaphore(%run_scoped3A : memref<!tpu.dma_semaphore, #tpu.memory_space<semaphore_mem>>)
      %dma_wait3A = arith.constant 0 : i32
      %dma_wait3A_15 = tpu.memref_slice %arg5[%add3A_11, %dma_wait3A] : memref<20224x128xf32, #tpu.memory_space<hbm>> -> memref<632x128xf32, #tpu.memory_space<hbm>>
      %dma_wait3A_16 = arith.constant 0 : i32
      %dma_wait3A_17 = tpu.memref_slice %arg8[%mul3A_2, %dma_wait3A_16] : memref<10112x128xf32, #tpu.memory_space<vmem_shared>> -> memref<632x128xf32, #tpu.memory_space<vmem_shared>>
      tpu.wait_dma2 semaphore(%run_scoped3A : memref<!tpu.dma_semaphore, #tpu.memory_space<semaphore_mem>>) src(%dma_wait3A_17 : memref<632x128xf32, #tpu.memory_space<vmem_shared>>) dst(%dma_wait3A_15 : memref<632x128xf32, #tpu.memory_space<hbm>>)
      tpu.yield
    }) : () -> ()
    return
  }
}

#map = affine_map<(d0, d1) -> (0, 0)>
#map1 = affine_map<(d0, d1) -> (0)>
module attributes {stable_mosaic.version = 14 : i64} {
  func.func @k(%arg0: i32, %arg1: i32, %arg2: memref<10000x128xf32, #tpu.memory_space<hbm>>, %arg3: memref<160000xi32, #tpu.memory_space<hbm>>, %arg4: memref<160000xi32, #tpu.memory_space<hbm>>, %arg5: memref<160000x128xf32, #tpu.memory_space<hbm>>, %arg6: memref<160000x128xf32, #tpu.memory_space<hbm>>, %arg7: memref<128xi32, #tpu.memory_space<vmem>>, %arg8: memref<128xi32, #tpu.memory_space<vmem>>, %arg9: memref<128x128xf32, #tpu.memory_space<vmem>>, %arg10: memref<128x128xf32, #tpu.memory_space<vmem>>, %arg11: memref<!tpu.dma_semaphore, #tpu.memory_space<semaphore_mem>>, %arg12: memref<!tpu.dma_semaphore, #tpu.memory_space<semaphore_mem>>) attributes {dimension_semantics = [#tpu.dimension_semantics<core_parallel>, #tpu.dimension_semantics<subcore_parallel>], iteration_bounds = array<i64: 2, 16>, scalar_prefetch = 0 : i64, scratch_operands = 6 : i64, tpu.core_type = #tpu.core_type<sc_vector_subcore>, window_params = [{transform_indices = #map}, {transform_indices = #map1}, {transform_indices = #map1}, {transform_indices = #map}, {transform_indices = #map}]} {
    %mul3A = arith.constant 2 : i32
    %mul3A_0 = arith.muli %arg1, %mul3A : i32
    %add3A = arith.addi %mul3A_0, %arg0 : i32
    %scan3A = arith.constant 0 : i32
    %scan3A_1 = arith.constant 0 : i32
    %scan3A_2 = arith.constant 40 : i32
    %scan3A_3 = arith.addi %scan3A_1, %scan3A_2 : i32
    %scan3A_4 = arith.constant 1 : i32
    scf.for %scan3A_6 = %scan3A_1 to %scan3A_3 step %scan3A_4  : i32 {
      %mul3A_7 = arith.constant 32 : i32
      %mul3A_8 = arith.muli %scan3A_6, %mul3A_7 : i32
      %add3A_9 = arith.addi %mul3A_8, %add3A : i32
      %lt3A = arith.constant 1250 : i32
      %lt3A_10 = arith.cmpi slt, %add3A_9, %lt3A : i32
      %convert_element_type3A = arith.extui %lt3A_10 : i1 to i32
      %cond3A = arith.constant 0 : i32
      %cond3A_11 = arith.cmpi ne, %convert_element_type3A, %cond3A : i32
      scf.if %cond3A_11 {
        %mul3A_12 = arith.constant 128 : i32
        %mul3A_13 = arith.muli %add3A_9, %mul3A_12 : i32
        "tpu.region"() ({
          %run_scoped3A = tpu.sem_alloc : memref<!tpu.dma_semaphore, #tpu.memory_space<semaphore_mem>>
          %dma_start3A_24 = tpu.memref_slice %arg3[%mul3A_13] : memref<160000xi32, #tpu.memory_space<hbm>> -> memref<128xi32, #tpu.memory_space<hbm>>
          %dma_start3A_25 = tpu.memref_slice %arg3[%mul3A_13] : memref<160000xi32, #tpu.memory_space<hbm>> -> memref<128xi32, #tpu.memory_space<hbm>>
          tpu.enqueue_dma source(%dma_start3A_25 : memref<128xi32, #tpu.memory_space<hbm>>) target(%arg7 : memref<128xi32, #tpu.memory_space<vmem>>) target_semaphore(%run_scoped3A : memref<!tpu.dma_semaphore, #tpu.memory_space<semaphore_mem>>)
          %dma_wait3A_26 = tpu.memref_slice %arg3[%mul3A_13] : memref<160000xi32, #tpu.memory_space<hbm>> -> memref<128xi32, #tpu.memory_space<hbm>>
          %dma_wait3A_27 = tpu.memref_slice %arg3[%mul3A_13] : memref<160000xi32, #tpu.memory_space<hbm>> -> memref<128xi32, #tpu.memory_space<hbm>>
          tpu.wait_dma2 semaphore(%run_scoped3A : memref<!tpu.dma_semaphore, #tpu.memory_space<semaphore_mem>>) src(%dma_wait3A_27 : memref<128xi32, #tpu.memory_space<hbm>>) dst(%arg7 : memref<128xi32, #tpu.memory_space<vmem>>)
          tpu.yield
        }) : () -> ()
        "tpu.region"() ({
          %run_scoped3A = tpu.sem_alloc : memref<!tpu.dma_semaphore, #tpu.memory_space<semaphore_mem>>
          %dma_start3A_24 = tpu.memref_slice %arg4[%mul3A_13] : memref<160000xi32, #tpu.memory_space<hbm>> -> memref<128xi32, #tpu.memory_space<hbm>>
          %dma_start3A_25 = tpu.memref_slice %arg4[%mul3A_13] : memref<160000xi32, #tpu.memory_space<hbm>> -> memref<128xi32, #tpu.memory_space<hbm>>
          tpu.enqueue_dma source(%dma_start3A_25 : memref<128xi32, #tpu.memory_space<hbm>>) target(%arg8 : memref<128xi32, #tpu.memory_space<vmem>>) target_semaphore(%run_scoped3A : memref<!tpu.dma_semaphore, #tpu.memory_space<semaphore_mem>>)
          %dma_wait3A_26 = tpu.memref_slice %arg4[%mul3A_13] : memref<160000xi32, #tpu.memory_space<hbm>> -> memref<128xi32, #tpu.memory_space<hbm>>
          %dma_wait3A_27 = tpu.memref_slice %arg4[%mul3A_13] : memref<160000xi32, #tpu.memory_space<hbm>> -> memref<128xi32, #tpu.memory_space<hbm>>
          tpu.wait_dma2 semaphore(%run_scoped3A : memref<!tpu.dma_semaphore, #tpu.memory_space<semaphore_mem>>) src(%dma_wait3A_27 : memref<128xi32, #tpu.memory_space<hbm>>) dst(%arg8 : memref<128xi32, #tpu.memory_space<vmem>>)
          tpu.yield
        }) : () -> ()
        %dma_start3A = arith.constant 0 : i32
        %dma_start3A_14 = arith.constant 0 : i32
        %dma_start3A_15 = tpu.memref_slice %arg2[%dma_start3A, %dma_start3A_14] : memref<10000x128xf32, #tpu.memory_space<hbm>> -> memref<10000x128xf32, #tpu.memory_space<hbm>>
        tpu.enqueue_indirect_dma source(%dma_start3A_15 : memref<10000x128xf32, #tpu.memory_space<hbm>>) target(%arg9 : memref<128x128xf32, #tpu.memory_space<vmem>>) offsets(%arg7 : memref<128xi32, #tpu.memory_space<vmem>>) semaphore(%arg11 : memref<!tpu.dma_semaphore, #tpu.memory_space<semaphore_mem>>)
        %dma_start3A_16 = arith.constant 0 : i32
        %dma_start3A_17 = arith.constant 0 : i32
        %dma_start3A_18 = tpu.memref_slice %arg2[%dma_start3A_16, %dma_start3A_17] : memref<10000x128xf32, #tpu.memory_space<hbm>> -> memref<10000x128xf32, #tpu.memory_space<hbm>>
        tpu.enqueue_indirect_dma source(%dma_start3A_18 : memref<10000x128xf32, #tpu.memory_space<hbm>>) target(%arg10 : memref<128x128xf32, #tpu.memory_space<vmem>>) offsets(%arg8 : memref<128xi32, #tpu.memory_space<vmem>>) semaphore(%arg12 : memref<!tpu.dma_semaphore, #tpu.memory_space<semaphore_mem>>)
        %dma_wait3A = arith.constant 0 : i32
        %dma_wait3A_19 = arith.constant 0 : i32
        %dma_wait3A_20 = tpu.memref_slice %arg2[%dma_wait3A, %dma_wait3A_19] : memref<10000x128xf32, #tpu.memory_space<hbm>> -> memref<10000x128xf32, #tpu.memory_space<hbm>>
        tpu.wait_indirect_dma semaphore(%arg11 : memref<!tpu.dma_semaphore, #tpu.memory_space<semaphore_mem>>) src(%dma_wait3A_20 : memref<10000x128xf32, #tpu.memory_space<hbm>>) dst(%arg9 : memref<128x128xf32, #tpu.memory_space<vmem>>)
        %dma_wait3A_21 = arith.constant 0 : i32
        %dma_wait3A_22 = arith.constant 0 : i32
        %dma_wait3A_23 = tpu.memref_slice %arg2[%dma_wait3A_21, %dma_wait3A_22] : memref<10000x128xf32, #tpu.memory_space<hbm>> -> memref<10000x128xf32, #tpu.memory_space<hbm>>
        tpu.wait_indirect_dma semaphore(%arg12 : memref<!tpu.dma_semaphore, #tpu.memory_space<semaphore_mem>>) src(%dma_wait3A_23 : memref<10000x128xf32, #tpu.memory_space<hbm>>) dst(%arg10 : memref<128x128xf32, #tpu.memory_space<vmem>>)
        "tpu.region"() ({
          %run_scoped3A = tpu.sem_alloc : memref<!tpu.dma_semaphore, #tpu.memory_space<semaphore_mem>>
          %dma_start3A_24 = arith.constant 0 : i32
          %dma_start3A_25 = tpu.memref_slice %arg5[%mul3A_13, %dma_start3A_24] : memref<160000x128xf32, #tpu.memory_space<hbm>> -> memref<128x128xf32, #tpu.memory_space<hbm>>
          %dma_start3A_26 = arith.constant 0 : i32
          %dma_start3A_27 = tpu.memref_slice %arg5[%mul3A_13, %dma_start3A_26] : memref<160000x128xf32, #tpu.memory_space<hbm>> -> memref<128x128xf32, #tpu.memory_space<hbm>>
          tpu.enqueue_dma source(%arg9 : memref<128x128xf32, #tpu.memory_space<vmem>>) target(%dma_start3A_27 : memref<128x128xf32, #tpu.memory_space<hbm>>) target_semaphore(%run_scoped3A : memref<!tpu.dma_semaphore, #tpu.memory_space<semaphore_mem>>)
          %dma_wait3A_28 = arith.constant 0 : i32
          %dma_wait3A_29 = tpu.memref_slice %arg5[%mul3A_13, %dma_wait3A_28] : memref<160000x128xf32, #tpu.memory_space<hbm>> -> memref<128x128xf32, #tpu.memory_space<hbm>>
          %dma_wait3A_30 = arith.constant 0 : i32
          %dma_wait3A_31 = tpu.memref_slice %arg5[%mul3A_13, %dma_wait3A_30] : memref<160000x128xf32, #tpu.memory_space<hbm>> -> memref<128x128xf32, #tpu.memory_space<hbm>>
          tpu.wait_dma2 semaphore(%run_scoped3A : memref<!tpu.dma_semaphore, #tpu.memory_space<semaphore_mem>>) src(%arg9 : memref<128x128xf32, #tpu.memory_space<vmem>>) dst(%dma_wait3A_31 : memref<128x128xf32, #tpu.memory_space<hbm>>)
          tpu.yield
        }) : () -> ()
        "tpu.region"() ({
          %run_scoped3A = tpu.sem_alloc : memref<!tpu.dma_semaphore, #tpu.memory_space<semaphore_mem>>
          %dma_start3A_24 = arith.constant 0 : i32
          %dma_start3A_25 = tpu.memref_slice %arg6[%mul3A_13, %dma_start3A_24] : memref<160000x128xf32, #tpu.memory_space<hbm>> -> memref<128x128xf32, #tpu.memory_space<hbm>>
          %dma_start3A_26 = arith.constant 0 : i32
          %dma_start3A_27 = tpu.memref_slice %arg6[%mul3A_13, %dma_start3A_26] : memref<160000x128xf32, #tpu.memory_space<hbm>> -> memref<128x128xf32, #tpu.memory_space<hbm>>
          tpu.enqueue_dma source(%arg10 : memref<128x128xf32, #tpu.memory_space<vmem>>) target(%dma_start3A_27 : memref<128x128xf32, #tpu.memory_space<hbm>>) target_semaphore(%run_scoped3A : memref<!tpu.dma_semaphore, #tpu.memory_space<semaphore_mem>>)
          %dma_wait3A_28 = arith.constant 0 : i32
          %dma_wait3A_29 = tpu.memref_slice %arg6[%mul3A_13, %dma_wait3A_28] : memref<160000x128xf32, #tpu.memory_space<hbm>> -> memref<128x128xf32, #tpu.memory_space<hbm>>
          %dma_wait3A_30 = arith.constant 0 : i32
          %dma_wait3A_31 = tpu.memref_slice %arg6[%mul3A_13, %dma_wait3A_30] : memref<160000x128xf32, #tpu.memory_space<hbm>> -> memref<128x128xf32, #tpu.memory_space<hbm>>
          tpu.wait_dma2 semaphore(%run_scoped3A : memref<!tpu.dma_semaphore, #tpu.memory_space<semaphore_mem>>) src(%arg10 : memref<128x128xf32, #tpu.memory_space<vmem>>) dst(%dma_wait3A_31 : memref<128x128xf32, #tpu.memory_space<hbm>>)
          tpu.yield
        }) : () -> ()
      } else {
      }
    }
    %scan3A_5 = arith.constant 40 : i32
    return
  }
}

#map = affine_map<(d0, d1) -> (0, 0)>
#map1 = affine_map<(d0, d1) -> (0)>
module attributes {stable_mosaic.version = 14 : i64} {
  func.func @k(%arg0: i32, %arg1: i32, %arg2: memref<10000x128xf32, #tpu.memory_space<hbm>>, %arg3: memref<160000xi32, #tpu.memory_space<hbm>>, %arg4: memref<160000xi32, #tpu.memory_space<hbm>>, %arg5: memref<160000x128xf32, #tpu.memory_space<hbm>>, %arg6: memref<160000x128xf32, #tpu.memory_space<hbm>>, %arg7: memref<128xi32, #tpu.memory_space<vmem>>, %arg8: memref<128xi32, #tpu.memory_space<vmem>>, %arg9: memref<128x128xf32, #tpu.memory_space<vmem>>, %arg10: memref<128x128xf32, #tpu.memory_space<vmem>>, %arg11: memref<!tpu.dma_semaphore, #tpu.memory_space<semaphore_mem>>, %arg12: memref<!tpu.dma_semaphore, #tpu.memory_space<semaphore_mem>>) attributes {dimension_semantics = [#tpu.dimension_semantics<core_parallel>, #tpu.dimension_semantics<subcore_parallel>], iteration_bounds = array<i64: 2, 16>, scalar_prefetch = 0 : i64, scratch_operands = 6 : i64, tpu.core_type = #tpu.core_type<sc_vector_subcore>, window_params = [{transform_indices = #map}, {transform_indices = #map1}, {transform_indices = #map1}, {transform_indices = #map}, {transform_indices = #map}]} {
    %mul3A = arith.constant 2 : i32
    %mul3A_0 = arith.muli %arg1, %mul3A : i32
    %add3A = arith.addi %mul3A_0, %arg0 : i32
    %scan3A = arith.constant 0 : i32
    %scan3A_1 = arith.constant 0 : i32
    %scan3A_2 = arith.constant 40 : i32
    %scan3A_3 = arith.addi %scan3A_1, %scan3A_2 : i32
    %scan3A_4 = arith.constant 1 : i32
    scf.for %scan3A_6 = %scan3A_1 to %scan3A_3 step %scan3A_4  : i32 {
      %mul3A_7 = arith.constant 32 : i32
      %mul3A_8 = arith.muli %scan3A_6, %mul3A_7 : i32
      %add3A_9 = arith.addi %mul3A_8, %add3A : i32
      %lt3A = arith.constant 1250 : i32
      %lt3A_10 = arith.cmpi slt, %add3A_9, %lt3A : i32
      %convert_element_type3A = arith.extui %lt3A_10 : i1 to i32
      %cond3A = arith.constant 0 : i32
      %cond3A_11 = arith.cmpi ne, %convert_element_type3A, %cond3A : i32
      scf.if %cond3A_11 {
        %mul3A_12 = arith.constant 128 : i32
        %mul3A_13 = arith.muli %add3A_9, %mul3A_12 : i32
        "tpu.region"() ({
          %run_scoped3A = tpu.sem_alloc : memref<!tpu.dma_semaphore, #tpu.memory_space<semaphore_mem>>
          %dma_start3A_24 = tpu.memref_slice %arg3[%mul3A_13] : memref<160000xi32, #tpu.memory_space<hbm>> -> memref<128xi32, #tpu.memory_space<hbm>>
          %dma_start3A_25 = tpu.memref_slice %arg3[%mul3A_13] : memref<160000xi32, #tpu.memory_space<hbm>> -> memref<128xi32, #tpu.memory_space<hbm>>
          tpu.enqueue_dma source(%dma_start3A_25 : memref<128xi32, #tpu.memory_space<hbm>>) target(%arg7 : memref<128xi32, #tpu.memory_space<vmem>>) target_semaphore(%run_scoped3A : memref<!tpu.dma_semaphore, #tpu.memory_space<semaphore_mem>>)
          %dma_wait3A_26 = tpu.memref_slice %arg3[%mul3A_13] : memref<160000xi32, #tpu.memory_space<hbm>> -> memref<128xi32, #tpu.memory_space<hbm>>
          %dma_wait3A_27 = tpu.memref_slice %arg3[%mul3A_13] : memref<160000xi32, #tpu.memory_space<hbm>> -> memref<128xi32, #tpu.memory_space<hbm>>
          tpu.wait_dma2 semaphore(%run_scoped3A : memref<!tpu.dma_semaphore, #tpu.memory_space<semaphore_mem>>) src(%dma_wait3A_27 : memref<128xi32, #tpu.memory_space<hbm>>) dst(%arg7 : memref<128xi32, #tpu.memory_space<vmem>>)
          tpu.yield
        }) : () -> ()
        "tpu.region"() ({
          %run_scoped3A = tpu.sem_alloc : memref<!tpu.dma_semaphore, #tpu.memory_space<semaphore_mem>>
          %dma_start3A_24 = tpu.memref_slice %arg4[%mul3A_13] : memref<160000xi32, #tpu.memory_space<hbm>> -> memref<128xi32, #tpu.memory_space<hbm>>
          %dma_start3A_25 = tpu.memref_slice %arg4[%mul3A_13] : memref<160000xi32, #tpu.memory_space<hbm>> -> memref<128xi32, #tpu.memory_space<hbm>>
          tpu.enqueue_dma source(%dma_start3A_25 : memref<128xi32, #tpu.memory_space<hbm>>) target(%arg8 : memref<128xi32, #tpu.memory_space<vmem>>) target_semaphore(%run_scoped3A : memref<!tpu.dma_semaphore, #tpu.memory_space<semaphore_mem>>)
          %dma_wait3A_26 = tpu.memref_slice %arg4[%mul3A_13] : memref<160000xi32, #tpu.memory_space<hbm>> -> memref<128xi32, #tpu.memory_space<hbm>>
          %dma_wait3A_27 = tpu.memref_slice %arg4[%mul3A_13] : memref<160000xi32, #tpu.memory_space<hbm>> -> memref<128xi32, #tpu.memory_space<hbm>>
          tpu.wait_dma2 semaphore(%run_scoped3A : memref<!tpu.dma_semaphore, #tpu.memory_space<semaphore_mem>>) src(%dma_wait3A_27 : memref<128xi32, #tpu.memory_space<hbm>>) dst(%arg8 : memref<128xi32, #tpu.memory_space<vmem>>)
          tpu.yield
        }) : () -> ()
        %dma_start3A = arith.constant 0 : i32
        %dma_start3A_14 = arith.constant 0 : i32
        %dma_start3A_15 = tpu.memref_slice %arg2[%dma_start3A, %dma_start3A_14] : memref<10000x128xf32, #tpu.memory_space<hbm>> -> memref<10000x128xf32, #tpu.memory_space<hbm>>
        tpu.enqueue_indirect_dma source(%dma_start3A_15 : memref<10000x128xf32, #tpu.memory_space<hbm>>) target(%arg9 : memref<128x128xf32, #tpu.memory_space<vmem>>) offsets(%arg7 : memref<128xi32, #tpu.memory_space<vmem>>) semaphore(%arg11 : memref<!tpu.dma_semaphore, #tpu.memory_space<semaphore_mem>>)
        %dma_start3A_16 = arith.constant 0 : i32
        %dma_start3A_17 = arith.constant 0 : i32
        %dma_start3A_18 = tpu.memref_slice %arg2[%dma_start3A_16, %dma_start3A_17] : memref<10000x128xf32, #tpu.memory_space<hbm>> -> memref<10000x128xf32, #tpu.memory_space<hbm>>
        tpu.enqueue_indirect_dma source(%dma_start3A_18 : memref<10000x128xf32, #tpu.memory_space<hbm>>) target(%arg10 : memref<128x128xf32, #tpu.memory_space<vmem>>) offsets(%arg8 : memref<128xi32, #tpu.memory_space<vmem>>) semaphore(%arg12 : memref<!tpu.dma_semaphore, #tpu.memory_space<semaphore_mem>>)
        %dma_wait3A = arith.constant 0 : i32
        %dma_wait3A_19 = arith.constant 0 : i32
        %dma_wait3A_20 = tpu.memref_slice %arg2[%dma_wait3A, %dma_wait3A_19] : memref<10000x128xf32, #tpu.memory_space<hbm>> -> memref<10000x128xf32, #tpu.memory_space<hbm>>
        tpu.wait_indirect_dma semaphore(%arg11 : memref<!tpu.dma_semaphore, #tpu.memory_space<semaphore_mem>>) src(%dma_wait3A_20 : memref<10000x128xf32, #tpu.memory_space<hbm>>) dst(%arg9 : memref<128x128xf32, #tpu.memory_space<vmem>>)
        %dma_wait3A_21 = arith.constant 0 : i32
        %dma_wait3A_22 = arith.constant 0 : i32
        %dma_wait3A_23 = tpu.memref_slice %arg2[%dma_wait3A_21, %dma_wait3A_22] : memref<10000x128xf32, #tpu.memory_space<hbm>> -> memref<10000x128xf32, #tpu.memory_space<hbm>>
        tpu.wait_indirect_dma semaphore(%arg12 : memref<!tpu.dma_semaphore, #tpu.memory_space<semaphore_mem>>) src(%dma_wait3A_23 : memref<10000x128xf32, #tpu.memory_space<hbm>>) dst(%arg10 : memref<128x128xf32, #tpu.memory_space<vmem>>)
        "tpu.region"() ({
          %run_scoped3A = tpu.sem_alloc : memref<!tpu.dma_semaphore, #tpu.memory_space<semaphore_mem>>
          %dma_start3A_24 = arith.constant 0 : i32
          %dma_start3A_25 = tpu.memref_slice %arg5[%mul3A_13, %dma_start3A_24] : memref<160000x128xf32, #tpu.memory_space<hbm>> -> memref<128x128xf32, #tpu.memory_space<hbm>>
          %dma_start3A_26 = arith.constant 0 : i32
          %dma_start3A_27 = tpu.memref_slice %arg5[%mul3A_13, %dma_start3A_26] : memref<160000x128xf32, #tpu.memory_space<hbm>> -> memref<128x128xf32, #tpu.memory_space<hbm>>
          tpu.enqueue_dma source(%arg9 : memref<128x128xf32, #tpu.memory_space<vmem>>) target(%dma_start3A_27 : memref<128x128xf32, #tpu.memory_space<hbm>>) target_semaphore(%run_scoped3A : memref<!tpu.dma_semaphore, #tpu.memory_space<semaphore_mem>>)
          %dma_wait3A_28 = arith.constant 0 : i32
          %dma_wait3A_29 = tpu.memref_slice %arg5[%mul3A_13, %dma_wait3A_28] : memref<160000x128xf32, #tpu.memory_space<hbm>> -> memref<128x128xf32, #tpu.memory_space<hbm>>
          %dma_wait3A_30 = arith.constant 0 : i32
          %dma_wait3A_31 = tpu.memref_slice %arg5[%mul3A_13, %dma_wait3A_30] : memref<160000x128xf32, #tpu.memory_space<hbm>> -> memref<128x128xf32, #tpu.memory_space<hbm>>
          tpu.wait_dma2 semaphore(%run_scoped3A : memref<!tpu.dma_semaphore, #tpu.memory_space<semaphore_mem>>) src(%arg9 : memref<128x128xf32, #tpu.memory_space<vmem>>) dst(%dma_wait3A_31 : memref<128x128xf32, #tpu.memory_space<hbm>>)
          tpu.yield
        }) : () -> ()
        "tpu.region"() ({
          %run_scoped3A = tpu.sem_alloc : memref<!tpu.dma_semaphore, #tpu.memory_space<semaphore_mem>>
          %dma_start3A_24 = arith.constant 0 : i32
          %dma_start3A_25 = tpu.memref_slice %arg6[%mul3A_13, %dma_start3A_24] : memref<160000x128xf32, #tpu.memory_space<hbm>> -> memref<128x128xf32, #tpu.memory_space<hbm>>
          %dma_start3A_26 = arith.constant 0 : i32
          %dma_start3A_27 = tpu.memref_slice %arg6[%mul3A_13, %dma_start3A_26] : memref<160000x128xf32, #tpu.memory_space<hbm>> -> memref<128x128xf32, #tpu.memory_space<hbm>>
          tpu.enqueue_dma source(%arg10 : memref<128x128xf32, #tpu.memory_space<vmem>>) target(%dma_start3A_27 : memref<128x128xf32, #tpu.memory_space<hbm>>) target_semaphore(%run_scoped3A : memref<!tpu.dma_semaphore, #tpu.memory_space<semaphore_mem>>)
          %dma_wait3A_28 = arith.constant 0 : i32
          %dma_wait3A_29 = tpu.memref_slice %arg6[%mul3A_13, %dma_wait3A_28] : memref<160000x128xf32, #tpu.memory_space<hbm>> -> memref<128x128xf32, #tpu.memory_space<hbm>>
          %dma_wait3A_30 = arith.constant 0 : i32
          %dma_wait3A_31 = tpu.memref_slice %arg6[%mul3A_13, %dma_wait3A_30] : memref<160000x128xf32, #tpu.memory_space<hbm>> -> memref<128x128xf32, #tpu.memory_space<hbm>>
          tpu.wait_dma2 semaphore(%run_scoped3A : memref<!tpu.dma_semaphore, #tpu.memory_space<semaphore_mem>>) src(%arg10 : memref<128x128xf32, #tpu.memory_space<vmem>>) dst(%dma_wait3A_31 : memref<128x128xf32, #tpu.memory_space<hbm>>)
          tpu.yield
        }) : () -> ()
      } else {
      }
    }
    %scan3A_5 = arith.constant 40 : i32
    return
  }
}

#map = affine_map<(d0, d1) -> (0)>
#map1 = affine_map<(d0, d1) -> (0, 0)>
module attributes {stable_mosaic.version = 14 : i64} {
  func.func @k(%arg0: i32, %arg1: i32, %arg2: memref<160000xi32, #tpu.memory_space<hbm>>, %arg3: memref<160000x128xf32, #tpu.memory_space<hbm>>, %arg4: memref<10112x128xf32, #tpu.memory_space<hbm>>, %arg5: memref<20224x128xf32, #tpu.memory_space<hbm>>, %arg6: memref<128xi32, #tpu.memory_space<vmem>>, %arg7: memref<128x128xf32, #tpu.memory_space<vmem>>, %arg8: memref<10112x128xf32, #tpu.memory_space<vmem_shared>>) attributes {dimension_semantics = [#tpu.dimension_semantics<core_parallel>, #tpu.dimension_semantics<subcore_parallel>], iteration_bounds = array<i64: 2, 16>, scalar_prefetch = 0 : i64, scratch_operands = 3 : i64, tpu.core_type = #tpu.core_type<sc_vector_subcore>, window_params = [{transform_indices = #map}, {transform_indices = #map1}, {transform_indices = #map1}, {transform_indices = #map1}]} {
    %mul3A = arith.constant 2 : i32
    %mul3A_0 = arith.muli %arg1, %mul3A : i32
    %add3A = arith.addi %mul3A_0, %arg0 : i32
    %mul3A_1 = arith.constant 632 : i32
    %mul3A_2 = arith.muli %arg1, %mul3A_1 : i32
    "tpu.region"() ({
      %run_scoped3A = tpu.sem_alloc : memref<!tpu.dma_semaphore, #tpu.memory_space<semaphore_mem>>
      %dma_start3A = arith.constant 0 : i32
      %dma_start3A_12 = tpu.memref_slice %arg8[%mul3A_2, %dma_start3A] : memref<10112x128xf32, #tpu.memory_space<vmem_shared>> -> memref<632x128xf32, #tpu.memory_space<vmem_shared>>
      %dma_start3A_13 = arith.constant 0 : i32
      %dma_start3A_14 = tpu.memref_slice %arg4[%mul3A_2, %dma_start3A_13] : memref<10112x128xf32, #tpu.memory_space<hbm>> -> memref<632x128xf32, #tpu.memory_space<hbm>>
      tpu.enqueue_dma source(%dma_start3A_14 : memref<632x128xf32, #tpu.memory_space<hbm>>) target(%dma_start3A_12 : memref<632x128xf32, #tpu.memory_space<vmem_shared>>) target_semaphore(%run_scoped3A : memref<!tpu.dma_semaphore, #tpu.memory_space<semaphore_mem>>)
      %dma_wait3A = arith.constant 0 : i32
      %dma_wait3A_15 = tpu.memref_slice %arg8[%mul3A_2, %dma_wait3A] : memref<10112x128xf32, #tpu.memory_space<vmem_shared>> -> memref<632x128xf32, #tpu.memory_space<vmem_shared>>
      %dma_wait3A_16 = arith.constant 0 : i32
      %dma_wait3A_17 = tpu.memref_slice %arg4[%mul3A_2, %dma_wait3A_16] : memref<10112x128xf32, #tpu.memory_space<hbm>> -> memref<632x128xf32, #tpu.memory_space<hbm>>
      tpu.wait_dma2 semaphore(%run_scoped3A : memref<!tpu.dma_semaphore, #tpu.memory_space<semaphore_mem>>) src(%dma_wait3A_17 : memref<632x128xf32, #tpu.memory_space<hbm>>) dst(%dma_wait3A_15 : memref<632x128xf32, #tpu.memory_space<vmem_shared>>)
      tpu.yield
    }) : () -> ()
    %barrier3A = arith.constant 0 : index
    tpu.barrier barrier_id(%barrier3A)
    %scan3A = arith.constant 0 : i32
    %scan3A_3 = arith.constant 0 : i32
    %scan3A_4 = arith.constant 40 : i32
    %scan3A_5 = arith.addi %scan3A_3, %scan3A_4 : i32
    %scan3A_6 = arith.constant 1 : i32
    scf.for %scan3A_12 = %scan3A_3 to %scan3A_5 step %scan3A_6  : i32 {
      %mul3A_13 = arith.constant 32 : i32
      %mul3A_14 = arith.muli %scan3A_12, %mul3A_13 : i32
      %add3A_15 = arith.addi %mul3A_14, %add3A : i32
      %lt3A = arith.constant 1250 : i32
      %lt3A_16 = arith.cmpi slt, %add3A_15, %lt3A : i32
      %convert_element_type3A = arith.extui %lt3A_16 : i1 to i32
      %cond3A = arith.constant 0 : i32
      %cond3A_17 = arith.cmpi ne, %convert_element_type3A, %cond3A : i32
      scf.if %cond3A_17 {
        %mul3A_18 = arith.constant 128 : i32
        %mul3A_19 = arith.muli %add3A_15, %mul3A_18 : i32
        "tpu.region"() ({
          %run_scoped3A = tpu.sem_alloc : memref<!tpu.dma_semaphore, #tpu.memory_space<semaphore_mem>>
          %dma_start3A = tpu.memref_slice %arg2[%mul3A_19] : memref<160000xi32, #tpu.memory_space<hbm>> -> memref<128xi32, #tpu.memory_space<hbm>>
          %dma_start3A_20 = tpu.memref_slice %arg2[%mul3A_19] : memref<160000xi32, #tpu.memory_space<hbm>> -> memref<128xi32, #tpu.memory_space<hbm>>
          tpu.enqueue_dma source(%dma_start3A_20 : memref<128xi32, #tpu.memory_space<hbm>>) target(%arg6 : memref<128xi32, #tpu.memory_space<vmem>>) target_semaphore(%run_scoped3A : memref<!tpu.dma_semaphore, #tpu.memory_space<semaphore_mem>>)
          %dma_wait3A = tpu.memref_slice %arg2[%mul3A_19] : memref<160000xi32, #tpu.memory_space<hbm>> -> memref<128xi32, #tpu.memory_space<hbm>>
          %dma_wait3A_21 = tpu.memref_slice %arg2[%mul3A_19] : memref<160000xi32, #tpu.memory_space<hbm>> -> memref<128xi32, #tpu.memory_space<hbm>>
          tpu.wait_dma2 semaphore(%run_scoped3A : memref<!tpu.dma_semaphore, #tpu.memory_space<semaphore_mem>>) src(%dma_wait3A_21 : memref<128xi32, #tpu.memory_space<hbm>>) dst(%arg6 : memref<128xi32, #tpu.memory_space<vmem>>)
          tpu.yield
        }) : () -> ()
        "tpu.region"() ({
          %run_scoped3A = tpu.sem_alloc : memref<!tpu.dma_semaphore, #tpu.memory_space<semaphore_mem>>
          %dma_start3A = arith.constant 0 : i32
          %dma_start3A_20 = tpu.memref_slice %arg3[%mul3A_19, %dma_start3A] : memref<160000x128xf32, #tpu.memory_space<hbm>> -> memref<128x128xf32, #tpu.memory_space<hbm>>
          %dma_start3A_21 = arith.constant 0 : i32
          %dma_start3A_22 = tpu.memref_slice %arg3[%mul3A_19, %dma_start3A_21] : memref<160000x128xf32, #tpu.memory_space<hbm>> -> memref<128x128xf32, #tpu.memory_space<hbm>>
          tpu.enqueue_dma source(%dma_start3A_22 : memref<128x128xf32, #tpu.memory_space<hbm>>) target(%arg7 : memref<128x128xf32, #tpu.memory_space<vmem>>) target_semaphore(%run_scoped3A : memref<!tpu.dma_semaphore, #tpu.memory_space<semaphore_mem>>)
          %dma_wait3A = arith.constant 0 : i32
          %dma_wait3A_23 = tpu.memref_slice %arg3[%mul3A_19, %dma_wait3A] : memref<160000x128xf32, #tpu.memory_space<hbm>> -> memref<128x128xf32, #tpu.memory_space<hbm>>
          %dma_wait3A_24 = arith.constant 0 : i32
          %dma_wait3A_25 = tpu.memref_slice %arg3[%mul3A_19, %dma_wait3A_24] : memref<160000x128xf32, #tpu.memory_space<hbm>> -> memref<128x128xf32, #tpu.memory_space<hbm>>
          tpu.wait_dma2 semaphore(%run_scoped3A : memref<!tpu.dma_semaphore, #tpu.memory_space<semaphore_mem>>) src(%dma_wait3A_25 : memref<128x128xf32, #tpu.memory_space<hbm>>) dst(%arg7 : memref<128x128xf32, #tpu.memory_space<vmem>>)
          tpu.yield
        }) : () -> ()
        "tpu.region"() ({
          %run_scoped3A = tpu.sem_alloc : memref<!tpu.dma_semaphore, #tpu.memory_space<semaphore_mem>>
          %dma_start3A = arith.constant 0 : i32
          %dma_start3A_20 = arith.constant 0 : i32
          %dma_start3A_21 = tpu.memref_slice %arg8[%dma_start3A, %dma_start3A_20] : memref<10112x128xf32, #tpu.memory_space<vmem_shared>> -> memref<10112x128xf32, #tpu.memory_space<vmem_shared>>
          tpu.enqueue_indirect_dma source(%arg7 : memref<128x128xf32, #tpu.memory_space<vmem>>) target(%dma_start3A_21 : memref<10112x128xf32, #tpu.memory_space<vmem_shared>>) offsets(%arg6 : memref<128xi32, #tpu.memory_space<vmem>>) semaphore(%run_scoped3A : memref<!tpu.dma_semaphore, #tpu.memory_space<semaphore_mem>>) {add = true}
          %dma_wait3A = arith.constant 0 : i32
          %dma_wait3A_22 = arith.constant 0 : i32
          %dma_wait3A_23 = tpu.memref_slice %arg8[%dma_wait3A, %dma_wait3A_22] : memref<10112x128xf32, #tpu.memory_space<vmem_shared>> -> memref<10112x128xf32, #tpu.memory_space<vmem_shared>>
          tpu.wait_indirect_dma semaphore(%run_scoped3A : memref<!tpu.dma_semaphore, #tpu.memory_space<semaphore_mem>>) src(%arg7 : memref<128x128xf32, #tpu.memory_space<vmem>>) dst(%dma_wait3A_23 : memref<10112x128xf32, #tpu.memory_space<vmem_shared>>)
          tpu.yield
        }) : () -> ()
      } else {
      }
    }
    %scan3A_7 = arith.constant 40 : i32
    %barrier3A_8 = arith.constant 0 : index
    tpu.barrier barrier_id(%barrier3A_8)
    %mul3A_9 = arith.constant 10112 : i32
    %mul3A_10 = arith.muli %arg0, %mul3A_9 : i32
    %add3A_11 = arith.addi %mul3A_10, %mul3A_2 : i32
    "tpu.region"() ({
      %run_scoped3A = tpu.sem_alloc : memref<!tpu.dma_semaphore, #tpu.memory_space<semaphore_mem>>
      %dma_start3A = arith.constant 0 : i32
      %dma_start3A_12 = tpu.memref_slice %arg5[%add3A_11, %dma_start3A] : memref<20224x128xf32, #tpu.memory_space<hbm>> -> memref<632x128xf32, #tpu.memory_space<hbm>>
      %dma_start3A_13 = arith.constant 0 : i32
      %dma_start3A_14 = tpu.memref_slice %arg8[%mul3A_2, %dma_start3A_13] : memref<10112x128xf32, #tpu.memory_space<vmem_shared>> -> memref<632x128xf32, #tpu.memory_space<vmem_shared>>
      tpu.enqueue_dma source(%dma_start3A_14 : memref<632x128xf32, #tpu.memory_space<vmem_shared>>) target(%dma_start3A_12 : memref<632x128xf32, #tpu.memory_space<hbm>>) target_semaphore(%run_scoped3A : memref<!tpu.dma_semaphore, #tpu.memory_space<semaphore_mem>>)
      %dma_wait3A = arith.constant 0 : i32
      %dma_wait3A_15 = tpu.memref_slice %arg5[%add3A_11, %dma_wait3A] : memref<20224x128xf32, #tpu.memory_space<hbm>> -> memref<632x128xf32, #tpu.memory_space<hbm>>
      %dma_wait3A_16 = arith.constant 0 : i32
      %dma_wait3A_17 = tpu.memref_slice %arg8[%mul3A_2, %dma_wait3A_16] : memref<10112x128xf32, #tpu.memory_space<vmem_shared>> -> memref<632x128xf32, #tpu.memory_space<vmem_shared>>
      tpu.wait_dma2 semaphore(%run_scoped3A : memref<!tpu.dma_semaphore, #tpu.memory_space<semaphore_mem>>) src(%dma_wait3A_17 : memref<632x128xf32, #tpu.memory_space<vmem_shared>>) dst(%dma_wait3A_15 : memref<632x128xf32, #tpu.memory_space<hbm>>)
      tpu.yield
    }) : () -> ()
    return
  }
}

#map = affine_map<(d0, d1) -> (0)>
#map1 = affine_map<(d0, d1) -> (0, 0)>
module attributes {stable_mosaic.version = 14 : i64} {
  func.func @k(%arg0: i32, %arg1: i32, %arg2: memref<160000xi32, #tpu.memory_space<hbm>>, %arg3: memref<160000x128xf32, #tpu.memory_space<hbm>>, %arg4: memref<10112x128xf32, #tpu.memory_space<hbm>>, %arg5: memref<20224x128xf32, #tpu.memory_space<hbm>>, %arg6: memref<128xi32, #tpu.memory_space<vmem>>, %arg7: memref<128x128xf32, #tpu.memory_space<vmem>>, %arg8: memref<10112x128xf32, #tpu.memory_space<vmem_shared>>) attributes {dimension_semantics = [#tpu.dimension_semantics<core_parallel>, #tpu.dimension_semantics<subcore_parallel>], iteration_bounds = array<i64: 2, 16>, scalar_prefetch = 0 : i64, scratch_operands = 3 : i64, tpu.core_type = #tpu.core_type<sc_vector_subcore>, window_params = [{transform_indices = #map}, {transform_indices = #map1}, {transform_indices = #map1}, {transform_indices = #map1}]} {
    %mul3A = arith.constant 2 : i32
    %mul3A_0 = arith.muli %arg1, %mul3A : i32
    %add3A = arith.addi %mul3A_0, %arg0 : i32
    %mul3A_1 = arith.constant 632 : i32
    %mul3A_2 = arith.muli %arg1, %mul3A_1 : i32
    "tpu.region"() ({
      %run_scoped3A = tpu.sem_alloc : memref<!tpu.dma_semaphore, #tpu.memory_space<semaphore_mem>>
      %dma_start3A = arith.constant 0 : i32
      %dma_start3A_12 = tpu.memref_slice %arg8[%mul3A_2, %dma_start3A] : memref<10112x128xf32, #tpu.memory_space<vmem_shared>> -> memref<632x128xf32, #tpu.memory_space<vmem_shared>>
      %dma_start3A_13 = arith.constant 0 : i32
      %dma_start3A_14 = tpu.memref_slice %arg4[%mul3A_2, %dma_start3A_13] : memref<10112x128xf32, #tpu.memory_space<hbm>> -> memref<632x128xf32, #tpu.memory_space<hbm>>
      tpu.enqueue_dma source(%dma_start3A_14 : memref<632x128xf32, #tpu.memory_space<hbm>>) target(%dma_start3A_12 : memref<632x128xf32, #tpu.memory_space<vmem_shared>>) target_semaphore(%run_scoped3A : memref<!tpu.dma_semaphore, #tpu.memory_space<semaphore_mem>>)
      %dma_wait3A = arith.constant 0 : i32
      %dma_wait3A_15 = tpu.memref_slice %arg8[%mul3A_2, %dma_wait3A] : memref<10112x128xf32, #tpu.memory_space<vmem_shared>> -> memref<632x128xf32, #tpu.memory_space<vmem_shared>>
      %dma_wait3A_16 = arith.constant 0 : i32
      %dma_wait3A_17 = tpu.memref_slice %arg4[%mul3A_2, %dma_wait3A_16] : memref<10112x128xf32, #tpu.memory_space<hbm>> -> memref<632x128xf32, #tpu.memory_space<hbm>>
      tpu.wait_dma2 semaphore(%run_scoped3A : memref<!tpu.dma_semaphore, #tpu.memory_space<semaphore_mem>>) src(%dma_wait3A_17 : memref<632x128xf32, #tpu.memory_space<hbm>>) dst(%dma_wait3A_15 : memref<632x128xf32, #tpu.memory_space<vmem_shared>>)
      tpu.yield
    }) : () -> ()
    %barrier3A = arith.constant 0 : index
    tpu.barrier barrier_id(%barrier3A)
    %scan3A = arith.constant 0 : i32
    %scan3A_3 = arith.constant 0 : i32
    %scan3A_4 = arith.constant 40 : i32
    %scan3A_5 = arith.addi %scan3A_3, %scan3A_4 : i32
    %scan3A_6 = arith.constant 1 : i32
    scf.for %scan3A_12 = %scan3A_3 to %scan3A_5 step %scan3A_6  : i32 {
      %mul3A_13 = arith.constant 32 : i32
      %mul3A_14 = arith.muli %scan3A_12, %mul3A_13 : i32
      %add3A_15 = arith.addi %mul3A_14, %add3A : i32
      %lt3A = arith.constant 1250 : i32
      %lt3A_16 = arith.cmpi slt, %add3A_15, %lt3A : i32
      %convert_element_type3A = arith.extui %lt3A_16 : i1 to i32
      %cond3A = arith.constant 0 : i32
      %cond3A_17 = arith.cmpi ne, %convert_element_type3A, %cond3A : i32
      scf.if %cond3A_17 {
        %mul3A_18 = arith.constant 128 : i32
        %mul3A_19 = arith.muli %add3A_15, %mul3A_18 : i32
        "tpu.region"() ({
          %run_scoped3A = tpu.sem_alloc : memref<!tpu.dma_semaphore, #tpu.memory_space<semaphore_mem>>
          %dma_start3A = tpu.memref_slice %arg2[%mul3A_19] : memref<160000xi32, #tpu.memory_space<hbm>> -> memref<128xi32, #tpu.memory_space<hbm>>
          %dma_start3A_20 = tpu.memref_slice %arg2[%mul3A_19] : memref<160000xi32, #tpu.memory_space<hbm>> -> memref<128xi32, #tpu.memory_space<hbm>>
          tpu.enqueue_dma source(%dma_start3A_20 : memref<128xi32, #tpu.memory_space<hbm>>) target(%arg6 : memref<128xi32, #tpu.memory_space<vmem>>) target_semaphore(%run_scoped3A : memref<!tpu.dma_semaphore, #tpu.memory_space<semaphore_mem>>)
          %dma_wait3A = tpu.memref_slice %arg2[%mul3A_19] : memref<160000xi32, #tpu.memory_space<hbm>> -> memref<128xi32, #tpu.memory_space<hbm>>
          %dma_wait3A_21 = tpu.memref_slice %arg2[%mul3A_19] : memref<160000xi32, #tpu.memory_space<hbm>> -> memref<128xi32, #tpu.memory_space<hbm>>
          tpu.wait_dma2 semaphore(%run_scoped3A : memref<!tpu.dma_semaphore, #tpu.memory_space<semaphore_mem>>) src(%dma_wait3A_21 : memref<128xi32, #tpu.memory_space<hbm>>) dst(%arg6 : memref<128xi32, #tpu.memory_space<vmem>>)
          tpu.yield
        }) : () -> ()
        "tpu.region"() ({
          %run_scoped3A = tpu.sem_alloc : memref<!tpu.dma_semaphore, #tpu.memory_space<semaphore_mem>>
          %dma_start3A = arith.constant 0 : i32
          %dma_start3A_20 = tpu.memref_slice %arg3[%mul3A_19, %dma_start3A] : memref<160000x128xf32, #tpu.memory_space<hbm>> -> memref<128x128xf32, #tpu.memory_space<hbm>>
          %dma_start3A_21 = arith.constant 0 : i32
          %dma_start3A_22 = tpu.memref_slice %arg3[%mul3A_19, %dma_start3A_21] : memref<160000x128xf32, #tpu.memory_space<hbm>> -> memref<128x128xf32, #tpu.memory_space<hbm>>
          tpu.enqueue_dma source(%dma_start3A_22 : memref<128x128xf32, #tpu.memory_space<hbm>>) target(%arg7 : memref<128x128xf32, #tpu.memory_space<vmem>>) target_semaphore(%run_scoped3A : memref<!tpu.dma_semaphore, #tpu.memory_space<semaphore_mem>>)
          %dma_wait3A = arith.constant 0 : i32
          %dma_wait3A_23 = tpu.memref_slice %arg3[%mul3A_19, %dma_wait3A] : memref<160000x128xf32, #tpu.memory_space<hbm>> -> memref<128x128xf32, #tpu.memory_space<hbm>>
          %dma_wait3A_24 = arith.constant 0 : i32
          %dma_wait3A_25 = tpu.memref_slice %arg3[%mul3A_19, %dma_wait3A_24] : memref<160000x128xf32, #tpu.memory_space<hbm>> -> memref<128x128xf32, #tpu.memory_space<hbm>>
          tpu.wait_dma2 semaphore(%run_scoped3A : memref<!tpu.dma_semaphore, #tpu.memory_space<semaphore_mem>>) src(%dma_wait3A_25 : memref<128x128xf32, #tpu.memory_space<hbm>>) dst(%arg7 : memref<128x128xf32, #tpu.memory_space<vmem>>)
          tpu.yield
        }) : () -> ()
        "tpu.region"() ({
          %run_scoped3A = tpu.sem_alloc : memref<!tpu.dma_semaphore, #tpu.memory_space<semaphore_mem>>
          %dma_start3A = arith.constant 0 : i32
          %dma_start3A_20 = arith.constant 0 : i32
          %dma_start3A_21 = tpu.memref_slice %arg8[%dma_start3A, %dma_start3A_20] : memref<10112x128xf32, #tpu.memory_space<vmem_shared>> -> memref<10112x128xf32, #tpu.memory_space<vmem_shared>>
          tpu.enqueue_indirect_dma source(%arg7 : memref<128x128xf32, #tpu.memory_space<vmem>>) target(%dma_start3A_21 : memref<10112x128xf32, #tpu.memory_space<vmem_shared>>) offsets(%arg6 : memref<128xi32, #tpu.memory_space<vmem>>) semaphore(%run_scoped3A : memref<!tpu.dma_semaphore, #tpu.memory_space<semaphore_mem>>) {add = true}
          %dma_wait3A = arith.constant 0 : i32
          %dma_wait3A_22 = arith.constant 0 : i32
          %dma_wait3A_23 = tpu.memref_slice %arg8[%dma_wait3A, %dma_wait3A_22] : memref<10112x128xf32, #tpu.memory_space<vmem_shared>> -> memref<10112x128xf32, #tpu.memory_space<vmem_shared>>
          tpu.wait_indirect_dma semaphore(%run_scoped3A : memref<!tpu.dma_semaphore, #tpu.memory_space<semaphore_mem>>) src(%arg7 : memref<128x128xf32, #tpu.memory_space<vmem>>) dst(%dma_wait3A_23 : memref<10112x128xf32, #tpu.memory_space<vmem_shared>>)
          tpu.yield
        }) : () -> ()
      } else {
      }
    }
    %scan3A_7 = arith.constant 40 : i32
    %barrier3A_8 = arith.constant 0 : index
    tpu.barrier barrier_id(%barrier3A_8)
    %mul3A_9 = arith.constant 10112 : i32
    %mul3A_10 = arith.muli %arg0, %mul3A_9 : i32
    %add3A_11 = arith.addi %mul3A_10, %mul3A_2 : i32
    "tpu.region"() ({
      %run_scoped3A = tpu.sem_alloc : memref<!tpu.dma_semaphore, #tpu.memory_space<semaphore_mem>>
      %dma_start3A = arith.constant 0 : i32
      %dma_start3A_12 = tpu.memref_slice %arg5[%add3A_11, %dma_start3A] : memref<20224x128xf32, #tpu.memory_space<hbm>> -> memref<632x128xf32, #tpu.memory_space<hbm>>
      %dma_start3A_13 = arith.constant 0 : i32
      %dma_start3A_14 = tpu.memref_slice %arg8[%mul3A_2, %dma_start3A_13] : memref<10112x128xf32, #tpu.memory_space<vmem_shared>> -> memref<632x128xf32, #tpu.memory_space<vmem_shared>>
      tpu.enqueue_dma source(%dma_start3A_14 : memref<632x128xf32, #tpu.memory_space<vmem_shared>>) target(%dma_start3A_12 : memref<632x128xf32, #tpu.memory_space<hbm>>) target_semaphore(%run_scoped3A : memref<!tpu.dma_semaphore, #tpu.memory_space<semaphore_mem>>)
      %dma_wait3A = arith.constant 0 : i32
      %dma_wait3A_15 = tpu.memref_slice %arg5[%add3A_11, %dma_wait3A] : memref<20224x128xf32, #tpu.memory_space<hbm>> -> memref<632x128xf32, #tpu.memory_space<hbm>>
      %dma_wait3A_16 = arith.constant 0 : i32
      %dma_wait3A_17 = tpu.memref_slice %arg8[%mul3A_2, %dma_wait3A_16] : memref<10112x128xf32, #tpu.memory_space<vmem_shared>> -> memref<632x128xf32, #tpu.memory_space<vmem_shared>>
      tpu.wait_dma2 semaphore(%run_scoped3A : memref<!tpu.dma_semaphore, #tpu.memory_space<semaphore_mem>>) src(%dma_wait3A_17 : memref<632x128xf32, #tpu.memory_space<vmem_shared>>) dst(%dma_wait3A_15 : memref<632x128xf32, #tpu.memory_space<hbm>>)
      tpu.yield
    }) : () -> ()
    return
  }
}

module attributes {stable_mosaic.version = 14 : i64} {
  func.func @_edge_kernel(%arg0: i32, %arg1: memref<1280x128xf32, #tpu.memory_space<vmem>>, %arg2: memref<1280x128xf32, #tpu.memory_space<vmem>>, %arg3: memref<1280x1xf32, #tpu.memory_space<vmem>>, %arg4: memref<1280x3xf32, #tpu.memory_space<vmem>>, %arg5: memref<1280x18xf32, #tpu.memory_space<vmem>>, %arg6: memref<128x256xf32, #tpu.memory_space<vmem>>, %arg7: memref<128x256xf32, #tpu.memory_space<vmem>>, %arg8: memref<256xf32, #tpu.memory_space<vmem>>, %arg9: memref<256x128xf32, #tpu.memory_space<vmem>>, %arg10: memref<128xf32, #tpu.memory_space<vmem>>, %arg11: memref<128x128xf32, #tpu.memory_space<vmem>>, %arg12: memref<128x128xf32, #tpu.memory_space<vmem>>, %arg13: memref<1x128xf32, #tpu.memory_space<vmem>>, %arg14: memref<128x128xf32, #tpu.memory_space<vmem>>, %arg15: memref<128xf32, #tpu.memory_space<vmem>>, %arg16: memref<128x128xf32, #tpu.memory_space<vmem>>, %arg17: memref<128xf32, #tpu.memory_space<vmem>>, %arg18: memref<128x128xf32, #tpu.memory_space<vmem>>, %arg19: memref<128xf32, #tpu.memory_space<vmem>>, %arg20: memref<128x128xf32, #tpu.memory_space<vmem>>, %arg21: memref<128xf32, #tpu.memory_space<vmem>>, %arg22: memref<128x12xf32, #tpu.memory_space<vmem>>, %arg23: memref<12xf32, #tpu.memory_space<vmem>>, %arg24: memref<18x128xf32, #tpu.memory_space<vmem>>, %arg25: memref<128xf32, #tpu.memory_space<vmem>>, %arg26: memref<1280x128xf32, #tpu.memory_space<vmem>>, %arg27: memref<1280x128xf32, #tpu.memory_space<vmem>>) attributes {dimension_semantics = [#tpu.dimension_semantics<arbitrary>], iteration_bounds = array<i64: 125>, scalar_prefetch = 0 : i64, scratch_operands = 0 : i64, tpu.core_type = #tpu.core_type<tc>, window_params = [{transform_indices = @transform_0, window_bounds = array<i64: 1280, 128>}, {transform_indices = @transform_1, window_bounds = array<i64: 1280, 128>}, {transform_indices = @transform_2, window_bounds = array<i64: 1280, 1>}, {transform_indices = @transform_3, window_bounds = array<i64: 1280, 3>}, {transform_indices = @transform_4, window_bounds = array<i64: 1280, 18>}, {pipeline_mode = #tpu.pipeline_mode<synchronous>, transform_indices = @transform_5, window_bounds = array<i64: 128, 256>}, {pipeline_mode = #tpu.pipeline_mode<synchronous>, transform_indices = @transform_6, window_bounds = array<i64: 128, 256>}, {pipeline_mode = #tpu.pipeline_mode<synchronous>, transform_indices = @transform_7, window_bounds = array<i64: 256>}, {pipeline_mode = #tpu.pipeline_mode<synchronous>, transform_indices = @transform_8, window_bounds = array<i64: 256, 128>}, {pipeline_mode = #tpu.pipeline_mode<synchronous>, transform_indices = @transform_9, window_bounds = array<i64: 128>}, {pipeline_mode = #tpu.pipeline_mode<synchronous>, transform_indices = @transform_10, window_bounds = array<i64: 128, 128>}, {pipeline_mode = #tpu.pipeline_mode<synchronous>, transform_indices = @transform_11, window_bounds = array<i64: 128, 128>}, {pipeline_mode = #tpu.pipeline_mode<synchronous>, transform_indices = @transform_12, window_bounds = array<i64: 1, 128>}, {pipeline_mode = #tpu.pipeline_mode<synchronous>, transform_indices = @transform_13, window_bounds = array<i64: 128, 128>}, {pipeline_mode = #tpu.pipeline_mode<synchronous>, transform_indices = @transform_14, window_bounds = array<i64: 128>}, {pipeline_mode = #tpu.pipeline_mode<synchronous>, transform_indices = @transform_15, window_bounds = array<i64: 128, 128>}, {pipeline_mode = #tpu.pipeline_mode<synchronous>, transform_indices = @transform_16, window_bounds = array<i64: 128>}, {pipeline_mode = #tpu.pipeline_mode<synchronous>, transform_indices = @transform_17, window_bounds = array<i64: 128, 128>}, {pipeline_mode = #tpu.pipeline_mode<synchronous>, transform_indices = @transform_18, window_bounds = array<i64: 128>}, {pipeline_mode = #tpu.pipeline_mode<synchronous>, transform_indices = @transform_19, window_bounds = array<i64: 128, 128>}, {pipeline_mode = #tpu.pipeline_mode<synchronous>, transform_indices = @transform_20, window_bounds = array<i64: 128>}, {pipeline_mode = #tpu.pipeline_mode<synchronous>, transform_indices = @transform_21, window_bounds = array<i64: 128, 12>}, {pipeline_mode = #tpu.pipeline_mode<synchronous>, transform_indices = @transform_22, window_bounds = array<i64: 12>}, {pipeline_mode = #tpu.pipeline_mode<synchronous>, transform_indices = @transform_23, window_bounds = array<i64: 18, 128>}, {pipeline_mode = #tpu.pipeline_mode<synchronous>, transform_indices = @transform_24, window_bounds = array<i64: 128>}, {transform_indices = @transform_25, window_bounds = array<i64: 1280, 128>}, {transform_indices = @transform_26, window_bounds = array<i64: 1280, 128>}]} {
    %get3A = arith.constant 0 : index
    %get3A_0 = arith.constant 0 : index
    %get3A_1 = vector.load %arg1[%get3A, %get3A_0] : memref<1280x128xf32, #tpu.memory_space<vmem>>, vector<1280x128xf32>
    %get3A_2 = arith.constant 0 : index
    %get3A_3 = arith.constant 0 : index
    %get3A_4 = vector.load %arg2[%get3A_2, %get3A_3] : memref<1280x128xf32, #tpu.memory_space<vmem>>, vector<1280x128xf32>
    %get3A_5 = arith.constant 0 : index
    %get3A_6 = arith.constant 0 : index
    %get3A_7 = vector.load %arg3[%get3A_5, %get3A_6] : memref<1280x1xf32, #tpu.memory_space<vmem>>, vector<1280x1xf32>
    %get3A_8 = arith.constant 0 : index
    %get3A_9 = arith.constant 0 : index
    %get3A_10 = vector.load %arg5[%get3A_8, %get3A_9] : memref<1280x18xf32, #tpu.memory_space<vmem>>, vector<1280x18xf32>
    %get3A_11 = arith.constant 0 : index
    %get3A_12 = arith.constant 0 : index
    %get3A_13 = vector.load %arg24[%get3A_11, %get3A_12] : memref<18x128xf32, #tpu.memory_space<vmem>>, vector<18x128xf32>
    %dot_general3A = arith.constant dense<0.000000e+00> : vector<1280x128xf32>
    %dot_general3A_14 = tpu.matmul %get3A_10, %get3A_13, %dot_general3A {dimension_numbers = #tpu.dot_dimension_numbers<[1], [0], [0], [1], [0, 0, 1, 1], [], []>, transpose_lhs_hint = false} : vector<1280x18xf32>, vector<18x128xf32>, vector<1280x128xf32> -> vector<1280x128xf32>
    %get3A_15 = arith.constant 0 : index
    %get3A_16 = vector.load %arg25[%get3A_15] : memref<128xf32, #tpu.memory_space<vmem>>, vector<128xf32>
    %broadcast_in_dim3A = vector.shape_cast %get3A_16 : vector<128xf32> to vector<1x128xf32>
    %add3A = vector.broadcast %broadcast_in_dim3A : vector<1x128xf32> to vector<1280x128xf32>
    %add3A_17 = arith.addf %dot_general3A_14, %add3A : vector<1280x128xf32>
    %get3A_18 = arith.constant 0 : index
    %get3A_19 = arith.constant 0 : index
    %get3A_20 = vector.load %arg6[%get3A_18, %get3A_19] : memref<128x256xf32, #tpu.memory_space<vmem>>, vector<128x256xf32>
    %dot_general3A_21 = arith.constant dense<0.000000e+00> : vector<1280x256xf32>
    %dot_general3A_22 = tpu.matmul %get3A_1, %get3A_20, %dot_general3A_21 {dimension_numbers = #tpu.dot_dimension_numbers<[1], [0], [0], [1], [0, 0, 1, 1], [], []>, transpose_lhs_hint = false} : vector<1280x128xf32>, vector<128x256xf32>, vector<1280x256xf32> -> vector<1280x256xf32>
    %get3A_23 = arith.constant 0 : index
    %get3A_24 = arith.constant 0 : index
    %get3A_25 = vector.load %arg7[%get3A_23, %get3A_24] : memref<128x256xf32, #tpu.memory_space<vmem>>, vector<128x256xf32>
    %dot_general3A_26 = arith.constant dense<0.000000e+00> : vector<1280x256xf32>
    %dot_general3A_27 = tpu.matmul %get3A_4, %get3A_25, %dot_general3A_26 {dimension_numbers = #tpu.dot_dimension_numbers<[1], [0], [0], [1], [0, 0, 1, 1], [], []>, transpose_lhs_hint = false} : vector<1280x128xf32>, vector<128x256xf32>, vector<1280x256xf32> -> vector<1280x256xf32>
    %add3A_28 = arith.addf %dot_general3A_22, %dot_general3A_27 : vector<1280x256xf32>
    %get3A_29 = arith.constant 0 : index
    %get3A_30 = vector.load %arg8[%get3A_29] : memref<256xf32, #tpu.memory_space<vmem>>, vector<256xf32>
    %broadcast_in_dim3A_31 = vector.shape_cast %get3A_30 : vector<256xf32> to vector<1x256xf32>
    %add3A_32 = vector.broadcast %broadcast_in_dim3A_31 : vector<1x256xf32> to vector<1280x256xf32>
    %add3A_33 = arith.addf %add3A_28, %add3A_32 : vector<1280x256xf32>
    %gt3A = arith.constant 0.000000e+00 : f32
    %gt3A_34 = vector.broadcast %gt3A : f32 to vector<1280x256xf32>
    %gt3A_35 = arith.cmpf ogt, %add3A_33, %gt3A_34 : vector<1280x256xf32>
    %div3A = arith.constant 2.000000e+00 : f32
    %div3A_36 = vector.broadcast %div3A : f32 to vector<1280x256xf32>
    %div3A_37 = arith.divf %add3A_33, %div3A_36 : vector<1280x256xf32>
    %exp3A = math.exp %div3A_37 : vector<1280x256xf32>
    %sub3A = arith.constant 1.000000e+00 : f32
    %sub3A_38 = vector.broadcast %sub3A : f32 to vector<1280x256xf32>
    %sub3A_39 = arith.subf %exp3A, %sub3A_38 : vector<1280x256xf32>
    %mul3A = arith.constant 2.000000e+00 : f32
    %mul3A_40 = vector.broadcast %mul3A : f32 to vector<1280x256xf32>
    %mul3A_41 = arith.mulf %mul3A_40, %sub3A_39 : vector<1280x256xf32>
    %select_n3A = arith.select %gt3A_35, %add3A_33, %mul3A_41 : vector<1280x256xi1>, vector<1280x256xf32>
    %get3A_42 = arith.constant 0 : index
    %get3A_43 = arith.constant 0 : index
    %get3A_44 = vector.load %arg9[%get3A_42, %get3A_43] : memref<256x128xf32, #tpu.memory_space<vmem>>, vector<256x128xf32>
    %dot_general3A_45 = arith.constant dense<0.000000e+00> : vector<1280x128xf32>
    %dot_general3A_46 = tpu.matmul %select_n3A, %get3A_44, %dot_general3A_45 {dimension_numbers = #tpu.dot_dimension_numbers<[1], [0], [0], [1], [0, 0, 1, 1], [], []>, transpose_lhs_hint = false} : vector<1280x256xf32>, vector<256x128xf32>, vector<1280x128xf32> -> vector<1280x128xf32>
    %get3A_47 = arith.constant 0 : index
    %get3A_48 = vector.load %arg10[%get3A_47] : memref<128xf32, #tpu.memory_space<vmem>>, vector<128xf32>
    %broadcast_in_dim3A_49 = vector.shape_cast %get3A_48 : vector<128xf32> to vector<1x128xf32>
    %add3A_50 = vector.broadcast %broadcast_in_dim3A_49 : vector<1x128xf32> to vector<1280x128xf32>
    %add3A_51 = arith.addf %dot_general3A_46, %add3A_50 : vector<1280x128xf32>
    %mul3A_52 = arith.mulf %add3A_17, %add3A_51 : vector<1280x128xf32>
    %get3A_53 = arith.constant 0 : index
    %get3A_54 = arith.constant 0 : index
    %get3A_55 = vector.load %arg11[%get3A_53, %get3A_54] : memref<128x128xf32, #tpu.memory_space<vmem>>, vector<128x128xf32>
    %dot_general3A_56 = arith.constant dense<0.000000e+00> : vector<1280x128xf32>
    %dot_general3A_57 = tpu.matmul %get3A_1, %get3A_55, %dot_general3A_56 {dimension_numbers = #tpu.dot_dimension_numbers<[1], [0], [0], [1], [0, 0, 1, 1], [], []>, transpose_lhs_hint = false} : vector<1280x128xf32>, vector<128x128xf32>, vector<1280x128xf32> -> vector<1280x128xf32>
    %get3A_58 = arith.constant 0 : index
    %get3A_59 = arith.constant 0 : index
    %get3A_60 = vector.load %arg12[%get3A_58, %get3A_59] : memref<128x128xf32, #tpu.memory_space<vmem>>, vector<128x128xf32>
    %dot_general3A_61 = arith.constant dense<0.000000e+00> : vector<1280x128xf32>
    %dot_general3A_62 = tpu.matmul %get3A_4, %get3A_60, %dot_general3A_61 {dimension_numbers = #tpu.dot_dimension_numbers<[1], [0], [0], [1], [0, 0, 1, 1], [], []>, transpose_lhs_hint = false} : vector<1280x128xf32>, vector<128x128xf32>, vector<1280x128xf32> -> vector<1280x128xf32>
    %add3A_63 = arith.addf %dot_general3A_57, %dot_general3A_62 : vector<1280x128xf32>
    %get3A_64 = arith.constant 0 : index
    %get3A_65 = arith.constant 0 : index
    %get3A_66 = vector.load %arg13[%get3A_64, %get3A_65] : memref<1x128xf32, #tpu.memory_space<vmem>>, vector<1x128xf32>
    %mul3A_67 = vector.broadcast %get3A_7 : vector<1280x1xf32> to vector<1280x128xf32>
    %mul3A_68 = vector.broadcast %get3A_66 : vector<1x128xf32> to vector<1280x128xf32>
    %mul3A_69 = arith.mulf %mul3A_67, %mul3A_68 : vector<1280x128xf32>
    %add3A_70 = arith.addf %add3A_63, %mul3A_69 : vector<1280x128xf32>
    %get3A_71 = arith.constant 0 : index
    %get3A_72 = arith.constant 0 : index
    %get3A_73 = vector.load %arg14[%get3A_71, %get3A_72] : memref<128x128xf32, #tpu.memory_space<vmem>>, vector<128x128xf32>
    %dot_general3A_74 = arith.constant dense<0.000000e+00> : vector<1280x128xf32>
    %dot_general3A_75 = tpu.matmul %mul3A_52, %get3A_73, %dot_general3A_74 {dimension_numbers = #tpu.dot_dimension_numbers<[1], [0], [0], [1], [0, 0, 1, 1], [], []>, transpose_lhs_hint = false} : vector<1280x128xf32>, vector<128x128xf32>, vector<1280x128xf32> -> vector<1280x128xf32>
    %add3A_76 = arith.addf %add3A_70, %dot_general3A_75 : vector<1280x128xf32>
    %get3A_77 = arith.constant 0 : index
    %get3A_78 = vector.load %arg15[%get3A_77] : memref<128xf32, #tpu.memory_space<vmem>>, vector<128xf32>
    %broadcast_in_dim3A_79 = vector.shape_cast %get3A_78 : vector<128xf32> to vector<1x128xf32>
    %add3A_80 = vector.broadcast %broadcast_in_dim3A_79 : vector<1x128xf32> to vector<1280x128xf32>
    %add3A_81 = arith.addf %add3A_76, %add3A_80 : vector<1280x128xf32>
    %gt3A_82 = arith.constant 0.000000e+00 : f32
    %gt3A_83 = vector.broadcast %gt3A_82 : f32 to vector<1280x128xf32>
    %gt3A_84 = arith.cmpf ogt, %add3A_81, %gt3A_83 : vector<1280x128xf32>
    %div3A_85 = arith.constant 2.000000e+00 : f32
    %div3A_86 = vector.broadcast %div3A_85 : f32 to vector<1280x128xf32>
    %div3A_87 = arith.divf %add3A_81, %div3A_86 : vector<1280x128xf32>
    %exp3A_88 = math.exp %div3A_87 : vector<1280x128xf32>
    %sub3A_89 = arith.constant 1.000000e+00 : f32
    %sub3A_90 = vector.broadcast %sub3A_89 : f32 to vector<1280x128xf32>
    %sub3A_91 = arith.subf %exp3A_88, %sub3A_90 : vector<1280x128xf32>
    %mul3A_92 = arith.constant 2.000000e+00 : f32
    %mul3A_93 = vector.broadcast %mul3A_92 : f32 to vector<1280x128xf32>
    %mul3A_94 = arith.mulf %mul3A_93, %sub3A_91 : vector<1280x128xf32>
    %select_n3A_95 = arith.select %gt3A_84, %add3A_81, %mul3A_94 : vector<1280x128xi1>, vector<1280x128xf32>
    %get3A_96 = arith.constant 0 : index
    %get3A_97 = arith.constant 0 : index
    %get3A_98 = vector.load %arg16[%get3A_96, %get3A_97] : memref<128x128xf32, #tpu.memory_space<vmem>>, vector<128x128xf32>
    %dot_general3A_99 = arith.constant dense<0.000000e+00> : vector<1280x128xf32>
    %dot_general3A_100 = tpu.matmul %select_n3A_95, %get3A_98, %dot_general3A_99 {dimension_numbers = #tpu.dot_dimension_numbers<[1], [0], [0], [1], [0, 0, 1, 1], [], []>, transpose_lhs_hint = false} : vector<1280x128xf32>, vector<128x128xf32>, vector<1280x128xf32> -> vector<1280x128xf32>
    %get3A_101 = arith.constant 0 : index
    %get3A_102 = vector.load %arg17[%get3A_101] : memref<128xf32, #tpu.memory_space<vmem>>, vector<128xf32>
    %broadcast_in_dim3A_103 = vector.shape_cast %get3A_102 : vector<128xf32> to vector<1x128xf32>
    %add3A_104 = vector.broadcast %broadcast_in_dim3A_103 : vector<1x128xf32> to vector<1280x128xf32>
    %add3A_105 = arith.addf %dot_general3A_100, %add3A_104 : vector<1280x128xf32>
    %gt3A_106 = arith.constant 0.000000e+00 : f32
    %gt3A_107 = vector.broadcast %gt3A_106 : f32 to vector<1280x128xf32>
    %gt3A_108 = arith.cmpf ogt, %add3A_105, %gt3A_107 : vector<1280x128xf32>
    %div3A_109 = arith.constant 2.000000e+00 : f32
    %div3A_110 = vector.broadcast %div3A_109 : f32 to vector<1280x128xf32>
    %div3A_111 = arith.divf %add3A_105, %div3A_110 : vector<1280x128xf32>
    %exp3A_112 = math.exp %div3A_111 : vector<1280x128xf32>
    %sub3A_113 = arith.constant 1.000000e+00 : f32
    %sub3A_114 = vector.broadcast %sub3A_113 : f32 to vector<1280x128xf32>
    %sub3A_115 = arith.subf %exp3A_112, %sub3A_114 : vector<1280x128xf32>
    %mul3A_116 = arith.constant 2.000000e+00 : f32
    %mul3A_117 = vector.broadcast %mul3A_116 : f32 to vector<1280x128xf32>
    %mul3A_118 = arith.mulf %mul3A_117, %sub3A_115 : vector<1280x128xf32>
    %select_n3A_119 = arith.select %gt3A_108, %add3A_105, %mul3A_118 : vector<1280x128xi1>, vector<1280x128xf32>
    %get3A_120 = arith.constant 0 : index
    %get3A_121 = arith.constant 0 : index
    %get3A_122 = vector.load %arg18[%get3A_120, %get3A_121] : memref<128x128xf32, #tpu.memory_space<vmem>>, vector<128x128xf32>
    %dot_general3A_123 = arith.constant dense<0.000000e+00> : vector<1280x128xf32>
    %dot_general3A_124 = tpu.matmul %select_n3A_119, %get3A_122, %dot_general3A_123 {dimension_numbers = #tpu.dot_dimension_numbers<[1], [0], [0], [1], [0, 0, 1, 1], [], []>, transpose_lhs_hint = false} : vector<1280x128xf32>, vector<128x128xf32>, vector<1280x128xf32> -> vector<1280x128xf32>
    %get3A_125 = arith.constant 0 : index
    %get3A_126 = vector.load %arg19[%get3A_125] : memref<128xf32, #tpu.memory_space<vmem>>, vector<128xf32>
    %broadcast_in_dim3A_127 = vector.shape_cast %get3A_126 : vector<128xf32> to vector<1x128xf32>
    %add3A_128 = vector.broadcast %broadcast_in_dim3A_127 : vector<1x128xf32> to vector<1280x128xf32>
    %add3A_129 = arith.addf %dot_general3A_124, %add3A_128 : vector<1280x128xf32>
    %gt3A_130 = arith.constant 0.000000e+00 : f32
    %gt3A_131 = vector.broadcast %gt3A_130 : f32 to vector<1280x128xf32>
    %gt3A_132 = arith.cmpf ogt, %add3A_129, %gt3A_131 : vector<1280x128xf32>
    %div3A_133 = arith.constant 2.000000e+00 : f32
    %div3A_134 = vector.broadcast %div3A_133 : f32 to vector<1280x128xf32>
    %div3A_135 = arith.divf %add3A_129, %div3A_134 : vector<1280x128xf32>
    %exp3A_136 = math.exp %div3A_135 : vector<1280x128xf32>
    %sub3A_137 = arith.constant 1.000000e+00 : f32
    %sub3A_138 = vector.broadcast %sub3A_137 : f32 to vector<1280x128xf32>
    %sub3A_139 = arith.subf %exp3A_136, %sub3A_138 : vector<1280x128xf32>
    %mul3A_140 = arith.constant 2.000000e+00 : f32
    %mul3A_141 = vector.broadcast %mul3A_140 : f32 to vector<1280x128xf32>
    %mul3A_142 = arith.mulf %mul3A_141, %sub3A_139 : vector<1280x128xf32>
    %select_n3A_143 = arith.select %gt3A_132, %add3A_129, %mul3A_142 : vector<1280x128xi1>, vector<1280x128xf32>
    %get3A_144 = arith.constant 0 : index
    %get3A_145 = arith.constant 0 : index
    %get3A_146 = vector.load %arg20[%get3A_144, %get3A_145] : memref<128x128xf32, #tpu.memory_space<vmem>>, vector<128x128xf32>
    %dot_general3A_147 = arith.constant dense<0.000000e+00> : vector<1280x128xf32>
    %dot_general3A_148 = tpu.matmul %select_n3A_143, %get3A_146, %dot_general3A_147 {dimension_numbers = #tpu.dot_dimension_numbers<[1], [0], [0], [1], [0, 0, 1, 1], [], []>, transpose_lhs_hint = false} : vector<1280x128xf32>, vector<128x128xf32>, vector<1280x128xf32> -> vector<1280x128xf32>
    %get3A_149 = arith.constant 0 : index
    %get3A_150 = vector.load %arg21[%get3A_149] : memref<128xf32, #tpu.memory_space<vmem>>, vector<128xf32>
    %broadcast_in_dim3A_151 = vector.shape_cast %get3A_150 : vector<128xf32> to vector<1x128xf32>
    %add3A_152 = vector.broadcast %broadcast_in_dim3A_151 : vector<1x128xf32> to vector<1280x128xf32>
    %add3A_153 = arith.addf %dot_general3A_148, %add3A_152 : vector<1280x128xf32>
    %broadcast_in_dim3A_154 = vector.shape_cast %get3A_7 : vector<1280x1xf32> to vector<1280x1xf32>
    %broadcast_in_dim3A_155 = vector.broadcast %broadcast_in_dim3A_154 : vector<1280x1xf32> to vector<1280x128xf32>
    %sqrt3A = math.sqrt %broadcast_in_dim3A_155 : vector<1280x128xf32>
    %mul3A_156 = arith.constant 0.785398185 : f32
    %mul3A_157 = vector.broadcast %mul3A_156 : f32 to vector<1280x128xf32>
    %mul3A_158 = arith.mulf %sqrt3A, %mul3A_157 : vector<1280x128xf32>
    %cos3A = math.cos %mul3A_158 : vector<1280x128xf32>
    %add3A_159 = arith.constant 1.000000e+00 : f32
    %add3A_160 = vector.broadcast %add3A_159 : f32 to vector<1280x128xf32>
    %add3A_161 = arith.addf %cos3A, %add3A_160 : vector<1280x128xf32>
    %mul3A_162 = arith.constant 5.000000e-01 : f32
    %mul3A_163 = vector.broadcast %mul3A_162 : f32 to vector<1280x128xf32>
    %mul3A_164 = arith.mulf %mul3A_163, %add3A_161 : vector<1280x128xf32>
    %mul3A_165 = arith.mulf %select_n3A_119, %add3A_153 : vector<1280x128xf32>
    %mul3A_166 = arith.mulf %mul3A_165, %mul3A_164 : vector<1280x128xf32>
    %get3A_167 = arith.constant 0 : index
    %get3A_168 = arith.constant 0 : index
    %get3A_169 = vector.load %arg22[%get3A_167, %get3A_168] : memref<128x12xf32, #tpu.memory_space<vmem>>, vector<128x12xf32>
    %dot_general3A_170 = arith.constant dense<0.000000e+00> : vector<1280x12xf32>
    %dot_general3A_171 = tpu.matmul %mul3A_166, %get3A_169, %dot_general3A_170 {dimension_numbers = #tpu.dot_dimension_numbers<[1], [0], [0], [1], [0, 0, 1, 1], [], []>, transpose_lhs_hint = false} : vector<1280x128xf32>, vector<128x12xf32>, vector<1280x12xf32> -> vector<1280x12xf32>
    %get3A_172 = arith.constant 0 : index
    %get3A_173 = vector.load %arg23[%get3A_172] : memref<12xf32, #tpu.memory_space<vmem>>, vector<12xf32>
    %broadcast_in_dim3A_174 = vector.shape_cast %get3A_173 : vector<12xf32> to vector<1x12xf32>
    %add3A_175 = vector.broadcast %broadcast_in_dim3A_174 : vector<1x12xf32> to vector<1280x12xf32>
    %add3A_176 = arith.addf %dot_general3A_171, %add3A_175 : vector<1280x12xf32>
    %get3A_177 = arith.constant 0 : index
    %get3A_178 = arith.constant 0 : index
    %get3A_179 = vector.load %arg4[%get3A_177, %get3A_178] : memref<1280x3xf32, #tpu.memory_space<vmem>>, vector<1280x3xf32>
    %concatenate3A = tpu.concatenate %get3A_179, %get3A_179, %get3A_179, %get3A_179 in 1 : vector<1280x3xf32>, vector<1280x3xf32>, vector<1280x3xf32>, vector<1280x3xf32> -> vector<1280x12xf32>
    %mul3A_180 = arith.mulf %add3A_176, %concatenate3A : vector<1280x12xf32>
    %broadcast_in_dim3A_181 = arith.constant 0.000000e+00 : f32
    %broadcast_in_dim3A_182 = vector.broadcast %broadcast_in_dim3A_181 : f32 to vector<1280x116xf32>
    %concatenate3A_183 = tpu.concatenate %mul3A_180, %broadcast_in_dim3A_182 in 1 : vector<1280x12xf32>, vector<1280x116xf32> -> vector<1280x128xf32>
    %swap3A = arith.constant 0 : index
    %swap3A_184 = arith.constant 0 : index
    %swap3A_185 = vector.load %arg26[%swap3A, %swap3A_184] : memref<1280x128xf32, #tpu.memory_space<vmem>>, vector<1280x128xf32>
    tpu.vector_store %arg26[%swap3A, %swap3A_184], %mul3A_166 {strides = array<i32>} : memref<1280x128xf32, #tpu.memory_space<vmem>>, vector<1280x128xf32>,
    %swap3A_186 = arith.constant 0 : index
    %swap3A_187 = arith.constant 0 : index
    %swap3A_188 = vector.load %arg27[%swap3A_186, %swap3A_187] : memref<1280x128xf32, #tpu.memory_space<vmem>>, vector<1280x128xf32>
    tpu.vector_store %arg27[%swap3A_186, %swap3A_187], %concatenate3A_183 {strides = array<i32>} : memref<1280x128xf32, #tpu.memory_space<vmem>>, vector<1280x128xf32>,
    return
  }
  func.func @transform_0(%arg0: i32) -> (i32, i32) {
    %c0_i32 = arith.constant 0 : i32
    %c0_i32_0 = arith.constant 0 : i32
    return %arg0, %c0_i32 : i32, i32
  }
  func.func @transform_1(%arg0: i32) -> (i32, i32) {
    %c0_i32 = arith.constant 0 : i32
    %c0_i32_0 = arith.constant 0 : i32
    return %arg0, %c0_i32 : i32, i32
  }
  func.func @transform_2(%arg0: i32) -> (i32, i32) {
    %add3A = arith.constant 125 : i32
    %add3A_0 = arith.addi %arg0, %add3A : i32
    %c0_i32 = arith.constant 0 : i32
    %c0_i32_1 = arith.constant 0 : i32
    return %add3A_0, %c0_i32 : i32, i32
  }
  func.func @transform_3(%arg0: i32) -> (i32, i32) {
    %add3A = arith.constant 125 : i32
    %add3A_0 = arith.addi %arg0, %add3A : i32
    %c0_i32 = arith.constant 0 : i32
    %c0_i32_1 = arith.constant 0 : i32
    return %add3A_0, %c0_i32 : i32, i32
  }
  func.func @transform_4(%arg0: i32) -> (i32, i32) {
    %add3A = arith.constant 125 : i32
    %add3A_0 = arith.addi %arg0, %add3A : i32
    %c0_i32 = arith.constant 0 : i32
    %c0_i32_1 = arith.constant 0 : i32
    return %add3A_0, %c0_i32 : i32, i32
  }
  func.func @transform_5(%arg0: i32) -> (i32, i32) {
    %c0_i32 = arith.constant 0 : i32
    %c0_i32_0 = arith.constant 0 : i32
    %c0_i32_1 = arith.constant 0 : i32
    return %c0_i32, %c0_i32_0 : i32, i32
  }
  func.func @transform_6(%arg0: i32) -> (i32, i32) {
    %c0_i32 = arith.constant 0 : i32
    %c0_i32_0 = arith.constant 0 : i32
    %c0_i32_1 = arith.constant 0 : i32
    return %c0_i32, %c0_i32_0 : i32, i32
  }
  func.func @transform_7(%arg0: i32) -> i32 {
    %c0_i32 = arith.constant 0 : i32
    %c0_i32_0 = arith.constant 0 : i32
    return %c0_i32 : i32
  }
  func.func @transform_8(%arg0: i32) -> (i32, i32) {
    %c0_i32 = arith.constant 0 : i32
    %c0_i32_0 = arith.constant 0 : i32
    %c0_i32_1 = arith.constant 0 : i32
    return %c0_i32, %c0_i32_0 : i32, i32
  }
  func.func @transform_9(%arg0: i32) -> i32 {
    %c0_i32 = arith.constant 0 : i32
    %c0_i32_0 = arith.constant 0 : i32
    return %c0_i32 : i32
  }
  func.func @transform_10(%arg0: i32) -> (i32, i32) {
    %c0_i32 = arith.constant 0 : i32
    %c0_i32_0 = arith.constant 0 : i32
    %c0_i32_1 = arith.constant 0 : i32
    return %c0_i32, %c0_i32_0 : i32, i32
  }
  func.func @transform_11(%arg0: i32) -> (i32, i32) {
    %c0_i32 = arith.constant 0 : i32
    %c0_i32_0 = arith.constant 0 : i32
    %c0_i32_1 = arith.constant 0 : i32
    return %c0_i32, %c0_i32_0 : i32, i32
  }
  func.func @transform_12(%arg0: i32) -> (i32, i32) {
    %c0_i32 = arith.constant 0 : i32
    %c0_i32_0 = arith.constant 0 : i32
    %c0_i32_1 = arith.constant 0 : i32
    return %c0_i32, %c0_i32_0 : i32, i32
  }
  func.func @transform_13(%arg0: i32) -> (i32, i32) {
    %c0_i32 = arith.constant 0 : i32
    %c0_i32_0 = arith.constant 0 : i32
    %c0_i32_1 = arith.constant 0 : i32
    return %c0_i32, %c0_i32_0 : i32, i32
  }
  func.func @transform_14(%arg0: i32) -> i32 {
    %c0_i32 = arith.constant 0 : i32
    %c0_i32_0 = arith.constant 0 : i32
    return %c0_i32 : i32
  }
  func.func @transform_15(%arg0: i32) -> (i32, i32) {
    %c0_i32 = arith.constant 0 : i32
    %c0_i32_0 = arith.constant 0 : i32
    %c0_i32_1 = arith.constant 0 : i32
    return %c0_i32, %c0_i32_0 : i32, i32
  }
  func.func @transform_16(%arg0: i32) -> i32 {
    %c0_i32 = arith.constant 0 : i32
    %c0_i32_0 = arith.constant 0 : i32
    return %c0_i32 : i32
  }
  func.func @transform_17(%arg0: i32) -> (i32, i32) {
    %c0_i32 = arith.constant 0 : i32
    %c0_i32_0 = arith.constant 0 : i32
    %c0_i32_1 = arith.constant 0 : i32
    return %c0_i32, %c0_i32_0 : i32, i32
  }
  func.func @transform_18(%arg0: i32) -> i32 {
    %c0_i32 = arith.constant 0 : i32
    %c0_i32_0 = arith.constant 0 : i32
    return %c0_i32 : i32
  }
  func.func @transform_19(%arg0: i32) -> (i32, i32) {
    %c0_i32 = arith.constant 0 : i32
    %c0_i32_0 = arith.constant 0 : i32
    %c0_i32_1 = arith.constant 0 : i32
    return %c0_i32, %c0_i32_0 : i32, i32
  }
  func.func @transform_20(%arg0: i32) -> i32 {
    %c0_i32 = arith.constant 0 : i32
    %c0_i32_0 = arith.constant 0 : i32
    return %c0_i32 : i32
  }
  func.func @transform_21(%arg0: i32) -> (i32, i32) {
    %c0_i32 = arith.constant 0 : i32
    %c0_i32_0 = arith.constant 0 : i32
    %c0_i32_1 = arith.constant 0 : i32
    return %c0_i32, %c0_i32_0 : i32, i32
  }
  func.func @transform_22(%arg0: i32) -> i32 {
    %c0_i32 = arith.constant 0 : i32
    %c0_i32_0 = arith.constant 0 : i32
    return %c0_i32 : i32
  }
  func.func @transform_23(%arg0: i32) -> (i32, i32) {
    %c0_i32 = arith.constant 0 : i32
    %c0_i32_0 = arith.constant 0 : i32
    %c0_i32_1 = arith.constant 0 : i32
    return %c0_i32, %c0_i32_0 : i32, i32
  }
  func.func @transform_24(%arg0: i32) -> i32 {
    %c0_i32 = arith.constant 0 : i32
    %c0_i32_0 = arith.constant 0 : i32
    return %c0_i32 : i32
  }
  func.func @transform_25(%arg0: i32) -> (i32, i32) {
    %c0_i32 = arith.constant 0 : i32
    %c0_i32_0 = arith.constant 0 : i32
    return %arg0, %c0_i32 : i32, i32
  }
  func.func @transform_26(%arg0: i32) -> (i32, i32) {
    %c0_i32 = arith.constant 0 : i32
    %c0_i32_0 = arith.constant 0 : i32
    return %arg0, %c0_i32 : i32, i32
  }
}

module attributes {stable_mosaic.version = 14 : i64} {
  func.func @_edge_kernel(%arg0: i32, %arg1: memref<1280x128xf32, #tpu.memory_space<vmem>>, %arg2: memref<1280x128xf32, #tpu.memory_space<vmem>>, %arg3: memref<1280x1xf32, #tpu.memory_space<vmem>>, %arg4: memref<1280x3xf32, #tpu.memory_space<vmem>>, %arg5: memref<1280x18xf32, #tpu.memory_space<vmem>>, %arg6: memref<128x256xf32, #tpu.memory_space<vmem>>, %arg7: memref<128x256xf32, #tpu.memory_space<vmem>>, %arg8: memref<256xf32, #tpu.memory_space<vmem>>, %arg9: memref<256x128xf32, #tpu.memory_space<vmem>>, %arg10: memref<128xf32, #tpu.memory_space<vmem>>, %arg11: memref<128x128xf32, #tpu.memory_space<vmem>>, %arg12: memref<128x128xf32, #tpu.memory_space<vmem>>, %arg13: memref<1x128xf32, #tpu.memory_space<vmem>>, %arg14: memref<128x128xf32, #tpu.memory_space<vmem>>, %arg15: memref<128xf32, #tpu.memory_space<vmem>>, %arg16: memref<128x128xf32, #tpu.memory_space<vmem>>, %arg17: memref<128xf32, #tpu.memory_space<vmem>>, %arg18: memref<128x128xf32, #tpu.memory_space<vmem>>, %arg19: memref<128xf32, #tpu.memory_space<vmem>>, %arg20: memref<128x128xf32, #tpu.memory_space<vmem>>, %arg21: memref<128xf32, #tpu.memory_space<vmem>>, %arg22: memref<128x12xf32, #tpu.memory_space<vmem>>, %arg23: memref<12xf32, #tpu.memory_space<vmem>>, %arg24: memref<18x128xf32, #tpu.memory_space<vmem>>, %arg25: memref<128xf32, #tpu.memory_space<vmem>>, %arg26: memref<1280x128xf32, #tpu.memory_space<vmem>>, %arg27: memref<1280x128xf32, #tpu.memory_space<vmem>>) attributes {dimension_semantics = [#tpu.dimension_semantics<arbitrary>], iteration_bounds = array<i64: 125>, scalar_prefetch = 0 : i64, scratch_operands = 0 : i64, tpu.core_type = #tpu.core_type<tc>, window_params = [{transform_indices = @transform_0, window_bounds = array<i64: 1280, 128>}, {transform_indices = @transform_1, window_bounds = array<i64: 1280, 128>}, {transform_indices = @transform_2, window_bounds = array<i64: 1280, 1>}, {transform_indices = @transform_3, window_bounds = array<i64: 1280, 3>}, {transform_indices = @transform_4, window_bounds = array<i64: 1280, 18>}, {pipeline_mode = #tpu.pipeline_mode<synchronous>, transform_indices = @transform_5, window_bounds = array<i64: 128, 256>}, {pipeline_mode = #tpu.pipeline_mode<synchronous>, transform_indices = @transform_6, window_bounds = array<i64: 128, 256>}, {pipeline_mode = #tpu.pipeline_mode<synchronous>, transform_indices = @transform_7, window_bounds = array<i64: 256>}, {pipeline_mode = #tpu.pipeline_mode<synchronous>, transform_indices = @transform_8, window_bounds = array<i64: 256, 128>}, {pipeline_mode = #tpu.pipeline_mode<synchronous>, transform_indices = @transform_9, window_bounds = array<i64: 128>}, {pipeline_mode = #tpu.pipeline_mode<synchronous>, transform_indices = @transform_10, window_bounds = array<i64: 128, 128>}, {pipeline_mode = #tpu.pipeline_mode<synchronous>, transform_indices = @transform_11, window_bounds = array<i64: 128, 128>}, {pipeline_mode = #tpu.pipeline_mode<synchronous>, transform_indices = @transform_12, window_bounds = array<i64: 1, 128>}, {pipeline_mode = #tpu.pipeline_mode<synchronous>, transform_indices = @transform_13, window_bounds = array<i64: 128, 128>}, {pipeline_mode = #tpu.pipeline_mode<synchronous>, transform_indices = @transform_14, window_bounds = array<i64: 128>}, {pipeline_mode = #tpu.pipeline_mode<synchronous>, transform_indices = @transform_15, window_bounds = array<i64: 128, 128>}, {pipeline_mode = #tpu.pipeline_mode<synchronous>, transform_indices = @transform_16, window_bounds = array<i64: 128>}, {pipeline_mode = #tpu.pipeline_mode<synchronous>, transform_indices = @transform_17, window_bounds = array<i64: 128, 128>}, {pipeline_mode = #tpu.pipeline_mode<synchronous>, transform_indices = @transform_18, window_bounds = array<i64: 128>}, {pipeline_mode = #tpu.pipeline_mode<synchronous>, transform_indices = @transform_19, window_bounds = array<i64: 128, 128>}, {pipeline_mode = #tpu.pipeline_mode<synchronous>, transform_indices = @transform_20, window_bounds = array<i64: 128>}, {pipeline_mode = #tpu.pipeline_mode<synchronous>, transform_indices = @transform_21, window_bounds = array<i64: 128, 12>}, {pipeline_mode = #tpu.pipeline_mode<synchronous>, transform_indices = @transform_22, window_bounds = array<i64: 12>}, {pipeline_mode = #tpu.pipeline_mode<synchronous>, transform_indices = @transform_23, window_bounds = array<i64: 18, 128>}, {pipeline_mode = #tpu.pipeline_mode<synchronous>, transform_indices = @transform_24, window_bounds = array<i64: 128>}, {transform_indices = @transform_25, window_bounds = array<i64: 1280, 128>}, {transform_indices = @transform_26, window_bounds = array<i64: 1280, 128>}]} {
    %get3A = arith.constant 0 : index
    %get3A_0 = arith.constant 0 : index
    %get3A_1 = vector.load %arg1[%get3A, %get3A_0] : memref<1280x128xf32, #tpu.memory_space<vmem>>, vector<1280x128xf32>
    %get3A_2 = arith.constant 0 : index
    %get3A_3 = arith.constant 0 : index
    %get3A_4 = vector.load %arg2[%get3A_2, %get3A_3] : memref<1280x128xf32, #tpu.memory_space<vmem>>, vector<1280x128xf32>
    %get3A_5 = arith.constant 0 : index
    %get3A_6 = arith.constant 0 : index
    %get3A_7 = vector.load %arg3[%get3A_5, %get3A_6] : memref<1280x1xf32, #tpu.memory_space<vmem>>, vector<1280x1xf32>
    %get3A_8 = arith.constant 0 : index
    %get3A_9 = arith.constant 0 : index
    %get3A_10 = vector.load %arg5[%get3A_8, %get3A_9] : memref<1280x18xf32, #tpu.memory_space<vmem>>, vector<1280x18xf32>
    %get3A_11 = arith.constant 0 : index
    %get3A_12 = arith.constant 0 : index
    %get3A_13 = vector.load %arg24[%get3A_11, %get3A_12] : memref<18x128xf32, #tpu.memory_space<vmem>>, vector<18x128xf32>
    %dot_general3A = arith.constant dense<0.000000e+00> : vector<1280x128xf32>
    %dot_general3A_14 = tpu.matmul %get3A_10, %get3A_13, %dot_general3A {dimension_numbers = #tpu.dot_dimension_numbers<[1], [0], [0], [1], [0, 0, 1, 1], [], []>, transpose_lhs_hint = false} : vector<1280x18xf32>, vector<18x128xf32>, vector<1280x128xf32> -> vector<1280x128xf32>
    %get3A_15 = arith.constant 0 : index
    %get3A_16 = vector.load %arg25[%get3A_15] : memref<128xf32, #tpu.memory_space<vmem>>, vector<128xf32>
    %broadcast_in_dim3A = vector.shape_cast %get3A_16 : vector<128xf32> to vector<1x128xf32>
    %add3A = vector.broadcast %broadcast_in_dim3A : vector<1x128xf32> to vector<1280x128xf32>
    %add3A_17 = arith.addf %dot_general3A_14, %add3A : vector<1280x128xf32>
    %get3A_18 = arith.constant 0 : index
    %get3A_19 = arith.constant 0 : index
    %get3A_20 = vector.load %arg6[%get3A_18, %get3A_19] : memref<128x256xf32, #tpu.memory_space<vmem>>, vector<128x256xf32>
    %dot_general3A_21 = arith.constant dense<0.000000e+00> : vector<1280x256xf32>
    %dot_general3A_22 = tpu.matmul %get3A_1, %get3A_20, %dot_general3A_21 {dimension_numbers = #tpu.dot_dimension_numbers<[1], [0], [0], [1], [0, 0, 1, 1], [], []>, transpose_lhs_hint = false} : vector<1280x128xf32>, vector<128x256xf32>, vector<1280x256xf32> -> vector<1280x256xf32>
    %get3A_23 = arith.constant 0 : index
    %get3A_24 = arith.constant 0 : index
    %get3A_25 = vector.load %arg7[%get3A_23, %get3A_24] : memref<128x256xf32, #tpu.memory_space<vmem>>, vector<128x256xf32>
    %dot_general3A_26 = arith.constant dense<0.000000e+00> : vector<1280x256xf32>
    %dot_general3A_27 = tpu.matmul %get3A_4, %get3A_25, %dot_general3A_26 {dimension_numbers = #tpu.dot_dimension_numbers<[1], [0], [0], [1], [0, 0, 1, 1], [], []>, transpose_lhs_hint = false} : vector<1280x128xf32>, vector<128x256xf32>, vector<1280x256xf32> -> vector<1280x256xf32>
    %add3A_28 = arith.addf %dot_general3A_22, %dot_general3A_27 : vector<1280x256xf32>
    %get3A_29 = arith.constant 0 : index
    %get3A_30 = vector.load %arg8[%get3A_29] : memref<256xf32, #tpu.memory_space<vmem>>, vector<256xf32>
    %broadcast_in_dim3A_31 = vector.shape_cast %get3A_30 : vector<256xf32> to vector<1x256xf32>
    %add3A_32 = vector.broadcast %broadcast_in_dim3A_31 : vector<1x256xf32> to vector<1280x256xf32>
    %add3A_33 = arith.addf %add3A_28, %add3A_32 : vector<1280x256xf32>
    %gt3A = arith.constant 0.000000e+00 : f32
    %gt3A_34 = vector.broadcast %gt3A : f32 to vector<1280x256xf32>
    %gt3A_35 = arith.cmpf ogt, %add3A_33, %gt3A_34 : vector<1280x256xf32>
    %div3A = arith.constant 2.000000e+00 : f32
    %div3A_36 = vector.broadcast %div3A : f32 to vector<1280x256xf32>
    %div3A_37 = arith.divf %add3A_33, %div3A_36 : vector<1280x256xf32>
    %exp3A = math.exp %div3A_37 : vector<1280x256xf32>
    %sub3A = arith.constant 1.000000e+00 : f32
    %sub3A_38 = vector.broadcast %sub3A : f32 to vector<1280x256xf32>
    %sub3A_39 = arith.subf %exp3A, %sub3A_38 : vector<1280x256xf32>
    %mul3A = arith.constant 2.000000e+00 : f32
    %mul3A_40 = vector.broadcast %mul3A : f32 to vector<1280x256xf32>
    %mul3A_41 = arith.mulf %mul3A_40, %sub3A_39 : vector<1280x256xf32>
    %select_n3A = arith.select %gt3A_35, %add3A_33, %mul3A_41 : vector<1280x256xi1>, vector<1280x256xf32>
    %get3A_42 = arith.constant 0 : index
    %get3A_43 = arith.constant 0 : index
    %get3A_44 = vector.load %arg9[%get3A_42, %get3A_43] : memref<256x128xf32, #tpu.memory_space<vmem>>, vector<256x128xf32>
    %dot_general3A_45 = arith.constant dense<0.000000e+00> : vector<1280x128xf32>
    %dot_general3A_46 = tpu.matmul %select_n3A, %get3A_44, %dot_general3A_45 {dimension_numbers = #tpu.dot_dimension_numbers<[1], [0], [0], [1], [0, 0, 1, 1], [], []>, transpose_lhs_hint = false} : vector<1280x256xf32>, vector<256x128xf32>, vector<1280x128xf32> -> vector<1280x128xf32>
    %get3A_47 = arith.constant 0 : index
    %get3A_48 = vector.load %arg10[%get3A_47] : memref<128xf32, #tpu.memory_space<vmem>>, vector<128xf32>
    %broadcast_in_dim3A_49 = vector.shape_cast %get3A_48 : vector<128xf32> to vector<1x128xf32>
    %add3A_50 = vector.broadcast %broadcast_in_dim3A_49 : vector<1x128xf32> to vector<1280x128xf32>
    %add3A_51 = arith.addf %dot_general3A_46, %add3A_50 : vector<1280x128xf32>
    %mul3A_52 = arith.mulf %add3A_17, %add3A_51 : vector<1280x128xf32>
    %get3A_53 = arith.constant 0 : index
    %get3A_54 = arith.constant 0 : index
    %get3A_55 = vector.load %arg11[%get3A_53, %get3A_54] : memref<128x128xf32, #tpu.memory_space<vmem>>, vector<128x128xf32>
    %dot_general3A_56 = arith.constant dense<0.000000e+00> : vector<1280x128xf32>
    %dot_general3A_57 = tpu.matmul %get3A_1, %get3A_55, %dot_general3A_56 {dimension_numbers = #tpu.dot_dimension_numbers<[1], [0], [0], [1], [0, 0, 1, 1], [], []>, transpose_lhs_hint = false} : vector<1280x128xf32>, vector<128x128xf32>, vector<1280x128xf32> -> vector<1280x128xf32>
    %get3A_58 = arith.constant 0 : index
    %get3A_59 = arith.constant 0 : index
    %get3A_60 = vector.load %arg12[%get3A_58, %get3A_59] : memref<128x128xf32, #tpu.memory_space<vmem>>, vector<128x128xf32>
    %dot_general3A_61 = arith.constant dense<0.000000e+00> : vector<1280x128xf32>
    %dot_general3A_62 = tpu.matmul %get3A_4, %get3A_60, %dot_general3A_61 {dimension_numbers = #tpu.dot_dimension_numbers<[1], [0], [0], [1], [0, 0, 1, 1], [], []>, transpose_lhs_hint = false} : vector<1280x128xf32>, vector<128x128xf32>, vector<1280x128xf32> -> vector<1280x128xf32>
    %add3A_63 = arith.addf %dot_general3A_57, %dot_general3A_62 : vector<1280x128xf32>
    %get3A_64 = arith.constant 0 : index
    %get3A_65 = arith.constant 0 : index
    %get3A_66 = vector.load %arg13[%get3A_64, %get3A_65] : memref<1x128xf32, #tpu.memory_space<vmem>>, vector<1x128xf32>
    %mul3A_67 = vector.broadcast %get3A_7 : vector<1280x1xf32> to vector<1280x128xf32>
    %mul3A_68 = vector.broadcast %get3A_66 : vector<1x128xf32> to vector<1280x128xf32>
    %mul3A_69 = arith.mulf %mul3A_67, %mul3A_68 : vector<1280x128xf32>
    %add3A_70 = arith.addf %add3A_63, %mul3A_69 : vector<1280x128xf32>
    %get3A_71 = arith.constant 0 : index
    %get3A_72 = arith.constant 0 : index
    %get3A_73 = vector.load %arg14[%get3A_71, %get3A_72] : memref<128x128xf32, #tpu.memory_space<vmem>>, vector<128x128xf32>
    %dot_general3A_74 = arith.constant dense<0.000000e+00> : vector<1280x128xf32>
    %dot_general3A_75 = tpu.matmul %mul3A_52, %get3A_73, %dot_general3A_74 {dimension_numbers = #tpu.dot_dimension_numbers<[1], [0], [0], [1], [0, 0, 1, 1], [], []>, transpose_lhs_hint = false} : vector<1280x128xf32>, vector<128x128xf32>, vector<1280x128xf32> -> vector<1280x128xf32>
    %add3A_76 = arith.addf %add3A_70, %dot_general3A_75 : vector<1280x128xf32>
    %get3A_77 = arith.constant 0 : index
    %get3A_78 = vector.load %arg15[%get3A_77] : memref<128xf32, #tpu.memory_space<vmem>>, vector<128xf32>
    %broadcast_in_dim3A_79 = vector.shape_cast %get3A_78 : vector<128xf32> to vector<1x128xf32>
    %add3A_80 = vector.broadcast %broadcast_in_dim3A_79 : vector<1x128xf32> to vector<1280x128xf32>
    %add3A_81 = arith.addf %add3A_76, %add3A_80 : vector<1280x128xf32>
    %gt3A_82 = arith.constant 0.000000e+00 : f32
    %gt3A_83 = vector.broadcast %gt3A_82 : f32 to vector<1280x128xf32>
    %gt3A_84 = arith.cmpf ogt, %add3A_81, %gt3A_83 : vector<1280x128xf32>
    %div3A_85 = arith.constant 2.000000e+00 : f32
    %div3A_86 = vector.broadcast %div3A_85 : f32 to vector<1280x128xf32>
    %div3A_87 = arith.divf %add3A_81, %div3A_86 : vector<1280x128xf32>
    %exp3A_88 = math.exp %div3A_87 : vector<1280x128xf32>
    %sub3A_89 = arith.constant 1.000000e+00 : f32
    %sub3A_90 = vector.broadcast %sub3A_89 : f32 to vector<1280x128xf32>
    %sub3A_91 = arith.subf %exp3A_88, %sub3A_90 : vector<1280x128xf32>
    %mul3A_92 = arith.constant 2.000000e+00 : f32
    %mul3A_93 = vector.broadcast %mul3A_92 : f32 to vector<1280x128xf32>
    %mul3A_94 = arith.mulf %mul3A_93, %sub3A_91 : vector<1280x128xf32>
    %select_n3A_95 = arith.select %gt3A_84, %add3A_81, %mul3A_94 : vector<1280x128xi1>, vector<1280x128xf32>
    %get3A_96 = arith.constant 0 : index
    %get3A_97 = arith.constant 0 : index
    %get3A_98 = vector.load %arg16[%get3A_96, %get3A_97] : memref<128x128xf32, #tpu.memory_space<vmem>>, vector<128x128xf32>
    %dot_general3A_99 = arith.constant dense<0.000000e+00> : vector<1280x128xf32>
    %dot_general3A_100 = tpu.matmul %select_n3A_95, %get3A_98, %dot_general3A_99 {dimension_numbers = #tpu.dot_dimension_numbers<[1], [0], [0], [1], [0, 0, 1, 1], [], []>, transpose_lhs_hint = false} : vector<1280x128xf32>, vector<128x128xf32>, vector<1280x128xf32> -> vector<1280x128xf32>
    %get3A_101 = arith.constant 0 : index
    %get3A_102 = vector.load %arg17[%get3A_101] : memref<128xf32, #tpu.memory_space<vmem>>, vector<128xf32>
    %broadcast_in_dim3A_103 = vector.shape_cast %get3A_102 : vector<128xf32> to vector<1x128xf32>
    %add3A_104 = vector.broadcast %broadcast_in_dim3A_103 : vector<1x128xf32> to vector<1280x128xf32>
    %add3A_105 = arith.addf %dot_general3A_100, %add3A_104 : vector<1280x128xf32>
    %gt3A_106 = arith.constant 0.000000e+00 : f32
    %gt3A_107 = vector.broadcast %gt3A_106 : f32 to vector<1280x128xf32>
    %gt3A_108 = arith.cmpf ogt, %add3A_105, %gt3A_107 : vector<1280x128xf32>
    %div3A_109 = arith.constant 2.000000e+00 : f32
    %div3A_110 = vector.broadcast %div3A_109 : f32 to vector<1280x128xf32>
    %div3A_111 = arith.divf %add3A_105, %div3A_110 : vector<1280x128xf32>
    %exp3A_112 = math.exp %div3A_111 : vector<1280x128xf32>
    %sub3A_113 = arith.constant 1.000000e+00 : f32
    %sub3A_114 = vector.broadcast %sub3A_113 : f32 to vector<1280x128xf32>
    %sub3A_115 = arith.subf %exp3A_112, %sub3A_114 : vector<1280x128xf32>
    %mul3A_116 = arith.constant 2.000000e+00 : f32
    %mul3A_117 = vector.broadcast %mul3A_116 : f32 to vector<1280x128xf32>
    %mul3A_118 = arith.mulf %mul3A_117, %sub3A_115 : vector<1280x128xf32>
    %select_n3A_119 = arith.select %gt3A_108, %add3A_105, %mul3A_118 : vector<1280x128xi1>, vector<1280x128xf32>
    %get3A_120 = arith.constant 0 : index
    %get3A_121 = arith.constant 0 : index
    %get3A_122 = vector.load %arg18[%get3A_120, %get3A_121] : memref<128x128xf32, #tpu.memory_space<vmem>>, vector<128x128xf32>
    %dot_general3A_123 = arith.constant dense<0.000000e+00> : vector<1280x128xf32>
    %dot_general3A_124 = tpu.matmul %select_n3A_119, %get3A_122, %dot_general3A_123 {dimension_numbers = #tpu.dot_dimension_numbers<[1], [0], [0], [1], [0, 0, 1, 1], [], []>, transpose_lhs_hint = false} : vector<1280x128xf32>, vector<128x128xf32>, vector<1280x128xf32> -> vector<1280x128xf32>
    %get3A_125 = arith.constant 0 : index
    %get3A_126 = vector.load %arg19[%get3A_125] : memref<128xf32, #tpu.memory_space<vmem>>, vector<128xf32>
    %broadcast_in_dim3A_127 = vector.shape_cast %get3A_126 : vector<128xf32> to vector<1x128xf32>
    %add3A_128 = vector.broadcast %broadcast_in_dim3A_127 : vector<1x128xf32> to vector<1280x128xf32>
    %add3A_129 = arith.addf %dot_general3A_124, %add3A_128 : vector<1280x128xf32>
    %gt3A_130 = arith.constant 0.000000e+00 : f32
    %gt3A_131 = vector.broadcast %gt3A_130 : f32 to vector<1280x128xf32>
    %gt3A_132 = arith.cmpf ogt, %add3A_129, %gt3A_131 : vector<1280x128xf32>
    %div3A_133 = arith.constant 2.000000e+00 : f32
    %div3A_134 = vector.broadcast %div3A_133 : f32 to vector<1280x128xf32>
    %div3A_135 = arith.divf %add3A_129, %div3A_134 : vector<1280x128xf32>
    %exp3A_136 = math.exp %div3A_135 : vector<1280x128xf32>
    %sub3A_137 = arith.constant 1.000000e+00 : f32
    %sub3A_138 = vector.broadcast %sub3A_137 : f32 to vector<1280x128xf32>
    %sub3A_139 = arith.subf %exp3A_136, %sub3A_138 : vector<1280x128xf32>
    %mul3A_140 = arith.constant 2.000000e+00 : f32
    %mul3A_141 = vector.broadcast %mul3A_140 : f32 to vector<1280x128xf32>
    %mul3A_142 = arith.mulf %mul3A_141, %sub3A_139 : vector<1280x128xf32>
    %select_n3A_143 = arith.select %gt3A_132, %add3A_129, %mul3A_142 : vector<1280x128xi1>, vector<1280x128xf32>
    %get3A_144 = arith.constant 0 : index
    %get3A_145 = arith.constant 0 : index
    %get3A_146 = vector.load %arg20[%get3A_144, %get3A_145] : memref<128x128xf32, #tpu.memory_space<vmem>>, vector<128x128xf32>
    %dot_general3A_147 = arith.constant dense<0.000000e+00> : vector<1280x128xf32>
    %dot_general3A_148 = tpu.matmul %select_n3A_143, %get3A_146, %dot_general3A_147 {dimension_numbers = #tpu.dot_dimension_numbers<[1], [0], [0], [1], [0, 0, 1, 1], [], []>, transpose_lhs_hint = false} : vector<1280x128xf32>, vector<128x128xf32>, vector<1280x128xf32> -> vector<1280x128xf32>
    %get3A_149 = arith.constant 0 : index
    %get3A_150 = vector.load %arg21[%get3A_149] : memref<128xf32, #tpu.memory_space<vmem>>, vector<128xf32>
    %broadcast_in_dim3A_151 = vector.shape_cast %get3A_150 : vector<128xf32> to vector<1x128xf32>
    %add3A_152 = vector.broadcast %broadcast_in_dim3A_151 : vector<1x128xf32> to vector<1280x128xf32>
    %add3A_153 = arith.addf %dot_general3A_148, %add3A_152 : vector<1280x128xf32>
    %broadcast_in_dim3A_154 = vector.shape_cast %get3A_7 : vector<1280x1xf32> to vector<1280x1xf32>
    %broadcast_in_dim3A_155 = vector.broadcast %broadcast_in_dim3A_154 : vector<1280x1xf32> to vector<1280x128xf32>
    %sqrt3A = math.sqrt %broadcast_in_dim3A_155 : vector<1280x128xf32>
    %mul3A_156 = arith.constant 0.785398185 : f32
    %mul3A_157 = vector.broadcast %mul3A_156 : f32 to vector<1280x128xf32>
    %mul3A_158 = arith.mulf %sqrt3A, %mul3A_157 : vector<1280x128xf32>
    %cos3A = math.cos %mul3A_158 : vector<1280x128xf32>
    %add3A_159 = arith.constant 1.000000e+00 : f32
    %add3A_160 = vector.broadcast %add3A_159 : f32 to vector<1280x128xf32>
    %add3A_161 = arith.addf %cos3A, %add3A_160 : vector<1280x128xf32>
    %mul3A_162 = arith.constant 5.000000e-01 : f32
    %mul3A_163 = vector.broadcast %mul3A_162 : f32 to vector<1280x128xf32>
    %mul3A_164 = arith.mulf %mul3A_163, %add3A_161 : vector<1280x128xf32>
    %mul3A_165 = arith.mulf %select_n3A_119, %add3A_153 : vector<1280x128xf32>
    %mul3A_166 = arith.mulf %mul3A_165, %mul3A_164 : vector<1280x128xf32>
    %get3A_167 = arith.constant 0 : index
    %get3A_168 = arith.constant 0 : index
    %get3A_169 = vector.load %arg22[%get3A_167, %get3A_168] : memref<128x12xf32, #tpu.memory_space<vmem>>, vector<128x12xf32>
    %dot_general3A_170 = arith.constant dense<0.000000e+00> : vector<1280x12xf32>
    %dot_general3A_171 = tpu.matmul %mul3A_166, %get3A_169, %dot_general3A_170 {dimension_numbers = #tpu.dot_dimension_numbers<[1], [0], [0], [1], [0, 0, 1, 1], [], []>, transpose_lhs_hint = false} : vector<1280x128xf32>, vector<128x12xf32>, vector<1280x12xf32> -> vector<1280x12xf32>
    %get3A_172 = arith.constant 0 : index
    %get3A_173 = vector.load %arg23[%get3A_172] : memref<12xf32, #tpu.memory_space<vmem>>, vector<12xf32>
    %broadcast_in_dim3A_174 = vector.shape_cast %get3A_173 : vector<12xf32> to vector<1x12xf32>
    %add3A_175 = vector.broadcast %broadcast_in_dim3A_174 : vector<1x12xf32> to vector<1280x12xf32>
    %add3A_176 = arith.addf %dot_general3A_171, %add3A_175 : vector<1280x12xf32>
    %get3A_177 = arith.constant 0 : index
    %get3A_178 = arith.constant 0 : index
    %get3A_179 = vector.load %arg4[%get3A_177, %get3A_178] : memref<1280x3xf32, #tpu.memory_space<vmem>>, vector<1280x3xf32>
    %concatenate3A = tpu.concatenate %get3A_179, %get3A_179, %get3A_179, %get3A_179 in 1 : vector<1280x3xf32>, vector<1280x3xf32>, vector<1280x3xf32>, vector<1280x3xf32> -> vector<1280x12xf32>
    %mul3A_180 = arith.mulf %add3A_176, %concatenate3A : vector<1280x12xf32>
    %broadcast_in_dim3A_181 = arith.constant 0.000000e+00 : f32
    %broadcast_in_dim3A_182 = vector.broadcast %broadcast_in_dim3A_181 : f32 to vector<1280x116xf32>
    %concatenate3A_183 = tpu.concatenate %mul3A_180, %broadcast_in_dim3A_182 in 1 : vector<1280x12xf32>, vector<1280x116xf32> -> vector<1280x128xf32>
    %swap3A = arith.constant 0 : index
    %swap3A_184 = arith.constant 0 : index
    %swap3A_185 = vector.load %arg26[%swap3A, %swap3A_184] : memref<1280x128xf32, #tpu.memory_space<vmem>>, vector<1280x128xf32>
    tpu.vector_store %arg26[%swap3A, %swap3A_184], %mul3A_166 {strides = array<i32>} : memref<1280x128xf32, #tpu.memory_space<vmem>>, vector<1280x128xf32>,
    %swap3A_186 = arith.constant 0 : index
    %swap3A_187 = arith.constant 0 : index
    %swap3A_188 = vector.load %arg27[%swap3A_186, %swap3A_187] : memref<1280x128xf32, #tpu.memory_space<vmem>>, vector<1280x128xf32>
    tpu.vector_store %arg27[%swap3A_186, %swap3A_187], %concatenate3A_183 {strides = array<i32>} : memref<1280x128xf32, #tpu.memory_space<vmem>>, vector<1280x128xf32>,
    return
  }
  func.func @transform_0(%arg0: i32) -> (i32, i32) {
    %c0_i32 = arith.constant 0 : i32
    %c0_i32_0 = arith.constant 0 : i32
    return %arg0, %c0_i32 : i32, i32
  }
  func.func @transform_1(%arg0: i32) -> (i32, i32) {
    %c0_i32 = arith.constant 0 : i32
    %c0_i32_0 = arith.constant 0 : i32
    return %arg0, %c0_i32 : i32, i32
  }
  func.func @transform_2(%arg0: i32) -> (i32, i32) {
    %add3A = arith.constant 0 : i32
    %add3A_0 = arith.addi %arg0, %add3A : i32
    %c0_i32 = arith.constant 0 : i32
    %c0_i32_1 = arith.constant 0 : i32
    return %add3A_0, %c0_i32 : i32, i32
  }
  func.func @transform_3(%arg0: i32) -> (i32, i32) {
    %add3A = arith.constant 0 : i32
    %add3A_0 = arith.addi %arg0, %add3A : i32
    %c0_i32 = arith.constant 0 : i32
    %c0_i32_1 = arith.constant 0 : i32
    return %add3A_0, %c0_i32 : i32, i32
  }
  func.func @transform_4(%arg0: i32) -> (i32, i32) {
    %add3A = arith.constant 0 : i32
    %add3A_0 = arith.addi %arg0, %add3A : i32
    %c0_i32 = arith.constant 0 : i32
    %c0_i32_1 = arith.constant 0 : i32
    return %add3A_0, %c0_i32 : i32, i32
  }
  func.func @transform_5(%arg0: i32) -> (i32, i32) {
    %c0_i32 = arith.constant 0 : i32
    %c0_i32_0 = arith.constant 0 : i32
    %c0_i32_1 = arith.constant 0 : i32
    return %c0_i32, %c0_i32_0 : i32, i32
  }
  func.func @transform_6(%arg0: i32) -> (i32, i32) {
    %c0_i32 = arith.constant 0 : i32
    %c0_i32_0 = arith.constant 0 : i32
    %c0_i32_1 = arith.constant 0 : i32
    return %c0_i32, %c0_i32_0 : i32, i32
  }
  func.func @transform_7(%arg0: i32) -> i32 {
    %c0_i32 = arith.constant 0 : i32
    %c0_i32_0 = arith.constant 0 : i32
    return %c0_i32 : i32
  }
  func.func @transform_8(%arg0: i32) -> (i32, i32) {
    %c0_i32 = arith.constant 0 : i32
    %c0_i32_0 = arith.constant 0 : i32
    %c0_i32_1 = arith.constant 0 : i32
    return %c0_i32, %c0_i32_0 : i32, i32
  }
  func.func @transform_9(%arg0: i32) -> i32 {
    %c0_i32 = arith.constant 0 : i32
    %c0_i32_0 = arith.constant 0 : i32
    return %c0_i32 : i32
  }
  func.func @transform_10(%arg0: i32) -> (i32, i32) {
    %c0_i32 = arith.constant 0 : i32
    %c0_i32_0 = arith.constant 0 : i32
    %c0_i32_1 = arith.constant 0 : i32
    return %c0_i32, %c0_i32_0 : i32, i32
  }
  func.func @transform_11(%arg0: i32) -> (i32, i32) {
    %c0_i32 = arith.constant 0 : i32
    %c0_i32_0 = arith.constant 0 : i32
    %c0_i32_1 = arith.constant 0 : i32
    return %c0_i32, %c0_i32_0 : i32, i32
  }
  func.func @transform_12(%arg0: i32) -> (i32, i32) {
    %c0_i32 = arith.constant 0 : i32
    %c0_i32_0 = arith.constant 0 : i32
    %c0_i32_1 = arith.constant 0 : i32
    return %c0_i32, %c0_i32_0 : i32, i32
  }
  func.func @transform_13(%arg0: i32) -> (i32, i32) {
    %c0_i32 = arith.constant 0 : i32
    %c0_i32_0 = arith.constant 0 : i32
    %c0_i32_1 = arith.constant 0 : i32
    return %c0_i32, %c0_i32_0 : i32, i32
  }
  func.func @transform_14(%arg0: i32) -> i32 {
    %c0_i32 = arith.constant 0 : i32
    %c0_i32_0 = arith.constant 0 : i32
    return %c0_i32 : i32
  }
  func.func @transform_15(%arg0: i32) -> (i32, i32) {
    %c0_i32 = arith.constant 0 : i32
    %c0_i32_0 = arith.constant 0 : i32
    %c0_i32_1 = arith.constant 0 : i32
    return %c0_i32, %c0_i32_0 : i32, i32
  }
  func.func @transform_16(%arg0: i32) -> i32 {
    %c0_i32 = arith.constant 0 : i32
    %c0_i32_0 = arith.constant 0 : i32
    return %c0_i32 : i32
  }
  func.func @transform_17(%arg0: i32) -> (i32, i32) {
    %c0_i32 = arith.constant 0 : i32
    %c0_i32_0 = arith.constant 0 : i32
    %c0_i32_1 = arith.constant 0 : i32
    return %c0_i32, %c0_i32_0 : i32, i32
  }
  func.func @transform_18(%arg0: i32) -> i32 {
    %c0_i32 = arith.constant 0 : i32
    %c0_i32_0 = arith.constant 0 : i32
    return %c0_i32 : i32
  }
  func.func @transform_19(%arg0: i32) -> (i32, i32) {
    %c0_i32 = arith.constant 0 : i32
    %c0_i32_0 = arith.constant 0 : i32
    %c0_i32_1 = arith.constant 0 : i32
    return %c0_i32, %c0_i32_0 : i32, i32
  }
  func.func @transform_20(%arg0: i32) -> i32 {
    %c0_i32 = arith.constant 0 : i32
    %c0_i32_0 = arith.constant 0 : i32
    return %c0_i32 : i32
  }
  func.func @transform_21(%arg0: i32) -> (i32, i32) {
    %c0_i32 = arith.constant 0 : i32
    %c0_i32_0 = arith.constant 0 : i32
    %c0_i32_1 = arith.constant 0 : i32
    return %c0_i32, %c0_i32_0 : i32, i32
  }
  func.func @transform_22(%arg0: i32) -> i32 {
    %c0_i32 = arith.constant 0 : i32
    %c0_i32_0 = arith.constant 0 : i32
    return %c0_i32 : i32
  }
  func.func @transform_23(%arg0: i32) -> (i32, i32) {
    %c0_i32 = arith.constant 0 : i32
    %c0_i32_0 = arith.constant 0 : i32
    %c0_i32_1 = arith.constant 0 : i32
    return %c0_i32, %c0_i32_0 : i32, i32
  }
  func.func @transform_24(%arg0: i32) -> i32 {
    %c0_i32 = arith.constant 0 : i32
    %c0_i32_0 = arith.constant 0 : i32
    return %c0_i32 : i32
  }
  func.func @transform_25(%arg0: i32) -> (i32, i32) {
    %c0_i32 = arith.constant 0 : i32
    %c0_i32_0 = arith.constant 0 : i32
    return %arg0, %c0_i32 : i32, i32
  }
  func.func @transform_26(%arg0: i32) -> (i32, i32) {
    %c0_i32 = arith.constant 0 : i32
    %c0_i32_0 = arith.constant 0 : i32
    return %arg0, %c0_i32 : i32, i32
  }
}

module attributes {stable_mosaic.version = 14 : i64} {
  func.func @_node_kernel(%arg0: i32, %arg1: memref<2000x128xf32, #tpu.memory_space<vmem>>, %arg2: memref<2x2000x128xf32, #tpu.memory_space<vmem>>, %arg3: memref<2x2000x128xf32, #tpu.memory_space<vmem>>, %arg4: memref<2x2000x128xf32, #tpu.memory_space<vmem>>, %arg5: memref<2x2000x128xf32, #tpu.memory_space<vmem>>, %arg6: memref<4x128xf32, #tpu.memory_space<vmem>>, %arg7: memref<128xf32, #tpu.memory_space<vmem>>, %arg8: memref<128x128xf32, #tpu.memory_space<vmem>>, %arg9: memref<128xf32, #tpu.memory_space<vmem>>, %arg10: memref<128x128xf32, #tpu.memory_space<vmem>>, %arg11: memref<128x128xf32, #tpu.memory_space<vmem>>, %arg12: memref<128x128xf32, #tpu.memory_space<vmem>>, %arg13: memref<128xf32, #tpu.memory_space<vmem>>, %arg14: memref<128x128xf32, #tpu.memory_space<vmem>>, %arg15: memref<128xf32, #tpu.memory_space<vmem>>, %arg16: memref<2000x128xf32, #tpu.memory_space<vmem>>) attributes {dimension_semantics = [#tpu.dimension_semantics<arbitrary>], iteration_bounds = array<i64: 5>, scalar_prefetch = 0 : i64, scratch_operands = 0 : i64, tpu.core_type = #tpu.core_type<tc>, window_params = [{transform_indices = @transform_0, window_bounds = array<i64: 2000, 128>}, {transform_indices = @transform_1, window_bounds = array<i64: 2, 2000, 128>}, {transform_indices = @transform_2, window_bounds = array<i64: 2, 2000, 128>}, {transform_indices = @transform_3, window_bounds = array<i64: 2, 2000, 128>}, {transform_indices = @transform_4, window_bounds = array<i64: 2, 2000, 128>}, {pipeline_mode = #tpu.pipeline_mode<synchronous>, transform_indices = @transform_5, window_bounds = array<i64: 4, 128>}, {pipeline_mode = #tpu.pipeline_mode<synchronous>, transform_indices = @transform_6, window_bounds = array<i64: 128>}, {pipeline_mode = #tpu.pipeline_mode<synchronous>, transform_indices = @transform_7, window_bounds = array<i64: 128, 128>}, {pipeline_mode = #tpu.pipeline_mode<synchronous>, transform_indices = @transform_8, window_bounds = array<i64: 128>}, {pipeline_mode = #tpu.pipeline_mode<synchronous>, transform_indices = @transform_9, window_bounds = array<i64: 128, 128>}, {pipeline_mode = #tpu.pipeline_mode<synchronous>, transform_indices = @transform_10, window_bounds = array<i64: 128, 128>}, {pipeline_mode = #tpu.pipeline_mode<synchronous>, transform_indices = @transform_11, window_bounds = array<i64: 128, 128>}, {pipeline_mode = #tpu.pipeline_mode<synchronous>, transform_indices = @transform_12, window_bounds = array<i64: 128>}, {pipeline_mode = #tpu.pipeline_mode<synchronous>, transform_indices = @transform_13, window_bounds = array<i64: 128, 128>}, {pipeline_mode = #tpu.pipeline_mode<synchronous>, transform_indices = @transform_14, window_bounds = array<i64: 128>}, {transform_indices = @transform_15, window_bounds = array<i64: 2000, 128>}]} {
    %get3A = arith.constant 0 : index
    %get3A_0 = arith.constant 0 : index
    %get3A_1 = vector.load %arg1[%get3A, %get3A_0] : memref<2000x128xf32, #tpu.memory_space<vmem>>, vector<2000x128xf32>
    %get3A_2 = arith.constant 0 : index
    %get3A_3 = arith.constant 0 : index
    %get3A_4 = arith.constant 0 : index
    %get3A_5 = vector.load %arg2[%get3A_2, %get3A_3, %get3A_4] : memref<2x2000x128xf32, #tpu.memory_space<vmem>>, vector<1x2000x128xf32>
    %get3A_6 = vector.shape_cast %get3A_5 : vector<1x2000x128xf32> to vector<2000x128xf32>
    %get3A_7 = arith.constant 1 : index
    %get3A_8 = arith.constant 0 : index
    %get3A_9 = arith.constant 0 : index
    %get3A_10 = vector.load %arg2[%get3A_7, %get3A_8, %get3A_9] : memref<2x2000x128xf32, #tpu.memory_space<vmem>>, vector<1x2000x128xf32>
    %get3A_11 = vector.shape_cast %get3A_10 : vector<1x2000x128xf32> to vector<2000x128xf32>
    %add3A = arith.addf %get3A_6, %get3A_11 : vector<2000x128xf32>
    %get3A_12 = arith.constant 0 : index
    %get3A_13 = arith.constant 0 : index
    %get3A_14 = arith.constant 0 : index
    %get3A_15 = vector.load %arg3[%get3A_12, %get3A_13, %get3A_14] : memref<2x2000x128xf32, #tpu.memory_space<vmem>>, vector<1x2000x128xf32>
    %get3A_16 = vector.shape_cast %get3A_15 : vector<1x2000x128xf32> to vector<2000x128xf32>
    %add3A_17 = arith.addf %add3A, %get3A_16 : vector<2000x128xf32>
    %get3A_18 = arith.constant 1 : index
    %get3A_19 = arith.constant 0 : index
    %get3A_20 = arith.constant 0 : index
    %get3A_21 = vector.load %arg3[%get3A_18, %get3A_19, %get3A_20] : memref<2x2000x128xf32, #tpu.memory_space<vmem>>, vector<1x2000x128xf32>
    %get3A_22 = vector.shape_cast %get3A_21 : vector<1x2000x128xf32> to vector<2000x128xf32>
    %add3A_23 = arith.addf %add3A_17, %get3A_22 : vector<2000x128xf32>
    %get3A_24 = arith.constant 0 : index
    %get3A_25 = arith.constant 0 : index
    %get3A_26 = arith.constant 0 : index
    %get3A_27 = vector.load %arg4[%get3A_24, %get3A_25, %get3A_26] : memref<2x2000x128xf32, #tpu.memory_space<vmem>>, vector<1x2000x128xf32>
    %get3A_28 = vector.shape_cast %get3A_27 : vector<1x2000x128xf32> to vector<2000x128xf32>
    %get3A_29 = arith.constant 1 : index
    %get3A_30 = arith.constant 0 : index
    %get3A_31 = arith.constant 0 : index
    %get3A_32 = vector.load %arg4[%get3A_29, %get3A_30, %get3A_31] : memref<2x2000x128xf32, #tpu.memory_space<vmem>>, vector<1x2000x128xf32>
    %get3A_33 = vector.shape_cast %get3A_32 : vector<1x2000x128xf32> to vector<2000x128xf32>
    %add3A_34 = arith.addf %get3A_28, %get3A_33 : vector<2000x128xf32>
    %get3A_35 = arith.constant 0 : index
    %get3A_36 = arith.constant 0 : index
    %get3A_37 = arith.constant 0 : index
    %get3A_38 = vector.load %arg5[%get3A_35, %get3A_36, %get3A_37] : memref<2x2000x128xf32, #tpu.memory_space<vmem>>, vector<1x2000x128xf32>
    %get3A_39 = vector.shape_cast %get3A_38 : vector<1x2000x128xf32> to vector<2000x128xf32>
    %add3A_40 = arith.addf %add3A_34, %get3A_39 : vector<2000x128xf32>
    %get3A_41 = arith.constant 1 : index
    %get3A_42 = arith.constant 0 : index
    %get3A_43 = arith.constant 0 : index
    %get3A_44 = vector.load %arg5[%get3A_41, %get3A_42, %get3A_43] : memref<2x2000x128xf32, #tpu.memory_space<vmem>>, vector<1x2000x128xf32>
    %get3A_45 = vector.shape_cast %get3A_44 : vector<1x2000x128xf32> to vector<2000x128xf32>
    %add3A_46 = arith.addf %add3A_40, %get3A_45 : vector<2000x128xf32>
    %mul3A = arith.mulf %add3A_46, %add3A_46 : vector<2000x128xf32>
    %slice3A = vector.extract_strided_slice %mul3A {offsets = [0, 0], sizes = [2000, 1], strides = [1, 1]} : vector<2000x128xf32> to vector<2000x1xf32>
    %slice3A_47 = vector.extract_strided_slice %mul3A {offsets = [0, 1], sizes = [2000, 1], strides = [1, 1]} : vector<2000x128xf32> to vector<2000x1xf32>
    %add3A_48 = arith.addf %slice3A, %slice3A_47 : vector<2000x1xf32>
    %slice3A_49 = vector.extract_strided_slice %mul3A {offsets = [0, 2], sizes = [2000, 1], strides = [1, 1]} : vector<2000x128xf32> to vector<2000x1xf32>
    %add3A_50 = arith.addf %add3A_48, %slice3A_49 : vector<2000x1xf32>
    %sqrt3A = math.sqrt %add3A_50 : vector<2000x1xf32>
    %slice3A_51 = vector.extract_strided_slice %mul3A {offsets = [0, 3], sizes = [2000, 1], strides = [1, 1]} : vector<2000x128xf32> to vector<2000x1xf32>
    %slice3A_52 = vector.extract_strided_slice %mul3A {offsets = [0, 4], sizes = [2000, 1], strides = [1, 1]} : vector<2000x128xf32> to vector<2000x1xf32>
    %add3A_53 = arith.addf %slice3A_51, %slice3A_52 : vector<2000x1xf32>
    %slice3A_54 = vector.extract_strided_slice %mul3A {offsets = [0, 5], sizes = [2000, 1], strides = [1, 1]} : vector<2000x128xf32> to vector<2000x1xf32>
    %add3A_55 = arith.addf %add3A_53, %slice3A_54 : vector<2000x1xf32>
    %sqrt3A_56 = math.sqrt %add3A_55 : vector<2000x1xf32>
    %slice3A_57 = vector.extract_strided_slice %mul3A {offsets = [0, 6], sizes = [2000, 1], strides = [1, 1]} : vector<2000x128xf32> to vector<2000x1xf32>
    %slice3A_58 = vector.extract_strided_slice %mul3A {offsets = [0, 7], sizes = [2000, 1], strides = [1, 1]} : vector<2000x128xf32> to vector<2000x1xf32>
    %add3A_59 = arith.addf %slice3A_57, %slice3A_58 : vector<2000x1xf32>
    %slice3A_60 = vector.extract_strided_slice %mul3A {offsets = [0, 8], sizes = [2000, 1], strides = [1, 1]} : vector<2000x128xf32> to vector<2000x1xf32>
    %add3A_61 = arith.addf %add3A_59, %slice3A_60 : vector<2000x1xf32>
    %sqrt3A_62 = math.sqrt %add3A_61 : vector<2000x1xf32>
    %slice3A_63 = vector.extract_strided_slice %mul3A {offsets = [0, 9], sizes = [2000, 1], strides = [1, 1]} : vector<2000x128xf32> to vector<2000x1xf32>
    %slice3A_64 = vector.extract_strided_slice %mul3A {offsets = [0, 10], sizes = [2000, 1], strides = [1, 1]} : vector<2000x128xf32> to vector<2000x1xf32>
    %add3A_65 = arith.addf %slice3A_63, %slice3A_64 : vector<2000x1xf32>
    %slice3A_66 = vector.extract_strided_slice %mul3A {offsets = [0, 11], sizes = [2000, 1], strides = [1, 1]} : vector<2000x128xf32> to vector<2000x1xf32>
    %add3A_67 = arith.addf %add3A_65, %slice3A_66 : vector<2000x1xf32>
    %sqrt3A_68 = math.sqrt %add3A_67 : vector<2000x1xf32>
    %concatenate3A = tpu.concatenate %sqrt3A, %sqrt3A_56, %sqrt3A_62, %sqrt3A_68 in 1 : vector<2000x1xf32>, vector<2000x1xf32>, vector<2000x1xf32>, vector<2000x1xf32> -> vector<2000x4xf32>
    %get3A_69 = arith.constant 0 : index
    %get3A_70 = arith.constant 0 : index
    %get3A_71 = vector.load %arg6[%get3A_69, %get3A_70] : memref<4x128xf32, #tpu.memory_space<vmem>>, vector<4x128xf32>
    %dot_general3A = arith.constant dense<0.000000e+00> : vector<2000x128xf32>
    %dot_general3A_72 = tpu.matmul %concatenate3A, %get3A_71, %dot_general3A {dimension_numbers = #tpu.dot_dimension_numbers<[1], [0], [0], [1], [0, 0, 1, 1], [], []>, transpose_lhs_hint = false} : vector<2000x4xf32>, vector<4x128xf32>, vector<2000x128xf32> -> vector<2000x128xf32>
    %get3A_73 = arith.constant 0 : index
    %get3A_74 = vector.load %arg7[%get3A_73] : memref<128xf32, #tpu.memory_space<vmem>>, vector<128xf32>
    %broadcast_in_dim3A = vector.shape_cast %get3A_74 : vector<128xf32> to vector<1x128xf32>
    %add3A_75 = vector.broadcast %broadcast_in_dim3A : vector<1x128xf32> to vector<2000x128xf32>
    %add3A_76 = arith.addf %dot_general3A_72, %add3A_75 : vector<2000x128xf32>
    %gt3A = arith.constant 0.000000e+00 : f32
    %gt3A_77 = vector.broadcast %gt3A : f32 to vector<2000x128xf32>
    %gt3A_78 = arith.cmpf ogt, %add3A_76, %gt3A_77 : vector<2000x128xf32>
    %div3A = arith.constant 2.000000e+00 : f32
    %div3A_79 = vector.broadcast %div3A : f32 to vector<2000x128xf32>
    %div3A_80 = arith.divf %add3A_76, %div3A_79 : vector<2000x128xf32>
    %exp3A = math.exp %div3A_80 : vector<2000x128xf32>
    %sub3A = arith.constant 1.000000e+00 : f32
    %sub3A_81 = vector.broadcast %sub3A : f32 to vector<2000x128xf32>
    %sub3A_82 = arith.subf %exp3A, %sub3A_81 : vector<2000x128xf32>
    %mul3A_83 = arith.constant 2.000000e+00 : f32
    %mul3A_84 = vector.broadcast %mul3A_83 : f32 to vector<2000x128xf32>
    %mul3A_85 = arith.mulf %mul3A_84, %sub3A_82 : vector<2000x128xf32>
    %select_n3A = arith.select %gt3A_78, %add3A_76, %mul3A_85 : vector<2000x128xi1>, vector<2000x128xf32>
    %get3A_86 = arith.constant 0 : index
    %get3A_87 = arith.constant 0 : index
    %get3A_88 = vector.load %arg8[%get3A_86, %get3A_87] : memref<128x128xf32, #tpu.memory_space<vmem>>, vector<128x128xf32>
    %dot_general3A_89 = arith.constant dense<0.000000e+00> : vector<2000x128xf32>
    %dot_general3A_90 = tpu.matmul %select_n3A, %get3A_88, %dot_general3A_89 {dimension_numbers = #tpu.dot_dimension_numbers<[1], [0], [0], [1], [0, 0, 1, 1], [], []>, transpose_lhs_hint = false} : vector<2000x128xf32>, vector<128x128xf32>, vector<2000x128xf32> -> vector<2000x128xf32>
    %get3A_91 = arith.constant 0 : index
    %get3A_92 = vector.load %arg9[%get3A_91] : memref<128xf32, #tpu.memory_space<vmem>>, vector<128xf32>
    %broadcast_in_dim3A_93 = vector.shape_cast %get3A_92 : vector<128xf32> to vector<1x128xf32>
    %add3A_94 = vector.broadcast %broadcast_in_dim3A_93 : vector<1x128xf32> to vector<2000x128xf32>
    %add3A_95 = arith.addf %dot_general3A_90, %add3A_94 : vector<2000x128xf32>
    %gt3A_96 = arith.constant 0.000000e+00 : f32
    %gt3A_97 = vector.broadcast %gt3A_96 : f32 to vector<2000x128xf32>
    %gt3A_98 = arith.cmpf ogt, %add3A_95, %gt3A_97 : vector<2000x128xf32>
    %div3A_99 = arith.constant 2.000000e+00 : f32
    %div3A_100 = vector.broadcast %div3A_99 : f32 to vector<2000x128xf32>
    %div3A_101 = arith.divf %add3A_95, %div3A_100 : vector<2000x128xf32>
    %exp3A_102 = math.exp %div3A_101 : vector<2000x128xf32>
    %sub3A_103 = arith.constant 1.000000e+00 : f32
    %sub3A_104 = vector.broadcast %sub3A_103 : f32 to vector<2000x128xf32>
    %sub3A_105 = arith.subf %exp3A_102, %sub3A_104 : vector<2000x128xf32>
    %mul3A_106 = arith.constant 2.000000e+00 : f32
    %mul3A_107 = vector.broadcast %mul3A_106 : f32 to vector<2000x128xf32>
    %mul3A_108 = arith.mulf %mul3A_107, %sub3A_105 : vector<2000x128xf32>
    %select_n3A_109 = arith.select %gt3A_98, %add3A_95, %mul3A_108 : vector<2000x128xi1>, vector<2000x128xf32>
    %get3A_110 = arith.constant 0 : index
    %get3A_111 = arith.constant 0 : index
    %get3A_112 = vector.load %arg10[%get3A_110, %get3A_111] : memref<128x128xf32, #tpu.memory_space<vmem>>, vector<128x128xf32>
    %dot_general3A_113 = arith.constant dense<0.000000e+00> : vector<2000x128xf32>
    %dot_general3A_114 = tpu.matmul %get3A_1, %get3A_112, %dot_general3A_113 {dimension_numbers = #tpu.dot_dimension_numbers<[1], [0], [0], [1], [0, 0, 1, 1], [], []>, transpose_lhs_hint = false} : vector<2000x128xf32>, vector<128x128xf32>, vector<2000x128xf32> -> vector<2000x128xf32>
    %get3A_115 = arith.constant 0 : index
    %get3A_116 = arith.constant 0 : index
    %get3A_117 = vector.load %arg11[%get3A_115, %get3A_116] : memref<128x128xf32, #tpu.memory_space<vmem>>, vector<128x128xf32>
    %dot_general3A_118 = arith.constant dense<0.000000e+00> : vector<2000x128xf32>
    %dot_general3A_119 = tpu.matmul %add3A_23, %get3A_117, %dot_general3A_118 {dimension_numbers = #tpu.dot_dimension_numbers<[1], [0], [0], [1], [0, 0, 1, 1], [], []>, transpose_lhs_hint = false} : vector<2000x128xf32>, vector<128x128xf32>, vector<2000x128xf32> -> vector<2000x128xf32>
    %add3A_120 = arith.addf %dot_general3A_114, %dot_general3A_119 : vector<2000x128xf32>
    %get3A_121 = arith.constant 0 : index
    %get3A_122 = arith.constant 0 : index
    %get3A_123 = vector.load %arg12[%get3A_121, %get3A_122] : memref<128x128xf32, #tpu.memory_space<vmem>>, vector<128x128xf32>
    %dot_general3A_124 = arith.constant dense<0.000000e+00> : vector<2000x128xf32>
    %dot_general3A_125 = tpu.matmul %select_n3A_109, %get3A_123, %dot_general3A_124 {dimension_numbers = #tpu.dot_dimension_numbers<[1], [0], [0], [1], [0, 0, 1, 1], [], []>, transpose_lhs_hint = false} : vector<2000x128xf32>, vector<128x128xf32>, vector<2000x128xf32> -> vector<2000x128xf32>
    %add3A_126 = arith.addf %add3A_120, %dot_general3A_125 : vector<2000x128xf32>
    %get3A_127 = arith.constant 0 : index
    %get3A_128 = vector.load %arg13[%get3A_127] : memref<128xf32, #tpu.memory_space<vmem>>, vector<128xf32>
    %broadcast_in_dim3A_129 = vector.shape_cast %get3A_128 : vector<128xf32> to vector<1x128xf32>
    %add3A_130 = vector.broadcast %broadcast_in_dim3A_129 : vector<1x128xf32> to vector<2000x128xf32>
    %add3A_131 = arith.addf %add3A_126, %add3A_130 : vector<2000x128xf32>
    %gt3A_132 = arith.constant 0.000000e+00 : f32
    %gt3A_133 = vector.broadcast %gt3A_132 : f32 to vector<2000x128xf32>
    %gt3A_134 = arith.cmpf ogt, %add3A_131, %gt3A_133 : vector<2000x128xf32>
    %div3A_135 = arith.constant 2.000000e+00 : f32
    %div3A_136 = vector.broadcast %div3A_135 : f32 to vector<2000x128xf32>
    %div3A_137 = arith.divf %add3A_131, %div3A_136 : vector<2000x128xf32>
    %exp3A_138 = math.exp %div3A_137 : vector<2000x128xf32>
    %sub3A_139 = arith.constant 1.000000e+00 : f32
    %sub3A_140 = vector.broadcast %sub3A_139 : f32 to vector<2000x128xf32>
    %sub3A_141 = arith.subf %exp3A_138, %sub3A_140 : vector<2000x128xf32>
    %mul3A_142 = arith.constant 2.000000e+00 : f32
    %mul3A_143 = vector.broadcast %mul3A_142 : f32 to vector<2000x128xf32>
    %mul3A_144 = arith.mulf %mul3A_143, %sub3A_141 : vector<2000x128xf32>
    %select_n3A_145 = arith.select %gt3A_134, %add3A_131, %mul3A_144 : vector<2000x128xi1>, vector<2000x128xf32>
    %get3A_146 = arith.constant 0 : index
    %get3A_147 = arith.constant 0 : index
    %get3A_148 = vector.load %arg14[%get3A_146, %get3A_147] : memref<128x128xf32, #tpu.memory_space<vmem>>, vector<128x128xf32>
    %dot_general3A_149 = arith.constant dense<0.000000e+00> : vector<2000x128xf32>
    %dot_general3A_150 = tpu.matmul %select_n3A_145, %get3A_148, %dot_general3A_149 {dimension_numbers = #tpu.dot_dimension_numbers<[1], [0], [0], [1], [0, 0, 1, 1], [], []>, transpose_lhs_hint = false} : vector<2000x128xf32>, vector<128x128xf32>, vector<2000x128xf32> -> vector<2000x128xf32>
    %get3A_151 = arith.constant 0 : index
    %get3A_152 = vector.load %arg15[%get3A_151] : memref<128xf32, #tpu.memory_space<vmem>>, vector<128xf32>
    %broadcast_in_dim3A_153 = vector.shape_cast %get3A_152 : vector<128xf32> to vector<1x128xf32>
    %add3A_154 = vector.broadcast %broadcast_in_dim3A_153 : vector<1x128xf32> to vector<2000x128xf32>
    %add3A_155 = arith.addf %dot_general3A_150, %add3A_154 : vector<2000x128xf32>
    %gt3A_156 = arith.constant 0.000000e+00 : f32
    %gt3A_157 = vector.broadcast %gt3A_156 : f32 to vector<2000x128xf32>
    %gt3A_158 = arith.cmpf ogt, %add3A_155, %gt3A_157 : vector<2000x128xf32>
    %div3A_159 = arith.constant 2.000000e+00 : f32
    %div3A_160 = vector.broadcast %div3A_159 : f32 to vector<2000x128xf32>
    %div3A_161 = arith.divf %add3A_155, %div3A_160 : vector<2000x128xf32>
    %exp3A_162 = math.exp %div3A_161 : vector<2000x128xf32>
    %sub3A_163 = arith.constant 1.000000e+00 : f32
    %sub3A_164 = vector.broadcast %sub3A_163 : f32 to vector<2000x128xf32>
    %sub3A_165 = arith.subf %exp3A_162, %sub3A_164 : vector<2000x128xf32>
    %mul3A_166 = arith.constant 2.000000e+00 : f32
    %mul3A_167 = vector.broadcast %mul3A_166 : f32 to vector<2000x128xf32>
    %mul3A_168 = arith.mulf %mul3A_167, %sub3A_165 : vector<2000x128xf32>
    %select_n3A_169 = arith.select %gt3A_158, %add3A_155, %mul3A_168 : vector<2000x128xi1>, vector<2000x128xf32>
    %swap3A = arith.constant 0 : index
    %swap3A_170 = arith.constant 0 : index
    %swap3A_171 = vector.load %arg16[%swap3A, %swap3A_170] : memref<2000x128xf32, #tpu.memory_space<vmem>>, vector<2000x128xf32>
    tpu.vector_store %arg16[%swap3A, %swap3A_170], %select_n3A_169 {strides = array<i32>} : memref<2000x128xf32, #tpu.memory_space<vmem>>, vector<2000x128xf32>,
    return
  }
  func.func @transform_0(%arg0: i32) -> (i32, i32) {
    %c0_i32 = arith.constant 0 : i32
    %c0_i32_0 = arith.constant 0 : i32
    return %arg0, %c0_i32 : i32, i32
  }
  func.func @transform_1(%arg0: i32) -> (i32, i32, i32) {
    %c0_i32 = arith.constant 0 : i32
    %c0_i32_0 = arith.constant 0 : i32
    %c0_i32_1 = arith.constant 0 : i32
    return %c0_i32, %arg0, %c0_i32_0 : i32, i32, i32
  }
  func.func @transform_2(%arg0: i32) -> (i32, i32, i32) {
    %c0_i32 = arith.constant 0 : i32
    %c0_i32_0 = arith.constant 0 : i32
    %c0_i32_1 = arith.constant 0 : i32
    return %c0_i32, %arg0, %c0_i32_0 : i32, i32, i32
  }
  func.func @transform_3(%arg0: i32) -> (i32, i32, i32) {
    %c0_i32 = arith.constant 0 : i32
    %c0_i32_0 = arith.constant 0 : i32
    %c0_i32_1 = arith.constant 0 : i32
    return %c0_i32, %arg0, %c0_i32_0 : i32, i32, i32
  }
  func.func @transform_4(%arg0: i32) -> (i32, i32, i32) {
    %c0_i32 = arith.constant 0 : i32
    %c0_i32_0 = arith.constant 0 : i32
    %c0_i32_1 = arith.constant 0 : i32
    return %c0_i32, %arg0, %c0_i32_0 : i32, i32, i32
  }
  func.func @transform_5(%arg0: i32) -> (i32, i32) {
    %c0_i32 = arith.constant 0 : i32
    %c0_i32_0 = arith.constant 0 : i32
    %c0_i32_1 = arith.constant 0 : i32
    return %c0_i32, %c0_i32_0 : i32, i32
  }
  func.func @transform_6(%arg0: i32) -> i32 {
    %c0_i32 = arith.constant 0 : i32
    %c0_i32_0 = arith.constant 0 : i32
    return %c0_i32 : i32
  }
  func.func @transform_7(%arg0: i32) -> (i32, i32) {
    %c0_i32 = arith.constant 0 : i32
    %c0_i32_0 = arith.constant 0 : i32
    %c0_i32_1 = arith.constant 0 : i32
    return %c0_i32, %c0_i32_0 : i32, i32
  }
  func.func @transform_8(%arg0: i32) -> i32 {
    %c0_i32 = arith.constant 0 : i32
    %c0_i32_0 = arith.constant 0 : i32
    return %c0_i32 : i32
  }
  func.func @transform_9(%arg0: i32) -> (i32, i32) {
    %c0_i32 = arith.constant 0 : i32
    %c0_i32_0 = arith.constant 0 : i32
    %c0_i32_1 = arith.constant 0 : i32
    return %c0_i32, %c0_i32_0 : i32, i32
  }
  func.func @transform_10(%arg0: i32) -> (i32, i32) {
    %c0_i32 = arith.constant 0 : i32
    %c0_i32_0 = arith.constant 0 : i32
    %c0_i32_1 = arith.constant 0 : i32
    return %c0_i32, %c0_i32_0 : i32, i32
  }
  func.func @transform_11(%arg0: i32) -> (i32, i32) {
    %c0_i32 = arith.constant 0 : i32
    %c0_i32_0 = arith.constant 0 : i32
    %c0_i32_1 = arith.constant 0 : i32
    return %c0_i32, %c0_i32_0 : i32, i32
  }
  func.func @transform_12(%arg0: i32) -> i32 {
    %c0_i32 = arith.constant 0 : i32
    %c0_i32_0 = arith.constant 0 : i32
    return %c0_i32 : i32
  }
  func.func @transform_13(%arg0: i32) -> (i32, i32) {
    %c0_i32 = arith.constant 0 : i32
    %c0_i32_0 = arith.constant 0 : i32
    %c0_i32_1 = arith.constant 0 : i32
    return %c0_i32, %c0_i32_0 : i32, i32
  }
  func.func @transform_14(%arg0: i32) -> i32 {
    %c0_i32 = arith.constant 0 : i32
    %c0_i32_0 = arith.constant 0 : i32
    return %c0_i32 : i32
  }
  func.func @transform_15(%arg0: i32) -> (i32, i32) {
    %c0_i32 = arith.constant 0 : i32
    %c0_i32_0 = arith.constant 0 : i32
    return %arg0, %c0_i32 : i32, i32
  }
}

</mosaic_0001>

<sc_bundles>
// kernel: kernel.11.cloned.1.call-start
scs
__scs_entry_jumppad:
0x0: {  	(pc) =	sbr.rel $0x88, $3  }
0x1: {  	(tag) =	ssettag $0x0;
	lr =	simm.s32 $0x1  }
0x2: {  	[smem:$0x3F84] =	sst lr;
	_ =	strace $0xD0000000  }
0x3: {  	_ = 	snop  }
0x4: {  	_ = 	snop  }
0x5: {  	_ = 	snop  }
0x6: {  	_ = 	snop  }
0x7: {  	_ = 	snop  }
__scs_overlays_trampoline_lowered:
0x8: {  	[smem:$0x3F93] =	sst s0  }
0x9: {  	[smem:$0x3F94] =	sst s1  }
0xa: {  	[smem:$0x3F95] =	sst s2  }
0xb: {  	[smem:$0x3F96] =	sst s3  }
0xc: {  	[smem:$0x3F97] =	sst s4  }
0xd: {  	[smem:$0x3F98] =	sst s5  }
0xe: {  	[smem:$0x3F99] =	sst s6  }
0xf: {  	[smem:$0x3F9A] =	sst s7  }
0x10: {  	[smem:$0x3F9B] =	sst s8  }
0x11: {  	[smem:$0x3F9C] =	sst s9;
	s0 =	simm.s32 @!p0 $0x0  }
0x12: {  	s1 =	sld [smem:$0x3F82];
	s0 =	simm.s32 @p0 $0x1  }
0x13: {  	[smem:$0x3F9D] =	sst s0;
	s0 =	simm.s32 @!p1 $0x0  }
0x14: {  	s2 =	sld [smem:$0x3F81];
	s0 =	simm.s32 @p1 $0x1  }
0x15: {  	[smem:$0x3F9E] =	sst s0;
	s0 =	simm.s32 @!p2 $0x0  }
0x16: {  	s3 =	sld [smem:$0x3FDB];
	s0 =	simm.s32 @p2 $0x1  }
0x17: {  	s4 =	simm.s32 $0x1BF5;
	[smem:$0x3FA0] =	sst s0  }
0x18: {  	s0 =	sld [smem:$0x3F83];
	_ =	swait.ge [sflag:s4], $0x0  }
0x19: {  	s7 =	sld [smem:$0x3F84]  }
0x1a: {  	s8 =	sadd.s32 $0xFFFFE003, lr  }
0x1b: {  	s9 =	sadd.s32 $0xFFFFFEF7, lr;
	s5 =	simm.s32 $0xFFFFFFFF;
	p2 =	slt.u32 s8, $0xFFFFF086  }
0x1c: {  	p1 =	slt.u32 s9, $0xF7A;
	s5 =	simm.s32 @!p2 $0x0  }
0x1d: {  	s5 =	simm.s32 @p1 $0x1;
	p0 =	seq.s32 s7, s2  }
0x1e: {  	s7 =	smul.u32 @!p0 $0xF7A, s2;
	p2 =	seq.s32 @!p0 s5, $0x0  }
0x1f: {  	s9 =	smul.u32 $0xF7A, s1;
	s8 =	simm.s32 @!p0 $0x1BF5;
	p2 =	por !p2, p0  }
0x20: {  	[sflag:s8] =	ssyncset.s32 @!p0 $0xFFFFF086;
	s6 =	sadd.s32 @!p0 s3, s7;
	s7 =	simm.s32 @!p0 $0x108  }
0x21: {  	s3 =	sadd.s32 s3, s9;
	s6 =	sadd.s32 @!p0 $0x88, s6;
	s7 =	simm.s32 @p2 $0x1082  }
0x22: {  	[simem:s7], [sflag:s8] =	dma.local @!p0 [hbm:s6], $0xF7A  }
0x23: {  	s9 =	sor.u32 $0xD0000000, s2;
	s6 =	simm.s32 $0x108;
	_ =	swait.ge @!p0 [sflag:s8], $0x0  }
0x24: {  	s3 =	sadd.s32 $0x88, s3;
	s6 =	simm.s32 @!p1 $0x1082;
	[sflag:s4] =	ssyncset.s32 $0xFFFFF086  }
0x25: {  	[simem:s6], [sflag:s4] =	dma.local [hbm:s3], $0xF7A  }
0x26: {  	[smem:$0x3F84] =	sst s1;
	(tag) =	ssettag s2;
	_ =	strace s9  }
0x27: {  	s1 =	sld [smem:$0x3F94]  }
0x28: {  	s2 =	sld [smem:$0x3F95]  }
0x29: {  	s4 =	sld [smem:$0x3F97]  }
0x2a: {  	p0 =	seq.s32 s5, $0x0;
	s5 =	sld [smem:$0x3F98]  }
0x2b: {  	s6 =	sld [smem:$0x3F99]  }
0x2c: {  	s7 =	sld [smem:$0x3F9A]  }
0x2d: {  	s3 =	simm.s32 $0x108;
	s8 =	sld [smem:$0x3F9B]  }
0x2e: {  	s3 =	simm.s32 @!p0 $0x1082;
	s9 =	sld [smem:$0x3F9C]  }
0x2f: {  	lr =	sadd.s32 s0, s3;
	s0 =	sld [smem:$0x3F93]  }
0x30: {  	s3 =	sld [smem:$0x3F96]  }
0x31: {  	[smem:$0x3F9F] =	sst s10  }
0x32: {  	s10 =	sld [smem:$0x3F9D];
	_ =	sdelay $0x3  }
0x33: {  	p0 =	seq.s32 s10, $0x1;
	s10 =	sld [smem:$0x3F9F];
	_ =	sdelay $0x3  }
0x34: {  	[smem:$0x3F9F] =	sst s10  }
0x35: {  	s10 =	sld [smem:$0x3F9E];
	_ =	sdelay $0x3  }
0x36: {  	p1 =	seq.s32 s10, $0x1;
	s10 =	sld [smem:$0x3F9F];
	_ =	sdelay $0x3  }
0x37: {  	[smem:$0x3F9F] =	sst s10  }
0x38: {  	s10 =	sld [smem:$0x3FA0]  }
0x39: {  	_ = 	snop;
	(pc) =	sbr.ind lr, $3  }
0x3a: {  	_ = 	snop  }
0x3b: {  	_ = 	snop  }
0x3c: {  	p2 =	seq.s32 s10, $0x1;
	s10 =	sld [smem:$0x3F9F]  }
0x3d: {  	_ =	shalt  }
0x3e: {  	_ =	shalt  }
0x3f: {  	_ =	shalt  }
0x40: {  	_ =	shalt  }
0x41: {  	_ =	shalt  }
0x42: {  	_ =	shalt  }
0x43: {  	_ =	shalt  }
0x44: {  	_ =	shalt  }
0x45: {  	_ =	shalt  }
0x46: {  	_ =	shalt  }
0x47: {  	_ =	shalt  }
0x48: {  	_ =	shalt  }
0x49: {  	_ =	shalt  }
0x4a: {  	_ =	shalt  }
0x4b: {  	_ =	shalt  }
0x4c: {  	_ =	shalt  }
0x4d: {  	_ =	shalt  }
0x4e: {  	_ =	shalt  }
0x4f: {  	_ =	shalt  }
0x50: {  	_ =	shalt  }
0x51: {  	_ =	shalt  }
0x52: {  	_ =	shalt  }
0x53: {  	_ =	shalt  }
0x54: {  	_ =	shalt  }
0x55: {  	_ =	shalt  }
0x56: {  	_ =	shalt  }
0x57: {  	_ =	shalt  }
0x58: {  	_ =	shalt  }
0x59: {  	_ =	shalt  }
0x5a: {  	_ =	shalt  }
0x5b: {  	_ =	shalt  }
0x5c: {  	_ =	shalt  }
0x5d: {  	_ =	shalt  }
0x5e: {  	_ =	shalt  }
0x5f: {  	_ =	shalt  }
0x60: {  	_ =	shalt  }
0x61: {  	_ =	shalt  }
0x62: {  	_ =	shalt  }
0x63: {  	_ =	shalt  }
0x64: {  	_ =	shalt  }
0x65: {  	_ =	shalt  }
0x66: {  	_ =	shalt  }
0x67: {  	_ =	shalt  }
0x68: {  	_ =	shalt  }
0x69: {  	_ =	shalt  }
0x6a: {  	_ =	shalt  }
0x6b: {  	_ =	shalt  }
0x6c: {  	_ =	shalt  }
0x6d: {  	_ =	shalt  }
0x6e: {  	_ =	shalt  }
0x6f: {  	_ =	shalt  }
0x70: {  	_ =	shalt  }
0x71: {  	_ =	shalt  }
0x72: {  	_ =	shalt  }
0x73: {  	_ =	shalt  }
0x74: {  	_ =	shalt  }
0x75: {  	_ =	shalt  }
0x76: {  	_ =	shalt  }
0x77: {  	_ =	shalt  }
0x78: {  	_ =	shalt  }
0x79: {  	_ =	shalt  }
0x7a: {  	_ =	shalt  }
0x7b: {  	_ =	shalt  }
0x7c: {  	_ =	shalt  }
0x7d: {  	_ =	shalt  }
0x7e: {  	_ =	shalt  }
0x7f: {  	_ =	shalt  }
0x80: {  	_ =	shalt  }
0x81: {  	_ =	shalt  }
0x82: {  	_ =	shalt  }
0x83: {  	_ =	shalt  }
0x84: {  	_ =	shalt  }
0x85: {  	_ =	shalt  }
0x86: {  	_ =	shalt  }
0x87: {  	_ =	shalt  }
.Lfunc_end0:
.L_simem_size_0:
called_computation_lowered:
.L_overlay_start_0:
0x88: {  	s2 =	sld [smem:$0x3FD9]  }
0x89: {  	s3 =	sld [smem:$0x3FFE];
	_ =	sdelay $0x1  }
0x8a: {  	s1 =	srdreg.scid  }
0x8b: {  	s0 =	sand.u32 $0x1, s1  }
0x8c: {  	s17 =	sshll.u32 s0, $0xA;
	s2 =	sadd.s32 s3, s2  }
0x8d: {  	s2 =	sadd.s32 s2, s17  }
0x8e: {  	[smem:$0x3FAB] =	sst s2  }
0x8f: {  	_ = 	snop  }
0x90: {  	s4 =	sld [smem:$0x3FC9]  }
0x91: {  	s18 =	sld [smem:$0x3FD0];
	(tm) =	ssettm $0x1  }
0x92: {  	s19 =	sld [smem:$0x3FFB];
	_ =	sdelay $0x3  }
0x93: {  	_ =	strace s19  }
0x94: {  	s2 =	sld [smem:$0x3FFC];
	_ =	sdelay $0x3  }
0x95: {  	_ =	strace s2  }
0x96: {  	s2 =	sld [smem:$0x3FFD];
	_ =	sdelay $0x3  }
0x97: {  	_ =	strace s2  }
0x98: {  	_ =	strace $0x8FFFFFFF  }
0x99: {  	s20 =	sld [smem:$0x3FDB];
	_ =	sdelay $0x1  }
0x9a: {  	s5 =	simm.s32 $_scs_section_size  }
0x9b: {  	s6 =	simm.s32 $_size__tile_overlayer_lowered;
	s7 =	simm.s32 $_tile_overlayer_lowered  }
0x9c: {  	s8 =	simm.s32 $0x1BFF;
	s21 =	sshll.u32 s7, $0x1;
	s5 =	sadd.s32 s5, s20  }
0x9d: {  	s22 =	simm.s32 $0x0;
	s6 =	sshll.u32 s6, $0x1;
	s7 =	sadd.s32 s21, s5  }
0x9e: {  	[timem:s22], [sflag:s8] =	dma.local [hbm:s7], s6  }
0x9f: {  	_ =	swait.ge [sflag:s8], s6  }
0xa0: {  	s6 =	ssub.s32 $0x0, s6;
	[sflag:s8] =	ssyncset.done $0x0  }
0xa1: {  	[sflag:s8] =	ssyncadd.s32 s6;
	_ =	sdelay $0x1  }
0xa2: {  	s23 =	simm.s32 $0x1B8B  }
0xa3: {  	_ =	swait.ge [sflag:s23], $0x1  }
0xa4: {  	[sflag:s23] =	ssyncset.done $0x0  }
0xa5: {  	[sflag:s23] =	ssyncadd.s32 $0xFFFFFFFF  }
0xa6: {  	s6 =	sld [smem:$0x0]  }
0xa7: {  	s7 =	sand.u32 $0xFFFFFFFE, s1  }
0xa8: {  	p0 =	sne.s32 s1, s7  }
0xa9: {  	s7 =	sshll.u32 @p0 s7, $0xE  }
0xaa: {  	s7 =	sadd.s32 @p0 $0x11B8D, s7;
	s8 =	sshll.u32 @p0 s6, $0x11  }
0xab: {  	s7 =	sor.u32 @p0 s8, s7  }
0xac: {  	[sflag:s7] =	ssyncadd.remote.s32 @p0 $0x1;
	_ =	sdelay $0x1  }
0xad: {  	s7 =	simm.s32 @p0 $0x1B8D  }
0xae: {  	_ =	swait.eq @p0 [sflag:s7], $0x1  }
0xaf: {  	[sflag:s7] =	ssyncadd.s32 @p0 $0xFFFFFFFF  }
0xb0: {  	s8 =	sshll.u32 @!p0 s1, $0xE  }
0xb1: {  	s8 =	sor.u32 @!p0 $0x4000, s8;
	s7 =	simm.s32 @!p0 $0x1B8D  }
0xb2: {  	s6 =	sshll.u32 @!p0 s6, $0x11;
	s8 =	sadd.s32 @!p0 $0x11B8D, s8;
	_ =	swait.eq @!p0 [sflag:s7], $0x1  }
0xb3: {  	s6 =	sor.u32 @!p0 s6, s8;
	[sflag:s7] =	ssyncadd.s32 @!p0 $0xFFFFFFFF  }
0xb4: {  	s25 =	simm.s32 $0x1B8E;
	s24 =	sld [smem:$0x3FFE];
	[sflag:s6] =	ssyncadd.remote.s32 @!p0 $0x1  }
0xb5: {  	s26 =	simm.s32 $execute0_lowered;
	[smem:$0x3FD2] =	sst s25  }
0xb6: {  	s7 =	sshll.u32 s26, $0x1;
	_ =	strace $0x80000049;
	[dreg:$0x1] =	wrdreg $0xFFFFFFFF  }
0xb7: {  	s28 =	simm.s32 $_size_execute0_lowered;
	s5 =	sadd.s32 s5, s7;
	[dreg:$0x0] =	wrdreg $0x0  }
0xb8: {  	s7 =	sshll.u32 s28, $0x1;
	[dreg:$0x2] =	wrdreg s5  }
0xb9: {  	[dreg:$0x3] =	wrdreg s7  }
0xba: {  	[dreg:$0x4] =	wrdreg $0xC0  }
0xbb: {  	_ =	task [dreg:s22], $0x5FFFF  }
0xbc: {  	[dreg:$0x1] =	wrdreg $0xFFFFFFFF  }
0xbd: {  	[dreg:$0x0] =	wrdreg $0x60  }
0xbe: {  	[dreg:$0x2] =	wrdreg s4  }
0xbf: {  	[dreg:$0x3] =	wrdreg s24  }
0xc0: {  	[dreg:$0x4] =	wrdreg s18  }
0xc1: {  	[dreg:$0x5] =	wrdreg $0xB  }
0xc2: {  	_ =	task.clear_ibuf [dreg:s22], $0x6FFFF;
	_ =	strace $0x90000049  }
0xc3: {  	s29 =	simm.s32 $0xB;
	_ =	strace $0x8000004B  }
0xc4: {  	_ =	swait.ge [sflag:s29], $0x1  }
0xc5: {  	[sflag:s29] =	ssyncadd.s32 $0xFFFFFFFF  }
0xc6: {  	_ =	strace $0x9000004B  }
0xc7: {  	_ =	sfence  }
0xc8: {  	s30 =	sld [smem:$0x0];
	_ =	sdelay $0x2  }
0xc9: {  	s31 =	sshll.u32 s1, $0xD;
	s1 =	sshrl.u32 s1, $0x2  }
0xca: {  	s4 =	sand.u32 $0x4000, s31;
	s1 =	sadd.s32 s1, s30  }
0xcb: {  	s0 =	sor.u32 s4, s0;
	s1 =	sshll.u32 s1, $0x11  }
0xcc: {  	s0 =	sor.u32 s1, s0  }
0xcd: {  	s0 =	sadd.s32 $0x8F2B, s0  }
0xce: {  	[sflag:s0] =	ssyncadd.remote.s32 $0x1  }
0xcf: {  	_ =	sfence.sel $0xFFFF  }
0xd0: {  	[dreg:$0x0] =	wrdreg $0xFFFFFFFF;
	(pc) =	sbr.abs _section_cstart, $3  }
0xd1: {  	[dreg:$0x1] =	wrdreg $0xFFFFFFFF  }
0xd2: {  	_ =	task.clear_ibuf [dreg:s22], $0x2FFFF;
	_ =	strace $0x9FFFFFFF  }
0xd3: {  	(tm) =	ssettm $0x7FFFFFFF  }
tec
execute0_lowered:
.L_overlay_start_1:
0x0: {  	(tag) =	ssettag $0x1  }
0x1: {  	s1 =	rddreg [dreg:$0x0]  }
0x2: {  	s4 =	rddreg [dreg:$0x1]  }
0x3: {  	s5 =	rddreg [dreg:$0x2]  }
0x4: {  	s0 =	rddreg [dreg:$0x3]  }
0x5: {  	s3 =	simm.s32 $0x0;
	s6 =	srdreg.scid;
	s2 =	stileid.u32  }
0x6: {  	[smem:$0x7FF] =	sst s3;
	s6 =	sand.u32 $0x1, s6;
	s7 =	sshll.u32 s2, $0x5  }
0x7: {  	s8 =	sshll.u32 s2, $0xC;
	_ =	strace $0x8000004A;
	s9 =	ssub.s32 $0x2, s6  }
0x8: {  	s10 =	sadd.s32 s7, s4;
	s8 =	sadd.s32 s8, s4;
	s7 =	sadd.s32 s7, s5  }
0x9: {  	s11 =	sshll.u32 s6, $0x4;
	s4 =	sshll.u32 s2, $0x1;
	s12 =	sshll.u32 s6, $0xB  }
0xa: {  	s30 =	sshrl.u32 s9, $0x1;
	s10 =	sadd.s32 s11, s10;
	s31 =	sadd.s32 s12, s8  }
0xb: {  	s7 =	sadd.s32 s11, s7;
	s9 =	ssub.s32 s9, s30;
	s6 =	sadd.s32 $0x4F6C00, s10  }
0xc: {  	s8 =	sadd.s32 $0x76CC00, s31;
	s5 =	smax.u32 s9, $0x1;
	s9 =	sadd.s32 $0x4FBC00, s31  }
.LBB2_1:
0xd: {  	p0 =	sgt.u32 s4, $0x4E1  }
0xe: {  	s10 =	sadd.s32 @!p0 $0x0, s6;
	s11 =	simm.s32 @!p0 $0x0;
	s14 =	simm.s32 @!p0 $0x4  }
0xf: {  	[tilespmem:s11], [sflag:$0x4] =	stream.linear.gather @!p0 [hbm4b:s10+s11], $0x80, $0x38;
	[tilespmem:$0x8100] =	vst v63  }
0x10: {  	_ =	swait.ge @!p0 [sflag:s14], $0x80;
	p0 =	por p0, p0  }
0x11: {  	[sflag:s14] =	ssyncset.done @!p0 $0x0  }
0x12: {  	s10 =	sadd.s32 @!p0 $0x0, s7;
	s12 =	simm.s32 @!p0 $0x80;
	[sflag:s14] =	ssyncadd.s32 @!p0 $0xFFFFFF80  }
0x13: {  	[tilespmem:s12], [sflag:$0x4] =	stream.linear.gather @!p0 [hbm4b:s10+s11], $0x80, $0x38;
	[tilespmem:$0x8100] =	vst v63  }
0x14: {  	_ =	swait.ge @!p0 [sflag:s14], $0x80  }
0x15: {  	[sflag:s14] =	ssyncset.done @!p0 $0x0  }
0x16: {  	s10 =	simm.s32 @!p0 $0x100;
	[sflag:s14] =	ssyncadd.s32 @!p0 $0xFFFFFF80  }
0x17: {  	[tilespmem:s10], [sflag:$0x1] =	stream.indirect.gather @!p0 [hbm4b:s1+s12], $0x80, s11, s12, $0xb8;
	[tilespmem:$0x8100] =	vst v63  }
0x18: {  	s15 =	simm.s32 @!p0 $0x4100;
	s13 =	simm.s32 @!p0 $0x1  }
0x19: {  	[tilespmem:s15], [sflag:$0x2] =	stream.indirect.gather @!p0 [hbm4b:s1+s12], $0x80, s12, s12, $0xb8;
	[tilespmem:$0x8100] =	vst v63  }
0x1a: {  	_ =	swait.ge @!p0 [sflag:s13], $0x4000  }
0x1b: {  	[sflag:s13] =	ssyncset.done @!p0 $0x0  }
0x1c: {  	s12 =	simm.s32 @!p0 $0x2;
	[sflag:s13] =	ssyncadd.s32 @!p0 $0xFFFFC000  }
0x1d: {  	_ =	swait.ge @!p0 [sflag:s12], $0x4000  }
0x1e: {  	[sflag:s12] =	ssyncset.done @!p0 $0x0  }
0x1f: {  	[sflag:s12] =	ssyncadd.s32 @!p0 $0xFFFFC000  }
0x20: {  	[hbm4b:s9+s11] =	stream.linear.scatter @!p0 [tilespmem:s10], [sflag:$0x4], $0x4000, $0x38;
	[tilespmem:$0x8100] =	vst v63  }
0x21: {  	_ =	swait.ge @!p0 [sflag:s14], $0x4000  }
0x22: {  	[sflag:s14] =	ssyncset.done @!p0 $0x0  }
0x23: {  	s13 =	simm.s32 $0x400;
	s12 =	simm.s32 $0x200;
	[sflag:s14] =	ssyncadd.s32 @!p0 $0xFFFFC000  }
0x24: {  	[hbm4b:s8+s11] =	stream.linear.scatter @!p0 [tilespmem:s15], [sflag:$0x3], $0x4000, $0x38;
	[tilespmem:$0x8100] =	vst v63  }
0x25: {  	s10 =	sadd.s32 $0x10000, s9;
	s14 =	sadd.s32 $0x20, s4;
	s15 =	simm.s32 @!p0 $0x3  }
0x26: {  	p2 =	sgt.u32 s14, $0x4E1;
	s11 =	sadd.s32 $0x10000, s8;
	_ =	swait.ge @!p0 [sflag:s15], $0x4000  }
.LBB2_2:
0x27: {  	s16 =	sadd.s32 @!p2 s12, s6  }
0x28: {  	s17 =	simm.s32 @!p2 $0x0;
	[sflag:s15] =	ssyncset.done @!p0 $0x0;
	s18 =	smov.u32 s13  }
0x29: {  	s13 =	sadd.s32 $0x200, s13;
	s19 =	simm.s32 @!p2 $0x4;
	[sflag:s15] =	ssyncadd.s32 @!p0 $0xFFFFC000  }
0x2a: {  	[tilespmem:s17], [sflag:$0x4] =	stream.linear.gather @!p2 [hbm4b:s16+s17], $0x80, $0x38;
	[tilespmem:$0x8100] =	vst v63  }
0x2b: {  	p1 =	sne.s32 s13, $0x5000;
	p0 =	por p2, p2;
	_ =	swait.ge @!p2 [sflag:s19], $0x80  }
0x2c: {  	[sflag:s19] =	ssyncset.done @!p0 $0x0  }
0x2d: {  	s12 =	sadd.s32 @!p0 s12, s7;
	s15 =	simm.s32 @!p0 $0x80;
	[sflag:s19] =	ssyncadd.s32 @!p0 $0xFFFFFF80  }
0x2e: {  	[tilespmem:s15], [sflag:$0x4] =	stream.linear.gather @!p0 [hbm4b:s12+s17], $0x80, $0x38;
	[tilespmem:$0x8100] =	vst v63  }
0x2f: {  	s12 =	smov.u32 s18;
	_ =	swait.ge @!p0 [sflag:s19], $0x80  }
0x30: {  	[sflag:s19] =	ssyncset.done @!p0 $0x0  }
0x31: {  	s16 =	simm.s32 @!p0 $0x100;
	[sflag:s19] =	ssyncadd.s32 @!p0 $0xFFFFFF80  }
0x32: {  	[tilespmem:s16], [sflag:$0x1] =	stream.indirect.gather @!p0 [hbm4b:s1+s15], $0x80, s17, s15, $0xb8;
	[tilespmem:$0x8100] =	vst v63  }
0x33: {  	s20 =	simm.s32 @!p0 $0x1;
	s18 =	simm.s32 @!p0 $0x4100  }
0x34: {  	[tilespmem:s18], [sflag:$0x2] =	stream.indirect.gather @!p0 [hbm4b:s1+s15], $0x80, s15, s15, $0xb8;
	[tilespmem:$0x8100] =	vst v63  }
0x35: {  	_ =	swait.ge @!p0 [sflag:s20], $0x4000  }
0x36: {  	[sflag:s20] =	ssyncset.done @!p0 $0x0  }
0x37: {  	s15 =	simm.s32 @!p0 $0x2;
	[sflag:s20] =	ssyncadd.s32 @!p0 $0xFFFFC000  }
0x38: {  	_ =	swait.ge @!p0 [sflag:s15], $0x4000  }
0x39: {  	[sflag:s15] =	ssyncset.done @!p0 $0x0  }
0x3a: {  	[sflag:s15] =	ssyncadd.s32 @!p0 $0xFFFFC000  }
0x3b: {  	[hbm4b:s10+s17] =	stream.linear.scatter @!p0 [tilespmem:s16], [sflag:$0x4], $0x4000, $0x38;
	[tilespmem:$0x8100] =	vst v63  }
.Ltmp0:
0x3c: {  	_ =	swait.ge @!p0 [sflag:s19], $0x4000;
	(pc) =	sbr.rel @p1 .LBB2_2-.Ltmp0, $4  }
0x3d: {  	s10 =	sadd.s32 $0x10000, s10;
	[sflag:s19] =	ssyncset.done @!p0 $0x0  }
0x3e: {  	s14 =	sadd.s32 $0x20, s14;
	s15 =	simm.s32 @!p0 $0x3;
	[sflag:s19] =	ssyncadd.s32 @!p0 $0xFFFFC000  }
0x3f: {  	[hbm4b:s11+s17] =	stream.linear.scatter @!p0 [tilespmem:s18], [sflag:$0x3], $0x4000, $0x38;
	[tilespmem:$0x8100] =	vst v63  }
0x40: {  	p2 =	sgt.u32 s14, $0x4E1;
	s11 =	sadd.s32 $0x10000, s11;
	_ =	swait.ge @!p0 [sflag:s15], $0x4000  }
0x41: {  	s13 =	sadd.s32 @!p2 s12, s6;
	[sflag:s15] =	ssyncset.done @!p0 $0x0  }
0x42: {  	s14 =	simm.s32 @!p2 $0x0;
	s16 =	simm.s32 @!p2 $0x4;
	[sflag:s15] =	ssyncadd.s32 @!p0 $0xFFFFC000  }
0x43: {  	[tilespmem:s14], [sflag:$0x4] =	stream.linear.gather @!p2 [hbm4b:s13+s14], $0x80, $0x38;
	[tilespmem:$0x8100] =	vst v63  }
0x44: {  	p0 =	por p2, p2;
	_ =	swait.ge @!p2 [sflag:s16], $0x80  }
0x45: {  	[sflag:s16] =	ssyncset.done @!p0 $0x0  }
0x46: {  	s12 =	sadd.s32 @!p0 s12, s7;
	s13 =	simm.s32 @!p0 $0x80;
	[sflag:s16] =	ssyncadd.s32 @!p0 $0xFFFFFF80  }
0x47: {  	[tilespmem:s13], [sflag:$0x4] =	stream.linear.gather @!p0 [hbm4b:s12+s14], $0x80, $0x38;
	[tilespmem:$0x8100] =	vst v63  }
0x48: {  	_ =	swait.ge @!p0 [sflag:s16], $0x80  }
0x49: {  	[sflag:s16] =	ssyncset.done @!p0 $0x0  }
0x4a: {  	s12 =	simm.s32 @!p0 $0x100;
	[sflag:s16] =	ssyncadd.s32 @!p0 $0xFFFFFF80  }
0x4b: {  	[tilespmem:s12], [sflag:$0x1] =	stream.indirect.gather @!p0 [hbm4b:s1+s13], $0x80, s14, s13, $0xb8;
	[tilespmem:$0x8100] =	vst v63  }
0x4c: {  	s15 =	simm.s32 @!p0 $0x4100;
	s17 =	simm.s32 @!p0 $0x1  }
0x4d: {  	[tilespmem:s15], [sflag:$0x2] =	stream.indirect.gather @!p0 [hbm4b:s1+s13], $0x80, s13, s13, $0xb8;
	[tilespmem:$0x8100] =	vst v63  }
0x4e: {  	_ =	swait.ge @!p0 [sflag:s17], $0x4000  }
0x4f: {  	[sflag:s17] =	ssyncset.done @!p0 $0x0  }
0x50: {  	s13 =	simm.s32 @!p0 $0x2;
	[sflag:s17] =	ssyncadd.s32 @!p0 $0xFFFFC000  }
0x51: {  	_ =	swait.ge @!p0 [sflag:s13], $0x4000  }
0x52: {  	[sflag:s13] =	ssyncset.done @!p0 $0x0  }
0x53: {  	[sflag:s13] =	ssyncadd.s32 @!p0 $0xFFFFC000  }
0x54: {  	[hbm4b:s10+s14] =	stream.linear.scatter @!p0 [tilespmem:s12], [sflag:$0x4], $0x4000, $0x38;
	[tilespmem:$0x8100] =	vst v63  }
0x55: {  	s3 =	sadd.s32 $0x1, s3;
	_ =	swait.ge @!p0 [sflag:s16], $0x4000  }
0x56: {  	p1 =	sne.s32 s3, s5;
	[sflag:s16] =	ssyncset.done @!p0 $0x0  }
.Ltmp1:
0x57: {  	s10 =	simm.s32 @!p0 $0x3;
	[sflag:s16] =	ssyncadd.s32 @!p0 $0xFFFFC000;
	(pc) =	sbr.rel @p1 .LBB2_1-.Ltmp1, $4  }
0x58: {  	[hbm4b:s11+s14] =	stream.linear.scatter @!p0 [tilespmem:s15], [sflag:$0x3], $0x4000, $0x38;
	[tilespmem:$0x8100] =	vst v63  }
0x59: {  	_ =	swait.ge @!p0 [sflag:s10], $0x4000  }
0x5a: {  	[sflag:s10] =	ssyncset.done @!p0 $0x0  }
0x5b: {  	[sflag:s10] =	ssyncadd.s32 @!p0 $0xFFFFC000  }
0x5c: {  	_ =	sfence.sel $0x180000  }
0x5d: {  	[bflag:$0x0] =	sbarrier.arrive $0xFFFF  }
0x5e: {  	p0 =	sne.s32 s2, $0x0;
	_ =	strace $0x9000004A  }
0x5f: {  	s0 =	sadd.s32 @!p0 $0x100000, s0;
	[bflag:$0x2] =	sbarrier.arrive $0xFFFF  }
0x60: {  	[sflag:s0] =	ssyncadd.tile.s32 @!p0 $0x1;
	_ =	shalt  }
.Lfunc_end2:
_tile_overlayer_lowered:
.L_overlay_start_2:
0x61: {  	(tag) =	ssettag $0x2  }
0x62: {  	s0 =	rddreg [dreg:$0x0];
	s2 =	stileid.u32  }
0x63: {  	s1 =	rddreg [dreg:$0x1];
	p0 =	sne.s32 s2, $0x0  }
0x64: {  	s3 =	rddreg [dreg:$0x2];
	[bflag:$0x3] =	sbarrier.arrive $0xFFFF;
	s2 =	simm.s32 @!p0 $0x1C03  }
0x65: {  	[timem:s3], [sflag:s2] =	dma.local @!p0 [hbm:s0], s1  }
0x66: {  	s0 =	simm.s32 @!p0 $0x3  }
0x67: {  	_ =	swait.ge @!p0 [sflag:s0], s1  }
0x68: {  	s1 =	ssub.s32 @!p0 $0x0, s1;
	[sflag:s0] =	ssyncset.done @!p0 $0x0  }
0x69: {  	[sflag:s0] =	ssyncadd.s32 @!p0 s1  }
0x6a: {  	[bflag:$0x3] =	sbarrier.arrive $0xFFFF  }
0x6b: {  	_ =	shalt  }

// kernel: kernel.14.cloned.1.call-start
scs
__scs_entry_jumppad:
0x0: {  	(pc) =	sbr.rel $0x88, $3  }
0x1: {  	(tag) =	ssettag $0x0;
	lr =	simm.s32 $0x1  }
0x2: {  	[smem:$0x3F84] =	sst lr;
	_ =	strace $0xD0000000  }
0x3: {  	_ = 	snop  }
0x4: {  	_ = 	snop  }
0x5: {  	_ = 	snop  }
0x6: {  	_ = 	snop  }
0x7: {  	_ = 	snop  }
__scs_overlays_trampoline_lowered:
0x8: {  	[smem:$0x3F93] =	sst s0  }
0x9: {  	[smem:$0x3F94] =	sst s1  }
0xa: {  	[smem:$0x3F95] =	sst s2  }
0xb: {  	[smem:$0x3F96] =	sst s3  }
0xc: {  	[smem:$0x3F97] =	sst s4  }
0xd: {  	[smem:$0x3F98] =	sst s5  }
0xe: {  	[smem:$0x3F99] =	sst s6  }
0xf: {  	[smem:$0x3F9A] =	sst s7  }
0x10: {  	[smem:$0x3F9B] =	sst s8  }
0x11: {  	[smem:$0x3F9C] =	sst s9;
	s0 =	simm.s32 @!p0 $0x0  }
0x12: {  	s1 =	sld [smem:$0x3F82];
	s0 =	simm.s32 @p0 $0x1  }
0x13: {  	[smem:$0x3F9D] =	sst s0;
	s0 =	simm.s32 @!p1 $0x0  }
0x14: {  	s2 =	sld [smem:$0x3F81];
	s0 =	simm.s32 @p1 $0x1  }
0x15: {  	[smem:$0x3F9E] =	sst s0;
	s0 =	simm.s32 @!p2 $0x0  }
0x16: {  	s3 =	sld [smem:$0x3FDB];
	s0 =	simm.s32 @p2 $0x1  }
0x17: {  	s4 =	simm.s32 $0x1BF5;
	[smem:$0x3FA0] =	sst s0  }
0x18: {  	s0 =	sld [smem:$0x3F83];
	_ =	swait.ge [sflag:s4], $0x0  }
0x19: {  	s7 =	sld [smem:$0x3F84]  }
0x1a: {  	s8 =	sadd.s32 $0xFFFFE003, lr  }
0x1b: {  	s9 =	sadd.s32 $0xFFFFFEF7, lr;
	s5 =	simm.s32 $0xFFFFFFFF;
	p2 =	slt.u32 s8, $0xFFFFF086  }
0x1c: {  	p1 =	slt.u32 s9, $0xF7A;
	s5 =	simm.s32 @!p2 $0x0  }
0x1d: {  	s5 =	simm.s32 @p1 $0x1;
	p0 =	seq.s32 s7, s2  }
0x1e: {  	s7 =	smul.u32 @!p0 $0xF7A, s2;
	p2 =	seq.s32 @!p0 s5, $0x0  }
0x1f: {  	s9 =	smul.u32 $0xF7A, s1;
	s8 =	simm.s32 @!p0 $0x1BF5;
	p2 =	por !p2, p0  }
0x20: {  	[sflag:s8] =	ssyncset.s32 @!p0 $0xFFFFF086;
	s6 =	sadd.s32 @!p0 s3, s7;
	s7 =	simm.s32 @!p0 $0x108  }
0x21: {  	s3 =	sadd.s32 s3, s9;
	s6 =	sadd.s32 @!p0 $0x88, s6;
	s7 =	simm.s32 @p2 $0x1082  }
0x22: {  	[simem:s7], [sflag:s8] =	dma.local @!p0 [hbm:s6], $0xF7A  }
0x23: {  	s9 =	sor.u32 $0xD0000000, s2;
	s6 =	simm.s32 $0x108;
	_ =	swait.ge @!p0 [sflag:s8], $0x0  }
0x24: {  	s3 =	sadd.s32 $0x88, s3;
	s6 =	simm.s32 @!p1 $0x1082;
	[sflag:s4] =	ssyncset.s32 $0xFFFFF086  }
0x25: {  	[simem:s6], [sflag:s4] =	dma.local [hbm:s3], $0xF7A  }
0x26: {  	[smem:$0x3F84] =	sst s1;
	(tag) =	ssettag s2;
	_ =	strace s9  }
0x27: {  	s1 =	sld [smem:$0x3F94]  }
0x28: {  	s2 =	sld [smem:$0x3F95]  }
0x29: {  	s4 =	sld [smem:$0x3F97]  }
0x2a: {  	p0 =	seq.s32 s5, $0x0;
	s5 =	sld [smem:$0x3F98]  }
0x2b: {  	s6 =	sld [smem:$0x3F99]  }
0x2c: {  	s7 =	sld [smem:$0x3F9A]  }
0x2d: {  	s3 =	simm.s32 $0x108;
	s8 =	sld [smem:$0x3F9B]  }
0x2e: {  	s3 =	simm.s32 @!p0 $0x1082;
	s9 =	sld [smem:$0x3F9C]  }
0x2f: {  	lr =	sadd.s32 s0, s3;
	s0 =	sld [smem:$0x3F93]  }
0x30: {  	s3 =	sld [smem:$0x3F96]  }
0x31: {  	[smem:$0x3F9F] =	sst s10  }
0x32: {  	s10 =	sld [smem:$0x3F9D];
	_ =	sdelay $0x3  }
0x33: {  	p0 =	seq.s32 s10, $0x1;
	s10 =	sld [smem:$0x3F9F];
	_ =	sdelay $0x3  }
0x34: {  	[smem:$0x3F9F] =	sst s10  }
0x35: {  	s10 =	sld [smem:$0x3F9E];
	_ =	sdelay $0x3  }
0x36: {  	p1 =	seq.s32 s10, $0x1;
	s10 =	sld [smem:$0x3F9F];
	_ =	sdelay $0x3  }
0x37: {  	[smem:$0x3F9F] =	sst s10  }
0x38: {  	s10 =	sld [smem:$0x3FA0]  }
0x39: {  	_ = 	snop;
	(pc) =	sbr.ind lr, $3  }
0x3a: {  	_ = 	snop  }
0x3b: {  	_ = 	snop  }
0x3c: {  	p2 =	seq.s32 s10, $0x1;
	s10 =	sld [smem:$0x3F9F]  }
0x3d: {  	_ =	shalt  }
0x3e: {  	_ =	shalt  }
0x3f: {  	_ =	shalt  }
0x40: {  	_ =	shalt  }
0x41: {  	_ =	shalt  }
0x42: {  	_ =	shalt  }
0x43: {  	_ =	shalt  }
0x44: {  	_ =	shalt  }
0x45: {  	_ =	shalt  }
0x46: {  	_ =	shalt  }
0x47: {  	_ =	shalt  }
0x48: {  	_ =	shalt  }
0x49: {  	_ =	shalt  }
0x4a: {  	_ =	shalt  }
0x4b: {  	_ =	shalt  }
0x4c: {  	_ =	shalt  }
0x4d: {  	_ =	shalt  }
0x4e: {  	_ =	shalt  }
0x4f: {  	_ =	shalt  }
0x50: {  	_ =	shalt  }
0x51: {  	_ =	shalt  }
0x52: {  	_ =	shalt  }
0x53: {  	_ =	shalt  }
0x54: {  	_ =	shalt  }
0x55: {  	_ =	shalt  }
0x56: {  	_ =	shalt  }
0x57: {  	_ =	shalt  }
0x58: {  	_ =	shalt  }
0x59: {  	_ =	shalt  }
0x5a: {  	_ =	shalt  }
0x5b: {  	_ =	shalt  }
0x5c: {  	_ =	shalt  }
0x5d: {  	_ =	shalt  }
0x5e: {  	_ =	shalt  }
0x5f: {  	_ =	shalt  }
0x60: {  	_ =	shalt  }
0x61: {  	_ =	shalt  }
0x62: {  	_ =	shalt  }
0x63: {  	_ =	shalt  }
0x64: {  	_ =	shalt  }
0x65: {  	_ =	shalt  }
0x66: {  	_ =	shalt  }
0x67: {  	_ =	shalt  }
0x68: {  	_ =	shalt  }
0x69: {  	_ =	shalt  }
0x6a: {  	_ =	shalt  }
0x6b: {  	_ =	shalt  }
0x6c: {  	_ =	shalt  }
0x6d: {  	_ =	shalt  }
0x6e: {  	_ =	shalt  }
0x6f: {  	_ =	shalt  }
0x70: {  	_ =	shalt  }
0x71: {  	_ =	shalt  }
0x72: {  	_ =	shalt  }
0x73: {  	_ =	shalt  }
0x74: {  	_ =	shalt  }
0x75: {  	_ =	shalt  }
0x76: {  	_ =	shalt  }
0x77: {  	_ =	shalt  }
0x78: {  	_ =	shalt  }
0x79: {  	_ =	shalt  }
0x7a: {  	_ =	shalt  }
0x7b: {  	_ =	shalt  }
0x7c: {  	_ =	shalt  }
0x7d: {  	_ =	shalt  }
0x7e: {  	_ =	shalt  }
0x7f: {  	_ =	shalt  }
0x80: {  	_ =	shalt  }
0x81: {  	_ =	shalt  }
0x82: {  	_ =	shalt  }
0x83: {  	_ =	shalt  }
0x84: {  	_ =	shalt  }
0x85: {  	_ =	shalt  }
0x86: {  	_ =	shalt  }
0x87: {  	_ =	shalt  }
.Lfunc_end0:
.L_simem_size_0:
called_computation.1_lowered:
.L_overlay_start_0:
0x88: {  	s2 =	sld [smem:$0x3FD9]  }
0x89: {  	s3 =	sld [smem:$0x3FFE];
	_ =	sdelay $0x1  }
0x8a: {  	s1 =	srdreg.scid  }
0x8b: {  	s0 =	sand.u32 $0x1, s1  }
0x8c: {  	s17 =	sshll.u32 s0, $0xA;
	s2 =	sadd.s32 s3, s2  }
0x8d: {  	s2 =	sadd.s32 s2, s17  }
0x8e: {  	[smem:$0x3FAB] =	sst s2  }
0x8f: {  	_ = 	snop  }
0x90: {  	(tm) =	ssettm $0x1  }
0x91: {  	s18 =	sld [smem:$0x3FFB];
	_ =	sdelay $0x3  }
0x92: {  	_ =	strace s18  }
0x93: {  	s2 =	sld [smem:$0x3FFC];
	_ =	sdelay $0x3  }
0x94: {  	_ =	strace s2  }
0x95: {  	s2 =	sld [smem:$0x3FFD];
	_ =	sdelay $0x3  }
0x96: {  	_ =	strace s2  }
0x97: {  	_ =	strace $0x8FFFFFFF  }
0x98: {  	s19 =	sld [smem:$0x3FDB];
	_ =	sdelay $0x1  }
0x99: {  	s20 =	simm.s32 $_scs_section_size  }
0x9a: {  	s4 =	simm.s32 $_size__tile_overlayer_lowered;
	s5 =	simm.s32 $_tile_overlayer_lowered  }
0x9b: {  	s6 =	simm.s32 $0x1BFF;
	s21 =	sshll.u32 s5, $0x1;
	s3 =	sadd.s32 s20, s19  }
0x9c: {  	s22 =	simm.s32 $0x0;
	s4 =	sshll.u32 s4, $0x1;
	s5 =	sadd.s32 s21, s3  }
0x9d: {  	[timem:s22], [sflag:s6] =	dma.local [hbm:s5], s4  }
0x9e: {  	_ =	swait.ge [sflag:s6], s4  }
0x9f: {  	s4 =	ssub.s32 $0x0, s4;
	[sflag:s6] =	ssyncset.done $0x0  }
0xa0: {  	[sflag:s6] =	ssyncadd.s32 s4;
	_ =	sdelay $0x1  }
0xa1: {  	s23 =	simm.s32 $0x1B8B  }
0xa2: {  	_ =	swait.ge [sflag:s23], $0x1  }
0xa3: {  	[sflag:s23] =	ssyncset.done $0x0  }
0xa4: {  	[sflag:s23] =	ssyncadd.s32 $0xFFFFFFFF  }
0xa5: {  	s4 =	sld [smem:$0x0]  }
0xa6: {  	s5 =	sand.u32 $0xFFFFFFFE, s1  }
0xa7: {  	p0 =	sne.s32 s1, s5  }
0xa8: {  	s5 =	sshll.u32 @p0 s5, $0xE  }
0xa9: {  	s5 =	sadd.s32 @p0 $0x11B8D, s5;
	s6 =	sshll.u32 @p0 s4, $0x11  }
0xaa: {  	s5 =	sor.u32 @p0 s6, s5  }
0xab: {  	[sflag:s5] =	ssyncadd.remote.s32 @p0 $0x1;
	_ =	sdelay $0x1  }
0xac: {  	s5 =	simm.s32 @p0 $0x1B8D  }
0xad: {  	_ =	swait.eq @p0 [sflag:s5], $0x1  }
0xae: {  	[sflag:s5] =	ssyncadd.s32 @p0 $0xFFFFFFFF  }
0xaf: {  	s6 =	sshll.u32 @!p0 s1, $0xE  }
0xb0: {  	s6 =	sor.u32 @!p0 $0x4000, s6;
	s5 =	simm.s32 @!p0 $0x1B8D  }
0xb1: {  	s4 =	sshll.u32 @!p0 s4, $0x11;
	s6 =	sadd.s32 @!p0 $0x11B8D, s6;
	_ =	swait.eq @!p0 [sflag:s5], $0x1  }
0xb2: {  	s4 =	sor.u32 @!p0 s4, s6;
	[sflag:s5] =	ssyncadd.s32 @!p0 $0xFFFFFFFF  }
0xb3: {  	s25 =	simm.s32 $0x1B8E;
	s24 =	sld [smem:$0x3FFE];
	[sflag:s4] =	ssyncadd.remote.s32 @!p0 $0x1  }
0xb4: {  	s26 =	simm.s32 $execute0_lowered;
	[smem:$0x3FD2] =	sst s25  }
0xb5: {  	s5 =	sshll.u32 s26, $0x1;
	_ =	strace $0x80000055;
	[dreg:$0x1] =	wrdreg $0xFFFFFFFF  }
0xb6: {  	s28 =	simm.s32 $_size_execute0_lowered;
	s3 =	sadd.s32 s3, s5;
	[dreg:$0x0] =	wrdreg $0x0  }
0xb7: {  	s5 =	sshll.u32 s28, $0x1;
	[dreg:$0x2] =	wrdreg s3  }
0xb8: {  	[dreg:$0x3] =	wrdreg s5  }
0xb9: {  	[dreg:$0x4] =	wrdreg $0xC0  }
0xba: {  	_ =	task [dreg:s22], $0x5FFFF  }
0xbb: {  	[dreg:$0x1] =	wrdreg $0xFFFFFFFF  }
0xbc: {  	[dreg:$0x0] =	wrdreg $0x60  }
0xbd: {  	[dreg:$0x2] =	wrdreg s24  }
0xbe: {  	[dreg:$0x3] =	wrdreg $0x40800  }
0xbf: {  	[dreg:$0x4] =	wrdreg $0xB  }
0xc0: {  	_ =	task.clear_ibuf [dreg:s22], $0x5FFFF;
	_ =	strace $0x90000055  }
0xc1: {  	s29 =	simm.s32 $0xB;
	_ =	strace $0x80000057  }
0xc2: {  	_ =	swait.ge [sflag:s29], $0x1  }
0xc3: {  	[sflag:s29] =	ssyncadd.s32 $0xFFFFFFFF  }
0xc4: {  	_ =	strace $0x90000057  }
0xc5: {  	_ =	sfence  }
0xc6: {  	s30 =	sld [smem:$0x0];
	_ =	sdelay $0x2  }
0xc7: {  	s31 =	sshll.u32 s1, $0xD;
	s1 =	sshrl.u32 s1, $0x2  }
0xc8: {  	s4 =	sand.u32 $0x4000, s31;
	s1 =	sadd.s32 s1, s30  }
0xc9: {  	s0 =	sor.u32 s4, s0;
	s1 =	sshll.u32 s1, $0x11  }
0xca: {  	s0 =	sor.u32 s1, s0  }
0xcb: {  	s0 =	sadd.s32 $0x8F2B, s0  }
0xcc: {  	[sflag:s0] =	ssyncadd.remote.s32 $0x1  }
0xcd: {  	_ =	sfence.sel $0xFFFF  }
0xce: {  	[dreg:$0x0] =	wrdreg $0xFFFFFFFF;
	(pc) =	sbr.abs _section_cstart, $3  }
0xcf: {  	[dreg:$0x1] =	wrdreg $0xFFFFFFFF  }
0xd0: {  	_ =	task.clear_ibuf [dreg:s22], $0x2FFFF;
	_ =	strace $0x9FFFFFFF  }
0xd1: {  	(tm) =	ssettm $0x7FFFFFFF  }
tec
execute0_lowered:
.L_overlay_start_1:
0x0: {  	(tag) =	ssettag $0x1  }
0x1: {  	s4 =	rddreg [dreg:$0x0]  }
0x2: {  	s1 =	rddreg [dreg:$0x1]  }
0x3: {  	s0 =	rddreg [dreg:$0x2];
	s3 =	simm.s32 $0x0;
	s2 =	stileid.u32  }
0x4: {  	s5 =	srdreg.scid;
	[smem:$0x7FF] =	sst s3;
	s6 =	sshll.u32 s2, $0x5  }
0x5: {  	s7 =	smul.u32 $0x2780, s2;
	s8 =	sand.u32 $0x1, s5;
	s23 =	sshll.u32 s2, $0xC  }
0x6: {  	s11 =	smul.u32 $0x4F000, s2;
	s29 =	sshll.u32 s2, $0x6;
	_ =	strace $0x80000056  }
0x7: {  	s10 =	sadd.s32 s6, s4;
	s24 =	smul.u32 $0x27800, s8;
	s9 =	sadd.s32 s23, s4  }
0x8: {  	s25 =	ssub.s32 $0x2, s8;
	s30 =	sshll.u32 s8, $0xB;
	s31 =	sshll.u32 s8, $0x4  }
0x9: {  	s12 =	sadd.s32 s7, s4;
	s26 =	sshrl.u32 s25, $0x1;
	s28 =	sshrl.u32 s11, $0x2  }
0xa: {  	s9 =	sadd.s32 s30, s9;
	s10 =	sadd.s32 s31, s10;
	s6 =	sadd.s32 s7, s24  }
0xb: {  	s14 =	ssub.s32 s25, s26;
	s11 =	sadd.s32 s28, s1;
	s5 =	sadd.s32 $0x10400, s12  }
0xc: {  	s9 =	sadd.s32 $0x1D6AC00, s9;
	s10 =	sadd.s32 $0x4F6C00, s10;
	s12 =	simm.s32 $0x1  }
0xd: {  	s13 =	sadd.s32 s6, s4;
	s4 =	sshll.u32 s2, $0x1;
	s6 =	sor.u32 $0x1C01, s29  }
0xe: {  	s8 =	smax.u32 s14, $0x1;
	s11 =	sshrl.u32 s11, $0x3;
	s7 =	sadd.s32 $0x395C00, s13  }
.LBB2_1:
0xf: {  	[spmem:s11], [sflag:s6] =	dma.local [hbm:s5], $0x2780  }
0x10: {  	_ =	swait.ge [sflag:s12], $0x2780  }
0x11: {  	s13 =	sadd.s32 $0x0, s4;
	[sflag:s12] =	ssyncset.done $0x0  }
0x12: {  	p0 =	sgt.u32 s13, $0x4E1;
	[sflag:s12] =	ssyncadd.s32 $0xFFFFD880  }
0x13: {  	s13 =	simm.s32 @!p0 $0x0;
	s15 =	simm.s32 @!p0 $0x2;
	[bflag:$0x0] =	sbarrier.arrive $0xFFFF  }
0x14: {  	[tilespmem:s13], [sflag:$0x2] =	stream.linear.gather @!p0 [hbm4b:s10+s13], $0x80, $0x38;
	[tilespmem:$0x17C80] =	vst v63  }
0x15: {  	_ =	swait.ge @!p0 [sflag:s15], $0x80  }
0x16: {  	[sflag:s15] =	ssyncset.done @!p0 $0x0;
	p0 =	por p0, p0  }
0x17: {  	[sflag:s15] =	ssyncadd.s32 @!p0 $0xFFFFFF80;
	s17 =	simm.s32 @!p0 $0x80  }
0x18: {  	[tilespmem:s17], [sflag:$0x2] =	stream.linear.gather @!p0 [hbm4b:s9+s13], $0x4000, $0x38;
	[tilespmem:$0x17C80] =	vst v63  }
0x19: {  	_ =	swait.ge @!p0 [sflag:s15], $0x4000  }
0x1a: {  	[sflag:s15] =	ssyncset.done @!p0 $0x0  }
0x1b: {  	s31 =	sadd.s32 $0x20, s4;
	s16 =	simm.s32 @!p0 $0x1;
	[sflag:s15] =	ssyncadd.s32 @!p0 $0xFFFFC000  }
0x1c: {  	[spmem:s1] =	stream.indirect.scatter.add.f32 @!p0 [tilespmem:s17], [sflag:$0x1], $0x80, s13, s17, $0xb8;
	[tilespmem:$0x17C80] =	vst v63  }
0x1d: {  	s14 =	simm.s32 $0x40;
	p1 =	sgt.u32 s31, $0x4E1;
	_ =	swait.ge @!p0 [sflag:s16], $0x4000  }
0x1e: {  	s15 =	sadd.s32 $0x200, s10;
	s13 =	sadd.s32 $0x10000, s9;
	[sflag:s16] =	ssyncset.done @!p0 $0x0  }
.LBB2_2:
0x1f: {  	s17 =	simm.s32 @!p1 $0x0;
	s18 =	simm.s32 @!p1 $0x2;
	[sflag:s16] =	ssyncadd.s32 @!p0 $0xFFFFC000  }
0x20: {  	[tilespmem:s17], [sflag:$0x2] =	stream.linear.gather @!p1 [hbm4b:s15+s17], $0x80, $0x38;
	[tilespmem:$0x17C80] =	vst v63  }
0x21: {  	s19 =	smov.u32 s14;
	s14 =	sadd.s32 $0x20, s14;
	_ =	swait.ge @!p1 [sflag:s18], $0x80  }
0x22: {  	p0 =	por p1, p1;
	p2 =	sne.s32 s14, $0x500;
	[sflag:s18] =	ssyncset.done @!p1 $0x0  }
0x23: {  	s20 =	simm.s32 @!p0 $0x80;
	[sflag:s18] =	ssyncadd.s32 @!p0 $0xFFFFFF80  }
0x24: {  	[tilespmem:s20], [sflag:$0x2] =	stream.linear.gather @!p0 [hbm4b:s13+s17], $0x4000, $0x38;
	[tilespmem:$0x17C80] =	vst v63  }
0x25: {  	_ =	swait.ge @!p0 [sflag:s18], $0x4000  }
.Ltmp0:
0x26: {  	[sflag:s18] =	ssyncset.done @!p0 $0x0;
	(pc) =	sbr.rel @p2 .LBB2_2-.Ltmp0, $4  }
0x27: {  	s16 =	simm.s32 @!p0 $0x1;
	[sflag:s18] =	ssyncadd.s32 @!p0 $0xFFFFC000  }
0x28: {  	[spmem:s1] =	stream.indirect.scatter.add.f32 @!p0 [tilespmem:s20], [sflag:$0x1], $0x80, s17, s20, $0xb8;
	[tilespmem:$0x17C80] =	vst v63  }
0x29: {  	s15 =	sadd.s32 $0x200, s15;
	s17 =	sadd.s32 s19, s4;
	_ =	swait.ge @!p0 [sflag:s16], $0x4000  }
0x2a: {  	s13 =	sadd.s32 $0x10000, s13;
	p1 =	sgt.u32 s17, $0x4E1;
	[sflag:s16] =	ssyncset.done @!p0 $0x0  }
0x2b: {  	s14 =	simm.s32 @!p1 $0x0;
	s17 =	simm.s32 @!p1 $0x2;
	[sflag:s16] =	ssyncadd.s32 @!p0 $0xFFFFC000  }
0x2c: {  	[tilespmem:s14], [sflag:$0x2] =	stream.linear.gather @!p1 [hbm4b:s15+s14], $0x80, $0x38;
	[tilespmem:$0x17C80] =	vst v63  }
0x2d: {  	_ =	swait.ge @!p1 [sflag:s17], $0x80  }
0x2e: {  	p0 =	por p1, p1;
	[sflag:s17] =	ssyncset.done @!p1 $0x0  }
0x2f: {  	s15 =	simm.s32 @!p0 $0x80;
	[sflag:s17] =	ssyncadd.s32 @!p0 $0xFFFFFF80  }
0x30: {  	[tilespmem:s15], [sflag:$0x2] =	stream.linear.gather @!p0 [hbm4b:s13+s14], $0x4000, $0x38;
	[tilespmem:$0x17C80] =	vst v63  }
0x31: {  	_ =	swait.ge @!p0 [sflag:s17], $0x4000  }
0x32: {  	[sflag:s17] =	ssyncset.done @!p0 $0x0  }
0x33: {  	s13 =	simm.s32 @!p0 $0x1;
	[sflag:s17] =	ssyncadd.s32 @!p0 $0xFFFFC000  }
0x34: {  	[spmem:s1] =	stream.indirect.scatter.add.f32 @!p0 [tilespmem:s15], [sflag:$0x1], $0x80, s14, s15, $0xb8;
	[tilespmem:$0x17C80] =	vst v63  }
0x35: {  	_ =	swait.ge @!p0 [sflag:s13], $0x4000  }
0x36: {  	s3 =	sadd.s32 $0x1, s3;
	[sflag:s13] =	ssyncset.done @!p0 $0x0  }
0x37: {  	[sflag:s13] =	ssyncadd.s32 @!p0 $0xFFFFC000;
	p0 =	sne.s32 s3, s8  }
.Ltmp1:
0x38: {  	[bflag:$0x0] =	sbarrier.arrive $0xFFFF;
	(pc) =	sbr.rel @p0 .LBB2_1-.Ltmp1, $4  }
0x39: {  	[hbm:s7], [sflag:s6] =	dma.local [spmem:s11], $0x2780  }
0x3a: {  	_ =	swait.ge [sflag:s12], $0x2780  }
0x3b: {  	[sflag:s12] =	ssyncset.done $0x0  }
0x3c: {  	[sflag:s12] =	ssyncadd.s32 $0xFFFFD880  }
0x3d: {  	_ =	sfence.sel $0x180000  }
0x3e: {  	[bflag:$0x0] =	sbarrier.arrive $0xFFFF  }
0x3f: {  	p0 =	sne.s32 s2, $0x0;
	_ =	strace $0x90000056  }
0x40: {  	s0 =	sadd.s32 @!p0 $0x100000, s0;
	[bflag:$0x2] =	sbarrier.arrive $0xFFFF  }
0x41: {  	[sflag:s0] =	ssyncadd.tile.s32 @!p0 $0x1;
	_ =	shalt  }
.Lfunc_end2:
_tile_overlayer_lowered:
.L_overlay_start_2:
0x42: {  	(tag) =	ssettag $0x2  }
0x43: {  	s0 =	rddreg [dreg:$0x0];
	s2 =	stileid.u32  }
0x44: {  	s1 =	rddreg [dreg:$0x1];
	p0 =	sne.s32 s2, $0x0  }
0x45: {  	s3 =	rddreg [dreg:$0x2];
	[bflag:$0x3] =	sbarrier.arrive $0xFFFF;
	s2 =	simm.s32 @!p0 $0x1C01  }
0x46: {  	[timem:s3], [sflag:s2] =	dma.local @!p0 [hbm:s0], s1  }
0x47: {  	s0 =	simm.s32 @!p0 $0x1  }
0x48: {  	_ =	swait.ge @!p0 [sflag:s0], s1  }
0x49: {  	s1 =	ssub.s32 @!p0 $0x0, s1;
	[sflag:s0] =	ssyncset.done @!p0 $0x0  }
0x4a: {  	[sflag:s0] =	ssyncadd.s32 @!p0 s1  }
0x4b: {  	[bflag:$0x3] =	sbarrier.arrive $0xFFFF  }
0x4c: {  	_ =	shalt  }

// kernel: kernel.17.cloned.1.call-start
scs
__scs_entry_jumppad:
0x0: {  	(pc) =	sbr.rel $0x88, $3  }
0x1: {  	(tag) =	ssettag $0x0;
	lr =	simm.s32 $0x1  }
0x2: {  	[smem:$0x3F84] =	sst lr;
	_ =	strace $0xD0000000  }
0x3: {  	_ = 	snop  }
0x4: {  	_ = 	snop  }
0x5: {  	_ = 	snop  }
0x6: {  	_ = 	snop  }
0x7: {  	_ = 	snop  }
__scs_overlays_trampoline_lowered:
0x8: {  	[smem:$0x3F93] =	sst s0  }
0x9: {  	[smem:$0x3F94] =	sst s1  }
0xa: {  	[smem:$0x3F95] =	sst s2  }
0xb: {  	[smem:$0x3F96] =	sst s3  }
0xc: {  	[smem:$0x3F97] =	sst s4  }
0xd: {  	[smem:$0x3F98] =	sst s5  }
0xe: {  	[smem:$0x3F99] =	sst s6  }
0xf: {  	[smem:$0x3F9A] =	sst s7  }
0x10: {  	[smem:$0x3F9B] =	sst s8  }
0x11: {  	[smem:$0x3F9C] =	sst s9;
	s0 =	simm.s32 @!p0 $0x0  }
0x12: {  	s1 =	sld [smem:$0x3F82];
	s0 =	simm.s32 @p0 $0x1  }
0x13: {  	[smem:$0x3F9D] =	sst s0;
	s0 =	simm.s32 @!p1 $0x0  }
0x14: {  	s2 =	sld [smem:$0x3F81];
	s0 =	simm.s32 @p1 $0x1  }
0x15: {  	[smem:$0x3F9E] =	sst s0;
	s0 =	simm.s32 @!p2 $0x0  }
0x16: {  	s3 =	sld [smem:$0x3FDB];
	s0 =	simm.s32 @p2 $0x1  }
0x17: {  	s4 =	simm.s32 $0x1BF5;
	[smem:$0x3FA0] =	sst s0  }
0x18: {  	s0 =	sld [smem:$0x3F83];
	_ =	swait.ge [sflag:s4], $0x0  }
0x19: {  	s7 =	sld [smem:$0x3F84]  }
0x1a: {  	s8 =	sadd.s32 $0xFFFFE003, lr  }
0x1b: {  	s9 =	sadd.s32 $0xFFFFFEF7, lr;
	s5 =	simm.s32 $0xFFFFFFFF;
	p2 =	slt.u32 s8, $0xFFFFF086  }
0x1c: {  	p1 =	slt.u32 s9, $0xF7A;
	s5 =	simm.s32 @!p2 $0x0  }
0x1d: {  	s5 =	simm.s32 @p1 $0x1;
	p0 =	seq.s32 s7, s2  }
0x1e: {  	s7 =	smul.u32 @!p0 $0xF7A, s2;
	p2 =	seq.s32 @!p0 s5, $0x0  }
0x1f: {  	s9 =	smul.u32 $0xF7A, s1;
	s8 =	simm.s32 @!p0 $0x1BF5;
	p2 =	por !p2, p0  }
0x20: {  	[sflag:s8] =	ssyncset.s32 @!p0 $0xFFFFF086;
	s6 =	sadd.s32 @!p0 s3, s7;
	s7 =	simm.s32 @!p0 $0x108  }
0x21: {  	s3 =	sadd.s32 s3, s9;
	s6 =	sadd.s32 @!p0 $0x88, s6;
	s7 =	simm.s32 @p2 $0x1082  }
0x22: {  	[simem:s7], [sflag:s8] =	dma.local @!p0 [hbm:s6], $0xF7A  }
0x23: {  	s9 =	sor.u32 $0xD0000000, s2;
	s6 =	simm.s32 $0x108;
	_ =	swait.ge @!p0 [sflag:s8], $0x0  }
0x24: {  	s3 =	sadd.s32 $0x88, s3;
	s6 =	simm.s32 @!p1 $0x1082;
	[sflag:s4] =	ssyncset.s32 $0xFFFFF086  }
0x25: {  	[simem:s6], [sflag:s4] =	dma.local [hbm:s3], $0xF7A  }
0x26: {  	[smem:$0x3F84] =	sst s1;
	(tag) =	ssettag s2;
	_ =	strace s9  }
0x27: {  	s1 =	sld [smem:$0x3F94]  }
0x28: {  	s2 =	sld [smem:$0x3F95]  }
0x29: {  	s4 =	sld [smem:$0x3F97]  }
0x2a: {  	p0 =	seq.s32 s5, $0x0;
	s5 =	sld [smem:$0x3F98]  }
0x2b: {  	s6 =	sld [smem:$0x3F99]  }
0x2c: {  	s7 =	sld [smem:$0x3F9A]  }
0x2d: {  	s3 =	simm.s32 $0x108;
	s8 =	sld [smem:$0x3F9B]  }
0x2e: {  	s3 =	simm.s32 @!p0 $0x1082;
	s9 =	sld [smem:$0x3F9C]  }
0x2f: {  	lr =	sadd.s32 s0, s3;
	s0 =	sld [smem:$0x3F93]  }
0x30: {  	s3 =	sld [smem:$0x3F96]  }
0x31: {  	[smem:$0x3F9F] =	sst s10  }
0x32: {  	s10 =	sld [smem:$0x3F9D];
	_ =	sdelay $0x3  }
0x33: {  	p0 =	seq.s32 s10, $0x1;
	s10 =	sld [smem:$0x3F9F];
	_ =	sdelay $0x3  }
0x34: {  	[smem:$0x3F9F] =	sst s10  }
0x35: {  	s10 =	sld [smem:$0x3F9E];
	_ =	sdelay $0x3  }
0x36: {  	p1 =	seq.s32 s10, $0x1;
	s10 =	sld [smem:$0x3F9F];
	_ =	sdelay $0x3  }
0x37: {  	[smem:$0x3F9F] =	sst s10  }
0x38: {  	s10 =	sld [smem:$0x3FA0]  }
0x39: {  	_ = 	snop;
	(pc) =	sbr.ind lr, $3  }
0x3a: {  	_ = 	snop  }
0x3b: {  	_ = 	snop  }
0x3c: {  	p2 =	seq.s32 s10, $0x1;
	s10 =	sld [smem:$0x3F9F]  }
0x3d: {  	_ =	shalt  }
0x3e: {  	_ =	shalt  }
0x3f: {  	_ =	shalt  }
0x40: {  	_ =	shalt  }
0x41: {  	_ =	shalt  }
0x42: {  	_ =	shalt  }
0x43: {  	_ =	shalt  }
0x44: {  	_ =	shalt  }
0x45: {  	_ =	shalt  }
0x46: {  	_ =	shalt  }
0x47: {  	_ =	shalt  }
0x48: {  	_ =	shalt  }
0x49: {  	_ =	shalt  }
0x4a: {  	_ =	shalt  }
0x4b: {  	_ =	shalt  }
0x4c: {  	_ =	shalt  }
0x4d: {  	_ =	shalt  }
0x4e: {  	_ =	shalt  }
0x4f: {  	_ =	shalt  }
0x50: {  	_ =	shalt  }
0x51: {  	_ =	shalt  }
0x52: {  	_ =	shalt  }
0x53: {  	_ =	shalt  }
0x54: {  	_ =	shalt  }
0x55: {  	_ =	shalt  }
0x56: {  	_ =	shalt  }
0x57: {  	_ =	shalt  }
0x58: {  	_ =	shalt  }
0x59: {  	_ =	shalt  }
0x5a: {  	_ =	shalt  }
0x5b: {  	_ =	shalt  }
0x5c: {  	_ =	shalt  }
0x5d: {  	_ =	shalt  }
0x5e: {  	_ =	shalt  }
0x5f: {  	_ =	shalt  }
0x60: {  	_ =	shalt  }
0x61: {  	_ =	shalt  }
0x62: {  	_ =	shalt  }
0x63: {  	_ =	shalt  }
0x64: {  	_ =	shalt  }
0x65: {  	_ =	shalt  }
0x66: {  	_ =	shalt  }
0x67: {  	_ =	shalt  }
0x68: {  	_ =	shalt  }
0x69: {  	_ =	shalt  }
0x6a: {  	_ =	shalt  }
0x6b: {  	_ =	shalt  }
0x6c: {  	_ =	shalt  }
0x6d: {  	_ =	shalt  }
0x6e: {  	_ =	shalt  }
0x6f: {  	_ =	shalt  }
0x70: {  	_ =	shalt  }
0x71: {  	_ =	shalt  }
0x72: {  	_ =	shalt  }
0x73: {  	_ =	shalt  }
0x74: {  	_ =	shalt  }
0x75: {  	_ =	shalt  }
0x76: {  	_ =	shalt  }
0x77: {  	_ =	shalt  }
0x78: {  	_ =	shalt  }
0x79: {  	_ =	shalt  }
0x7a: {  	_ =	shalt  }
0x7b: {  	_ =	shalt  }
0x7c: {  	_ =	shalt  }
0x7d: {  	_ =	shalt  }
0x7e: {  	_ =	shalt  }
0x7f: {  	_ =	shalt  }
0x80: {  	_ =	shalt  }
0x81: {  	_ =	shalt  }
0x82: {  	_ =	shalt  }
0x83: {  	_ =	shalt  }
0x84: {  	_ =	shalt  }
0x85: {  	_ =	shalt  }
0x86: {  	_ =	shalt  }
0x87: {  	_ =	shalt  }
.Lfunc_end0:
.L_simem_size_0:
called_computation.2_lowered:
.L_overlay_start_0:
0x88: {  	s2 =	sld [smem:$0x3FD9]  }
0x89: {  	s3 =	sld [smem:$0x3FFE];
	_ =	sdelay $0x1  }
0x8a: {  	s1 =	srdreg.scid  }
0x8b: {  	s0 =	sand.u32 $0x1, s1  }
0x8c: {  	s17 =	sshll.u32 s0, $0xA;
	s2 =	sadd.s32 s3, s2  }
0x8d: {  	s2 =	sadd.s32 s2, s17  }
0x8e: {  	[smem:$0x3FAB] =	sst s2  }
0x8f: {  	_ = 	snop  }
0x90: {  	(tm) =	ssettm $0x1  }
0x91: {  	s18 =	sld [smem:$0x3FFB];
	_ =	sdelay $0x3  }
0x92: {  	_ =	strace s18  }
0x93: {  	s2 =	sld [smem:$0x3FFC];
	_ =	sdelay $0x3  }
0x94: {  	_ =	strace s2  }
0x95: {  	s2 =	sld [smem:$0x3FFD];
	_ =	sdelay $0x3  }
0x96: {  	_ =	strace s2  }
0x97: {  	_ =	strace $0x8FFFFFFF  }
0x98: {  	s19 =	sld [smem:$0x3FDB];
	_ =	sdelay $0x1  }
0x99: {  	s20 =	simm.s32 $_scs_section_size  }
0x9a: {  	s4 =	simm.s32 $_size__tile_overlayer_lowered;
	s5 =	simm.s32 $_tile_overlayer_lowered  }
0x9b: {  	s6 =	simm.s32 $0x1BFF;
	s21 =	sshll.u32 s5, $0x1;
	s3 =	sadd.s32 s20, s19  }
0x9c: {  	s22 =	simm.s32 $0x0;
	s4 =	sshll.u32 s4, $0x1;
	s5 =	sadd.s32 s21, s3  }
0x9d: {  	[timem:s22], [sflag:s6] =	dma.local [hbm:s5], s4  }
0x9e: {  	_ =	swait.ge [sflag:s6], s4  }
0x9f: {  	s4 =	ssub.s32 $0x0, s4;
	[sflag:s6] =	ssyncset.done $0x0  }
0xa0: {  	[sflag:s6] =	ssyncadd.s32 s4;
	_ =	sdelay $0x1  }
0xa1: {  	s23 =	simm.s32 $0x1B8B  }
0xa2: {  	_ =	swait.ge [sflag:s23], $0x1  }
0xa3: {  	[sflag:s23] =	ssyncset.done $0x0  }
0xa4: {  	[sflag:s23] =	ssyncadd.s32 $0xFFFFFFFF  }
0xa5: {  	s4 =	sld [smem:$0x0]  }
0xa6: {  	s5 =	sand.u32 $0xFFFFFFFE, s1  }
0xa7: {  	p0 =	sne.s32 s1, s5  }
0xa8: {  	s5 =	sshll.u32 @p0 s5, $0xE  }
0xa9: {  	s5 =	sadd.s32 @p0 $0x11B8D, s5;
	s6 =	sshll.u32 @p0 s4, $0x11  }
0xaa: {  	s5 =	sor.u32 @p0 s6, s5  }
0xab: {  	[sflag:s5] =	ssyncadd.remote.s32 @p0 $0x1;
	_ =	sdelay $0x1  }
0xac: {  	s5 =	simm.s32 @p0 $0x1B8D  }
0xad: {  	_ =	swait.eq @p0 [sflag:s5], $0x1  }
0xae: {  	[sflag:s5] =	ssyncadd.s32 @p0 $0xFFFFFFFF  }
0xaf: {  	s6 =	sshll.u32 @!p0 s1, $0xE  }
0xb0: {  	s6 =	sor.u32 @!p0 $0x4000, s6;
	s5 =	simm.s32 @!p0 $0x1B8D  }
0xb1: {  	s4 =	sshll.u32 @!p0 s4, $0x11;
	s6 =	sadd.s32 @!p0 $0x11B8D, s6;
	_ =	swait.eq @!p0 [sflag:s5], $0x1  }
0xb2: {  	s4 =	sor.u32 @!p0 s4, s6;
	[sflag:s5] =	ssyncadd.s32 @!p0 $0xFFFFFFFF  }
0xb3: {  	s25 =	simm.s32 $0x1B8E;
	s24 =	sld [smem:$0x3FFE];
	[sflag:s4] =	ssyncadd.remote.s32 @!p0 $0x1  }
0xb4: {  	s26 =	simm.s32 $execute0_lowered;
	[smem:$0x3FD2] =	sst s25  }
0xb5: {  	s5 =	sshll.u32 s26, $0x1;
	_ =	strace $0x80000052;
	[dreg:$0x1] =	wrdreg $0xFFFFFFFF  }
0xb6: {  	s28 =	simm.s32 $_size_execute0_lowered;
	s3 =	sadd.s32 s3, s5;
	[dreg:$0x0] =	wrdreg $0x0  }
0xb7: {  	s5 =	sshll.u32 s28, $0x1;
	[dreg:$0x2] =	wrdreg s3  }
0xb8: {  	[dreg:$0x3] =	wrdreg s5  }
0xb9: {  	[dreg:$0x4] =	wrdreg $0xC0  }
0xba: {  	_ =	task [dreg:s22], $0x5FFFF  }
0xbb: {  	[dreg:$0x1] =	wrdreg $0xFFFFFFFF  }
0xbc: {  	[dreg:$0x0] =	wrdreg $0x60  }
0xbd: {  	[dreg:$0x2] =	wrdreg s24  }
0xbe: {  	[dreg:$0x3] =	wrdreg $0x40800  }
0xbf: {  	[dreg:$0x4] =	wrdreg $0xC  }
0xc0: {  	_ =	task.clear_ibuf [dreg:s22], $0x5FFFF;
	_ =	strace $0x90000052  }
0xc1: {  	s29 =	simm.s32 $0xC;
	_ =	strace $0x80000054  }
0xc2: {  	_ =	swait.ge [sflag:s29], $0x1  }
0xc3: {  	[sflag:s29] =	ssyncadd.s32 $0xFFFFFFFF  }
0xc4: {  	_ =	strace $0x90000054  }
0xc5: {  	_ =	sfence  }
0xc6: {  	s30 =	sld [smem:$0x0];
	_ =	sdelay $0x2  }
0xc7: {  	s31 =	sshll.u32 s1, $0xD;
	s1 =	sshrl.u32 s1, $0x2  }
0xc8: {  	s4 =	sand.u32 $0x4000, s31;
	s1 =	sadd.s32 s1, s30  }
0xc9: {  	s0 =	sor.u32 s4, s0;
	s1 =	sshll.u32 s1, $0x11  }
0xca: {  	s0 =	sor.u32 s1, s0  }
0xcb: {  	s0 =	sadd.s32 $0x8F2B, s0  }
0xcc: {  	[sflag:s0] =	ssyncadd.remote.s32 $0x1  }
0xcd: {  	_ =	sfence.sel $0xFFFF  }
0xce: {  	[dreg:$0x0] =	wrdreg $0xFFFFFFFF;
	(pc) =	sbr.abs _section_cstart, $3  }
0xcf: {  	[dreg:$0x1] =	wrdreg $0xFFFFFFFF  }
0xd0: {  	_ =	task.clear_ibuf [dreg:s22], $0x2FFFF;
	_ =	strace $0x9FFFFFFF  }
0xd1: {  	(tm) =	ssettm $0x7FFFFFFF  }
tec
execute0_lowered:
.L_overlay_start_1:
0x0: {  	(tag) =	ssettag $0x1  }
0x1: {  	s4 =	rddreg [dreg:$0x0]  }
0x2: {  	s1 =	rddreg [dreg:$0x1]  }
0x3: {  	s0 =	rddreg [dreg:$0x2];
	s3 =	simm.s32 $0x0;
	s2 =	stileid.u32  }
0x4: {  	s5 =	srdreg.scid;
	[smem:$0x7FF] =	sst s3;
	s6 =	sshll.u32 s2, $0x5  }
0x5: {  	s7 =	smul.u32 $0x2780, s2;
	s8 =	sand.u32 $0x1, s5;
	s23 =	sshll.u32 s2, $0xC  }
0x6: {  	s11 =	smul.u32 $0x4F000, s2;
	s29 =	sshll.u32 s2, $0x6;
	_ =	strace $0x80000053  }
0x7: {  	s10 =	sadd.s32 s6, s4;
	s24 =	smul.u32 $0x27800, s8;
	s9 =	sadd.s32 s23, s4  }
0x8: {  	s25 =	ssub.s32 $0x2, s8;
	s30 =	sshll.u32 s8, $0xB;
	s31 =	sshll.u32 s8, $0x4  }
0x9: {  	s12 =	sadd.s32 s7, s4;
	s26 =	sshrl.u32 s25, $0x1;
	s28 =	sshrl.u32 s11, $0x2  }
0xa: {  	s9 =	sadd.s32 s30, s9;
	s10 =	sadd.s32 s31, s10;
	s6 =	sadd.s32 s7, s24  }
0xb: {  	s14 =	ssub.s32 s25, s26;
	s11 =	sadd.s32 s28, s1;
	s5 =	sadd.s32 $0x10400, s12  }
0xc: {  	s9 =	sadd.s32 $0xD5C00, s9;
	s10 =	sadd.s32 $0x4F6C00, s10;
	s12 =	simm.s32 $0x1  }
0xd: {  	s13 =	sadd.s32 s6, s4;
	s4 =	sshll.u32 s2, $0x1;
	s6 =	sor.u32 $0x1C01, s29  }
0xe: {  	s8 =	smax.u32 s14, $0x1;
	s11 =	sshrl.u32 s11, $0x3;
	s7 =	sadd.s32 $0x346C00, s13  }
.LBB2_1:
0xf: {  	[spmem:s11], [sflag:s6] =	dma.local [hbm:s5], $0x2780  }
0x10: {  	_ =	swait.ge [sflag:s12], $0x2780  }
0x11: {  	s13 =	sadd.s32 $0x0, s4;
	[sflag:s12] =	ssyncset.done $0x0  }
0x12: {  	p0 =	sgt.u32 s13, $0x4E1;
	[sflag:s12] =	ssyncadd.s32 $0xFFFFD880  }
0x13: {  	s13 =	simm.s32 @!p0 $0x0;
	s15 =	simm.s32 @!p0 $0x2;
	[bflag:$0x0] =	sbarrier.arrive $0xFFFF  }
0x14: {  	[tilespmem:s13], [sflag:$0x2] =	stream.linear.gather @!p0 [hbm4b:s10+s13], $0x80, $0x38;
	[tilespmem:$0x17C80] =	vst v63  }
0x15: {  	_ =	swait.ge @!p0 [sflag:s15], $0x80  }
0x16: {  	[sflag:s15] =	ssyncset.done @!p0 $0x0;
	p0 =	por p0, p0  }
0x17: {  	[sflag:s15] =	ssyncadd.s32 @!p0 $0xFFFFFF80;
	s17 =	simm.s32 @!p0 $0x80  }
0x18: {  	[tilespmem:s17], [sflag:$0x2] =	stream.linear.gather @!p0 [hbm4b:s9+s13], $0x4000, $0x38;
	[tilespmem:$0x17C80] =	vst v63  }
0x19: {  	_ =	swait.ge @!p0 [sflag:s15], $0x4000  }
0x1a: {  	[sflag:s15] =	ssyncset.done @!p0 $0x0  }
0x1b: {  	s31 =	sadd.s32 $0x20, s4;
	s16 =	simm.s32 @!p0 $0x1;
	[sflag:s15] =	ssyncadd.s32 @!p0 $0xFFFFC000  }
0x1c: {  	[spmem:s1] =	stream.indirect.scatter.add.f32 @!p0 [tilespmem:s17], [sflag:$0x1], $0x80, s13, s17, $0xb8;
	[tilespmem:$0x17C80] =	vst v63  }
0x1d: {  	s14 =	simm.s32 $0x40;
	p1 =	sgt.u32 s31, $0x4E1;
	_ =	swait.ge @!p0 [sflag:s16], $0x4000  }
0x1e: {  	s15 =	sadd.s32 $0x200, s10;
	s13 =	sadd.s32 $0x10000, s9;
	[sflag:s16] =	ssyncset.done @!p0 $0x0  }
.LBB2_2:
0x1f: {  	s17 =	simm.s32 @!p1 $0x0;
	s18 =	simm.s32 @!p1 $0x2;
	[sflag:s16] =	ssyncadd.s32 @!p0 $0xFFFFC000  }
0x20: {  	[tilespmem:s17], [sflag:$0x2] =	stream.linear.gather @!p1 [hbm4b:s15+s17], $0x80, $0x38;
	[tilespmem:$0x17C80] =	vst v63  }
0x21: {  	s19 =	smov.u32 s14;
	s14 =	sadd.s32 $0x20, s14;
	_ =	swait.ge @!p1 [sflag:s18], $0x80  }
0x22: {  	p0 =	por p1, p1;
	p2 =	sne.s32 s14, $0x500;
	[sflag:s18] =	ssyncset.done @!p1 $0x0  }
0x23: {  	s20 =	simm.s32 @!p0 $0x80;
	[sflag:s18] =	ssyncadd.s32 @!p0 $0xFFFFFF80  }
0x24: {  	[tilespmem:s20], [sflag:$0x2] =	stream.linear.gather @!p0 [hbm4b:s13+s17], $0x4000, $0x38;
	[tilespmem:$0x17C80] =	vst v63  }
0x25: {  	_ =	swait.ge @!p0 [sflag:s18], $0x4000  }
.Ltmp0:
0x26: {  	[sflag:s18] =	ssyncset.done @!p0 $0x0;
	(pc) =	sbr.rel @p2 .LBB2_2-.Ltmp0, $4  }
0x27: {  	s16 =	simm.s32 @!p0 $0x1;
	[sflag:s18] =	ssyncadd.s32 @!p0 $0xFFFFC000  }
0x28: {  	[spmem:s1] =	stream.indirect.scatter.add.f32 @!p0 [tilespmem:s20], [sflag:$0x1], $0x80, s17, s20, $0xb8;
	[tilespmem:$0x17C80] =	vst v63  }
0x29: {  	s15 =	sadd.s32 $0x200, s15;
	s17 =	sadd.s32 s19, s4;
	_ =	swait.ge @!p0 [sflag:s16], $0x4000  }
0x2a: {  	s13 =	sadd.s32 $0x10000, s13;
	p1 =	sgt.u32 s17, $0x4E1;
	[sflag:s16] =	ssyncset.done @!p0 $0x0  }
0x2b: {  	s14 =	simm.s32 @!p1 $0x0;
	s17 =	simm.s32 @!p1 $0x2;
	[sflag:s16] =	ssyncadd.s32 @!p0 $0xFFFFC000  }
0x2c: {  	[tilespmem:s14], [sflag:$0x2] =	stream.linear.gather @!p1 [hbm4b:s15+s14], $0x80, $0x38;
	[tilespmem:$0x17C80] =	vst v63  }
0x2d: {  	_ =	swait.ge @!p1 [sflag:s17], $0x80  }
0x2e: {  	p0 =	por p1, p1;
	[sflag:s17] =	ssyncset.done @!p1 $0x0  }
0x2f: {  	s15 =	simm.s32 @!p0 $0x80;
	[sflag:s17] =	ssyncadd.s32 @!p0 $0xFFFFFF80  }
0x30: {  	[tilespmem:s15], [sflag:$0x2] =	stream.linear.gather @!p0 [hbm4b:s13+s14], $0x4000, $0x38;
	[tilespmem:$0x17C80] =	vst v63  }
0x31: {  	_ =	swait.ge @!p0 [sflag:s17], $0x4000  }
0x32: {  	[sflag:s17] =	ssyncset.done @!p0 $0x0  }
0x33: {  	s13 =	simm.s32 @!p0 $0x1;
	[sflag:s17] =	ssyncadd.s32 @!p0 $0xFFFFC000  }
0x34: {  	[spmem:s1] =	stream.indirect.scatter.add.f32 @!p0 [tilespmem:s15], [sflag:$0x1], $0x80, s14, s15, $0xb8;
	[tilespmem:$0x17C80] =	vst v63  }
0x35: {  	_ =	swait.ge @!p0 [sflag:s13], $0x4000  }
0x36: {  	s3 =	sadd.s32 $0x1, s3;
	[sflag:s13] =	ssyncset.done @!p0 $0x0  }
0x37: {  	[sflag:s13] =	ssyncadd.s32 @!p0 $0xFFFFC000;
	p0 =	sne.s32 s3, s8  }
.Ltmp1:
0x38: {  	[bflag:$0x0] =	sbarrier.arrive $0xFFFF;
	(pc) =	sbr.rel @p0 .LBB2_1-.Ltmp1, $4  }
0x39: {  	[hbm:s7], [sflag:s6] =	dma.local [spmem:s11], $0x2780  }
0x3a: {  	_ =	swait.ge [sflag:s12], $0x2780  }
0x3b: {  	[sflag:s12] =	ssyncset.done $0x0  }
0x3c: {  	[sflag:s12] =	ssyncadd.s32 $0xFFFFD880  }
0x3d: {  	_ =	sfence.sel $0x180000  }
0x3e: {  	[bflag:$0x0] =	sbarrier.arrive $0xFFFF  }
0x3f: {  	p0 =	sne.s32 s2, $0x0;
	_ =	strace $0x90000053  }
0x40: {  	s0 =	sadd.s32 @!p0 $0x100000, s0;
	[bflag:$0x2] =	sbarrier.arrive $0xFFFF  }
0x41: {  	[sflag:s0] =	ssyncadd.tile.s32 @!p0 $0x1;
	_ =	shalt  }
.Lfunc_end2:
_tile_overlayer_lowered:
.L_overlay_start_2:
0x42: {  	(tag) =	ssettag $0x2  }
0x43: {  	s0 =	rddreg [dreg:$0x0];
	s2 =	stileid.u32  }
0x44: {  	s1 =	rddreg [dreg:$0x1];
	p0 =	sne.s32 s2, $0x0  }
0x45: {  	s3 =	rddreg [dreg:$0x2];
	[bflag:$0x3] =	sbarrier.arrive $0xFFFF;
	s2 =	simm.s32 @!p0 $0x1C01  }
0x46: {  	[timem:s3], [sflag:s2] =	dma.local @!p0 [hbm:s0], s1  }
0x47: {  	s0 =	simm.s32 @!p0 $0x1  }
0x48: {  	_ =	swait.ge @!p0 [sflag:s0], s1  }
0x49: {  	s1 =	ssub.s32 @!p0 $0x0, s1;
	[sflag:s0] =	ssyncset.done @!p0 $0x0  }
0x4a: {  	[sflag:s0] =	ssyncadd.s32 @!p0 s1  }
0x4b: {  	[bflag:$0x3] =	sbarrier.arrive $0xFFFF  }
0x4c: {  	_ =	shalt  }

// kernel: kernel.20.cloned.1.call-start
scs
__scs_entry_jumppad:
0x0: {  	(pc) =	sbr.rel $0x88, $3  }
0x1: {  	(tag) =	ssettag $0x0;
	lr =	simm.s32 $0x1  }
0x2: {  	[smem:$0x3F84] =	sst lr;
	_ =	strace $0xD0000000  }
0x3: {  	_ = 	snop  }
0x4: {  	_ = 	snop  }
0x5: {  	_ = 	snop  }
0x6: {  	_ = 	snop  }
0x7: {  	_ = 	snop  }
__scs_overlays_trampoline_lowered:
0x8: {  	[smem:$0x3F93] =	sst s0  }
0x9: {  	[smem:$0x3F94] =	sst s1  }
0xa: {  	[smem:$0x3F95] =	sst s2  }
0xb: {  	[smem:$0x3F96] =	sst s3  }
0xc: {  	[smem:$0x3F97] =	sst s4  }
0xd: {  	[smem:$0x3F98] =	sst s5  }
0xe: {  	[smem:$0x3F99] =	sst s6  }
0xf: {  	[smem:$0x3F9A] =	sst s7  }
0x10: {  	[smem:$0x3F9B] =	sst s8  }
0x11: {  	[smem:$0x3F9C] =	sst s9;
	s0 =	simm.s32 @!p0 $0x0  }
0x12: {  	s1 =	sld [smem:$0x3F82];
	s0 =	simm.s32 @p0 $0x1  }
0x13: {  	[smem:$0x3F9D] =	sst s0;
	s0 =	simm.s32 @!p1 $0x0  }
0x14: {  	s2 =	sld [smem:$0x3F81];
	s0 =	simm.s32 @p1 $0x1  }
0x15: {  	[smem:$0x3F9E] =	sst s0;
	s0 =	simm.s32 @!p2 $0x0  }
0x16: {  	s3 =	sld [smem:$0x3FDB];
	s0 =	simm.s32 @p2 $0x1  }
0x17: {  	s4 =	simm.s32 $0x1BF5;
	[smem:$0x3FA0] =	sst s0  }
0x18: {  	s0 =	sld [smem:$0x3F83];
	_ =	swait.ge [sflag:s4], $0x0  }
0x19: {  	s7 =	sld [smem:$0x3F84]  }
0x1a: {  	s8 =	sadd.s32 $0xFFFFE003, lr  }
0x1b: {  	s9 =	sadd.s32 $0xFFFFFEF7, lr;
	s5 =	simm.s32 $0xFFFFFFFF;
	p2 =	slt.u32 s8, $0xFFFFF086  }
0x1c: {  	p1 =	slt.u32 s9, $0xF7A;
	s5 =	simm.s32 @!p2 $0x0  }
0x1d: {  	s5 =	simm.s32 @p1 $0x1;
	p0 =	seq.s32 s7, s2  }
0x1e: {  	s7 =	smul.u32 @!p0 $0xF7A, s2;
	p2 =	seq.s32 @!p0 s5, $0x0  }
0x1f: {  	s9 =	smul.u32 $0xF7A, s1;
	s8 =	simm.s32 @!p0 $0x1BF5;
	p2 =	por !p2, p0  }
0x20: {  	[sflag:s8] =	ssyncset.s32 @!p0 $0xFFFFF086;
	s6 =	sadd.s32 @!p0 s3, s7;
	s7 =	simm.s32 @!p0 $0x108  }
0x21: {  	s3 =	sadd.s32 s3, s9;
	s6 =	sadd.s32 @!p0 $0x88, s6;
	s7 =	simm.s32 @p2 $0x1082  }
0x22: {  	[simem:s7], [sflag:s8] =	dma.local @!p0 [hbm:s6], $0xF7A  }
0x23: {  	s9 =	sor.u32 $0xD0000000, s2;
	s6 =	simm.s32 $0x108;
	_ =	swait.ge @!p0 [sflag:s8], $0x0  }
0x24: {  	s3 =	sadd.s32 $0x88, s3;
	s6 =	simm.s32 @!p1 $0x1082;
	[sflag:s4] =	ssyncset.s32 $0xFFFFF086  }
0x25: {  	[simem:s6], [sflag:s4] =	dma.local [hbm:s3], $0xF7A  }
0x26: {  	[smem:$0x3F84] =	sst s1;
	(tag) =	ssettag s2;
	_ =	strace s9  }
0x27: {  	s1 =	sld [smem:$0x3F94]  }
0x28: {  	s2 =	sld [smem:$0x3F95]  }
0x29: {  	s4 =	sld [smem:$0x3F97]  }
0x2a: {  	p0 =	seq.s32 s5, $0x0;
	s5 =	sld [smem:$0x3F98]  }
0x2b: {  	s6 =	sld [smem:$0x3F99]  }
0x2c: {  	s7 =	sld [smem:$0x3F9A]  }
0x2d: {  	s3 =	simm.s32 $0x108;
	s8 =	sld [smem:$0x3F9B]  }
0x2e: {  	s3 =	simm.s32 @!p0 $0x1082;
	s9 =	sld [smem:$0x3F9C]  }
0x2f: {  	lr =	sadd.s32 s0, s3;
	s0 =	sld [smem:$0x3F93]  }
0x30: {  	s3 =	sld [smem:$0x3F96]  }
0x31: {  	[smem:$0x3F9F] =	sst s10  }
0x32: {  	s10 =	sld [smem:$0x3F9D];
	_ =	sdelay $0x3  }
0x33: {  	p0 =	seq.s32 s10, $0x1;
	s10 =	sld [smem:$0x3F9F];
	_ =	sdelay $0x3  }
0x34: {  	[smem:$0x3F9F] =	sst s10  }
0x35: {  	s10 =	sld [smem:$0x3F9E];
	_ =	sdelay $0x3  }
0x36: {  	p1 =	seq.s32 s10, $0x1;
	s10 =	sld [smem:$0x3F9F];
	_ =	sdelay $0x3  }
0x37: {  	[smem:$0x3F9F] =	sst s10  }
0x38: {  	s10 =	sld [smem:$0x3FA0]  }
0x39: {  	_ = 	snop;
	(pc) =	sbr.ind lr, $3  }
0x3a: {  	_ = 	snop  }
0x3b: {  	_ = 	snop  }
0x3c: {  	p2 =	seq.s32 s10, $0x1;
	s10 =	sld [smem:$0x3F9F]  }
0x3d: {  	_ =	shalt  }
0x3e: {  	_ =	shalt  }
0x3f: {  	_ =	shalt  }
0x40: {  	_ =	shalt  }
0x41: {  	_ =	shalt  }
0x42: {  	_ =	shalt  }
0x43: {  	_ =	shalt  }
0x44: {  	_ =	shalt  }
0x45: {  	_ =	shalt  }
0x46: {  	_ =	shalt  }
0x47: {  	_ =	shalt  }
0x48: {  	_ =	shalt  }
0x49: {  	_ =	shalt  }
0x4a: {  	_ =	shalt  }
0x4b: {  	_ =	shalt  }
0x4c: {  	_ =	shalt  }
0x4d: {  	_ =	shalt  }
0x4e: {  	_ =	shalt  }
0x4f: {  	_ =	shalt  }
0x50: {  	_ =	shalt  }
0x51: {  	_ =	shalt  }
0x52: {  	_ =	shalt  }
0x53: {  	_ =	shalt  }
0x54: {  	_ =	shalt  }
0x55: {  	_ =	shalt  }
0x56: {  	_ =	shalt  }
0x57: {  	_ =	shalt  }
0x58: {  	_ =	shalt  }
0x59: {  	_ =	shalt  }
0x5a: {  	_ =	shalt  }
0x5b: {  	_ =	shalt  }
0x5c: {  	_ =	shalt  }
0x5d: {  	_ =	shalt  }
0x5e: {  	_ =	shalt  }
0x5f: {  	_ =	shalt  }
0x60: {  	_ =	shalt  }
0x61: {  	_ =	shalt  }
0x62: {  	_ =	shalt  }
0x63: {  	_ =	shalt  }
0x64: {  	_ =	shalt  }
0x65: {  	_ =	shalt  }
0x66: {  	_ =	shalt  }
0x67: {  	_ =	shalt  }
0x68: {  	_ =	shalt  }
0x69: {  	_ =	shalt  }
0x6a: {  	_ =	shalt  }
0x6b: {  	_ =	shalt  }
0x6c: {  	_ =	shalt  }
0x6d: {  	_ =	shalt  }
0x6e: {  	_ =	shalt  }
0x6f: {  	_ =	shalt  }
0x70: {  	_ =	shalt  }
0x71: {  	_ =	shalt  }
0x72: {  	_ =	shalt  }
0x73: {  	_ =	shalt  }
0x74: {  	_ =	shalt  }
0x75: {  	_ =	shalt  }
0x76: {  	_ =	shalt  }
0x77: {  	_ =	shalt  }
0x78: {  	_ =	shalt  }
0x79: {  	_ =	shalt  }
0x7a: {  	_ =	shalt  }
0x7b: {  	_ =	shalt  }
0x7c: {  	_ =	shalt  }
0x7d: {  	_ =	shalt  }
0x7e: {  	_ =	shalt  }
0x7f: {  	_ =	shalt  }
0x80: {  	_ =	shalt  }
0x81: {  	_ =	shalt  }
0x82: {  	_ =	shalt  }
0x83: {  	_ =	shalt  }
0x84: {  	_ =	shalt  }
0x85: {  	_ =	shalt  }
0x86: {  	_ =	shalt  }
0x87: {  	_ =	shalt  }
.Lfunc_end0:
.L_simem_size_0:
called_computation.3_lowered:
.L_overlay_start_0:
0x88: {  	s2 =	sld [smem:$0x3FD9]  }
0x89: {  	s3 =	sld [smem:$0x3FFE];
	_ =	sdelay $0x1  }
0x8a: {  	s1 =	srdreg.scid  }
0x8b: {  	s0 =	sand.u32 $0x1, s1  }
0x8c: {  	s17 =	sshll.u32 s0, $0xA;
	s2 =	sadd.s32 s3, s2  }
0x8d: {  	s2 =	sadd.s32 s2, s17  }
0x8e: {  	[smem:$0x3FAB] =	sst s2  }
0x8f: {  	_ = 	snop  }
0x90: {  	s2 =	sld [smem:$0x3FC9];
	(tm) =	ssettm $0x1  }
0x91: {  	s18 =	sld [smem:$0x3FFB];
	_ =	sdelay $0x3  }
0x92: {  	_ =	strace s18  }
0x93: {  	s3 =	sld [smem:$0x3FFC];
	_ =	sdelay $0x3  }
0x94: {  	_ =	strace s3  }
0x95: {  	s3 =	sld [smem:$0x3FFD];
	_ =	sdelay $0x3  }
0x96: {  	_ =	strace s3  }
0x97: {  	_ =	strace $0x8FFFFFFF  }
0x98: {  	s19 =	sld [smem:$0x3FDB];
	_ =	sdelay $0x1  }
0x99: {  	s4 =	simm.s32 $_scs_section_size  }
0x9a: {  	s5 =	simm.s32 $_size__tile_overlayer_lowered;
	s6 =	simm.s32 $_tile_overlayer_lowered  }
0x9b: {  	s22 =	simm.s32 $0x1BFF;
	s21 =	sshll.u32 s6, $0x1;
	s3 =	sadd.s32 s4, s19  }
0x9c: {  	s7 =	simm.s32 $0x0;
	s20 =	sshll.u32 s5, $0x1;
	s5 =	sadd.s32 s21, s3  }
0x9d: {  	[timem:s7], [sflag:s22] =	dma.local [hbm:s5], s20  }
0x9e: {  	_ =	swait.ge [sflag:s22], s20  }
0x9f: {  	s4 =	ssub.s32 $0x0, s20;
	[sflag:s22] =	ssyncset.done $0x0  }
0xa0: {  	[sflag:s22] =	ssyncadd.s32 s4;
	_ =	sdelay $0x1  }
0xa1: {  	s23 =	simm.s32 $0x1B8B  }
0xa2: {  	_ =	swait.ge [sflag:s23], $0x1  }
0xa3: {  	[sflag:s23] =	ssyncset.done $0x0  }
0xa4: {  	s25 =	simm.s32 $0x1B8E;
	s24 =	sld [smem:$0x3FFE];
	[sflag:s23] =	ssyncadd.s32 $0xFFFFFFFF  }
0xa5: {  	s26 =	simm.s32 $execute0_lowered;
	[smem:$0x3FD2] =	sst s25  }
0xa6: {  	s5 =	sshll.u32 s26, $0x1;
	_ =	strace $0x80000046;
	[dreg:$0x1] =	wrdreg $0xFFFFFFFF  }
0xa7: {  	s28 =	simm.s32 $_size_execute0_lowered;
	s3 =	sadd.s32 s3, s5;
	[dreg:$0x0] =	wrdreg $0x0  }
0xa8: {  	s5 =	sshll.u32 s28, $0x1;
	[dreg:$0x2] =	wrdreg s3  }
0xa9: {  	[dreg:$0x3] =	wrdreg s5  }
0xaa: {  	[dreg:$0x4] =	wrdreg $0xC0  }
0xab: {  	_ =	task [dreg:s7], $0x5FFFF  }
0xac: {  	[dreg:$0x1] =	wrdreg $0xFFFFFFFF  }
0xad: {  	[dreg:$0x0] =	wrdreg $0x60  }
0xae: {  	[dreg:$0x2] =	wrdreg s2  }
0xaf: {  	[dreg:$0x3] =	wrdreg s24  }
0xb0: {  	[dreg:$0x4] =	wrdreg $0x9  }
0xb1: {  	_ =	task.clear_ibuf [dreg:s7], $0x5FFFF;
	_ =	strace $0x90000046  }
0xb2: {  	s29 =	simm.s32 $0x9;
	_ =	strace $0x80000048  }
0xb3: {  	_ =	swait.ge [sflag:s29], $0x1  }
0xb4: {  	[sflag:s29] =	ssyncadd.s32 $0xFFFFFFFF  }
0xb5: {  	_ =	strace $0x90000048  }
0xb6: {  	_ =	sfence  }
0xb7: {  	s30 =	sld [smem:$0x0];
	_ =	sdelay $0x2  }
0xb8: {  	s31 =	sshll.u32 s1, $0xD;
	s1 =	sshrl.u32 s1, $0x2  }
0xb9: {  	s3 =	sand.u32 $0x4000, s31;
	s1 =	sadd.s32 s1, s30  }
0xba: {  	s0 =	sor.u32 s3, s0;
	s1 =	sshll.u32 s1, $0x11  }
0xbb: {  	s0 =	sor.u32 s1, s0  }
0xbc: {  	s0 =	sadd.s32 $0x8F2B, s0  }
0xbd: {  	[sflag:s0] =	ssyncadd.remote.s32 $0x1  }
0xbe: {  	_ =	sfence.sel $0xFFFF  }
0xbf: {  	[dreg:$0x0] =	wrdreg $0xFFFFFFFF;
	(pc) =	sbr.abs _section_cstart, $3  }
0xc0: {  	[dreg:$0x1] =	wrdreg $0xFFFFFFFF  }
0xc1: {  	_ =	task.clear_ibuf [dreg:s7], $0x2FFFF;
	_ =	strace $0x9FFFFFFF  }
0xc2: {  	(tm) =	ssettm $0x7FFFFFFF  }
0xc3: {  	_ =	shalt  }
tec
execute0_lowered:
.L_overlay_start_1:
0x0: {  	(tag) =	ssettag $0x1  }
0x1: {  	s1 =	rddreg [dreg:$0x0]  }
0x2: {  	s4 =	rddreg [dreg:$0x1]  }
0x3: {  	s0 =	rddreg [dreg:$0x2];
	s3 =	simm.s32 $0x0;
	s5 =	srdreg.scid  }
0x4: {  	s2 =	stileid.u32;
	[smem:$0x7FF] =	sst s3;
	s5 =	sand.u32 $0x1, s5  }
0x5: {  	s6 =	sshll.u32 s2, $0x5;
	s8 =	sshll.u32 s2, $0xC;
	_ =	strace $0x80000047  }
0x6: {  	s7 =	ssub.s32 $0x2, s5;
	s6 =	sadd.s32 s6, s4;
	s8 =	sadd.s32 s8, s4  }
0x7: {  	s31 =	sshll.u32 s5, $0x4;
	s10 =	sshll.u32 s5, $0xB;
	s9 =	sshrl.u32 s7, $0x1  }
0x8: {  	s4 =	sshll.u32 s2, $0x1;
	s10 =	sadd.s32 s10, s8;
	s7 =	ssub.s32 s7, s9  }
0x9: {  	s9 =	sadd.s32 s31, s6;
	s8 =	sadd.s32 $0x285C00, s10;
	s5 =	smax.u32 s7, $0x1  }
0xa: {  	s6 =	sadd.s32 $0xFC00, s9;
	s7 =	sadd.s32 $0xAC00, s9;
	s9 =	sadd.s32 $0x14C00, s10  }
.LBB2_1:
0xb: {  	p0 =	sgt.u32 s4, $0x4E1  }
0xc: {  	s10 =	sadd.s32 @!p0 $0x0, s7;
	s11 =	simm.s32 @!p0 $0x0;
	s14 =	simm.s32 @!p0 $0x4  }
0xd: {  	[tilespmem:s11], [sflag:$0x4] =	stream.linear.gather @!p0 [hbm4b:s10+s11], $0x80, $0x38;
	[tilespmem:$0x8100] =	vst v63  }
0xe: {  	_ =	swait.ge @!p0 [sflag:s14], $0x80;
	p0 =	por p0, p0  }
0xf: {  	[sflag:s14] =	ssyncset.done @!p0 $0x0  }
0x10: {  	s10 =	sadd.s32 @!p0 $0x0, s6;
	s12 =	simm.s32 @!p0 $0x80;
	[sflag:s14] =	ssyncadd.s32 @!p0 $0xFFFFFF80  }
0x11: {  	[tilespmem:s12], [sflag:$0x4] =	stream.linear.gather @!p0 [hbm4b:s10+s11], $0x80, $0x38;
	[tilespmem:$0x8100] =	vst v63  }
0x12: {  	_ =	swait.ge @!p0 [sflag:s14], $0x80  }
0x13: {  	[sflag:s14] =	ssyncset.done @!p0 $0x0  }
0x14: {  	s10 =	simm.s32 @!p0 $0x100;
	[sflag:s14] =	ssyncadd.s32 @!p0 $0xFFFFFF80  }
0x15: {  	[tilespmem:s10], [sflag:$0x1] =	stream.indirect.gather @!p0 [hbm4b:s1+s12], $0x80, s11, s12, $0xb8;
	[tilespmem:$0x8100] =	vst v63  }
0x16: {  	s15 =	simm.s32 @!p0 $0x4100;
	s13 =	simm.s32 @!p0 $0x1  }
0x17: {  	[tilespmem:s15], [sflag:$0x2] =	stream.indirect.gather @!p0 [hbm4b:s1+s12], $0x80, s12, s12, $0xb8;
	[tilespmem:$0x8100] =	vst v63  }
0x18: {  	_ =	swait.ge @!p0 [sflag:s13], $0x4000  }
0x19: {  	[sflag:s13] =	ssyncset.done @!p0 $0x0  }
0x1a: {  	s12 =	simm.s32 @!p0 $0x2;
	[sflag:s13] =	ssyncadd.s32 @!p0 $0xFFFFC000  }
0x1b: {  	_ =	swait.ge @!p0 [sflag:s12], $0x4000  }
0x1c: {  	[sflag:s12] =	ssyncset.done @!p0 $0x0  }
0x1d: {  	[sflag:s12] =	ssyncadd.s32 @!p0 $0xFFFFC000  }
0x1e: {  	[hbm4b:s9+s11] =	stream.linear.scatter @!p0 [tilespmem:s10], [sflag:$0x4], $0x4000, $0x38;
	[tilespmem:$0x8100] =	vst v63  }
0x1f: {  	_ =	swait.ge @!p0 [sflag:s14], $0x4000  }
0x20: {  	[sflag:s14] =	ssyncset.done @!p0 $0x0  }
0x21: {  	s13 =	simm.s32 $0x400;
	s12 =	simm.s32 $0x200;
	[sflag:s14] =	ssyncadd.s32 @!p0 $0xFFFFC000  }
0x22: {  	[hbm4b:s8+s11] =	stream.linear.scatter @!p0 [tilespmem:s15], [sflag:$0x3], $0x4000, $0x38;
	[tilespmem:$0x8100] =	vst v63  }
0x23: {  	s10 =	sadd.s32 $0x10000, s9;
	s14 =	sadd.s32 $0x20, s4;
	s15 =	simm.s32 @!p0 $0x3  }
0x24: {  	p2 =	sgt.u32 s14, $0x4E1;
	s11 =	sadd.s32 $0x10000, s8;
	_ =	swait.ge @!p0 [sflag:s15], $0x4000  }
.LBB2_2:
0x25: {  	s16 =	sadd.s32 @!p2 s12, s7  }
0x26: {  	s17 =	simm.s32 @!p2 $0x0;
	[sflag:s15] =	ssyncset.done @!p0 $0x0;
	s18 =	smov.u32 s13  }
0x27: {  	s13 =	sadd.s32 $0x200, s13;
	s19 =	simm.s32 @!p2 $0x4;
	[sflag:s15] =	ssyncadd.s32 @!p0 $0xFFFFC000  }
0x28: {  	[tilespmem:s17], [sflag:$0x4] =	stream.linear.gather @!p2 [hbm4b:s16+s17], $0x80, $0x38;
	[tilespmem:$0x8100] =	vst v63  }
0x29: {  	p1 =	sne.s32 s13, $0x5000;
	p0 =	por p2, p2;
	_ =	swait.ge @!p2 [sflag:s19], $0x80  }
0x2a: {  	[sflag:s19] =	ssyncset.done @!p0 $0x0  }
0x2b: {  	s12 =	sadd.s32 @!p0 s12, s6;
	s15 =	simm.s32 @!p0 $0x80;
	[sflag:s19] =	ssyncadd.s32 @!p0 $0xFFFFFF80  }
0x2c: {  	[tilespmem:s15], [sflag:$0x4] =	stream.linear.gather @!p0 [hbm4b:s12+s17], $0x80, $0x38;
	[tilespmem:$0x8100] =	vst v63  }
0x2d: {  	s12 =	smov.u32 s18;
	_ =	swait.ge @!p0 [sflag:s19], $0x80  }
0x2e: {  	[sflag:s19] =	ssyncset.done @!p0 $0x0  }
0x2f: {  	s16 =	simm.s32 @!p0 $0x100;
	[sflag:s19] =	ssyncadd.s32 @!p0 $0xFFFFFF80  }
0x30: {  	[tilespmem:s16], [sflag:$0x1] =	stream.indirect.gather @!p0 [hbm4b:s1+s15], $0x80, s17, s15, $0xb8;
	[tilespmem:$0x8100] =	vst v63  }
0x31: {  	s20 =	simm.s32 @!p0 $0x1;
	s18 =	simm.s32 @!p0 $0x4100  }
0x32: {  	[tilespmem:s18], [sflag:$0x2] =	stream.indirect.gather @!p0 [hbm4b:s1+s15], $0x80, s15, s15, $0xb8;
	[tilespmem:$0x8100] =	vst v63  }
0x33: {  	_ =	swait.ge @!p0 [sflag:s20], $0x4000  }
0x34: {  	[sflag:s20] =	ssyncset.done @!p0 $0x0  }
0x35: {  	s15 =	simm.s32 @!p0 $0x2;
	[sflag:s20] =	ssyncadd.s32 @!p0 $0xFFFFC000  }
0x36: {  	_ =	swait.ge @!p0 [sflag:s15], $0x4000  }
0x37: {  	[sflag:s15] =	ssyncset.done @!p0 $0x0  }
0x38: {  	[sflag:s15] =	ssyncadd.s32 @!p0 $0xFFFFC000  }
0x39: {  	[hbm4b:s10+s17] =	stream.linear.scatter @!p0 [tilespmem:s16], [sflag:$0x4], $0x4000, $0x38;
	[tilespmem:$0x8100] =	vst v63  }
.Ltmp0:
0x3a: {  	_ =	swait.ge @!p0 [sflag:s19], $0x4000;
	(pc) =	sbr.rel @p1 .LBB2_2-.Ltmp0, $4  }
0x3b: {  	s10 =	sadd.s32 $0x10000, s10;
	[sflag:s19] =	ssyncset.done @!p0 $0x0  }
0x3c: {  	s14 =	sadd.s32 $0x20, s14;
	s15 =	simm.s32 @!p0 $0x3;
	[sflag:s19] =	ssyncadd.s32 @!p0 $0xFFFFC000  }
0x3d: {  	[hbm4b:s11+s17] =	stream.linear.scatter @!p0 [tilespmem:s18], [sflag:$0x3], $0x4000, $0x38;
	[tilespmem:$0x8100] =	vst v63  }
0x3e: {  	p2 =	sgt.u32 s14, $0x4E1;
	s11 =	sadd.s32 $0x10000, s11;
	_ =	swait.ge @!p0 [sflag:s15], $0x4000  }
0x3f: {  	s13 =	sadd.s32 @!p2 s12, s7;
	[sflag:s15] =	ssyncset.done @!p0 $0x0  }
0x40: {  	s14 =	simm.s32 @!p2 $0x0;
	s16 =	simm.s32 @!p2 $0x4;
	[sflag:s15] =	ssyncadd.s32 @!p0 $0xFFFFC000  }
0x41: {  	[tilespmem:s14], [sflag:$0x4] =	stream.linear.gather @!p2 [hbm4b:s13+s14], $0x80, $0x38;
	[tilespmem:$0x8100] =	vst v63  }
0x42: {  	p0 =	por p2, p2;
	_ =	swait.ge @!p2 [sflag:s16], $0x80  }
0x43: {  	[sflag:s16] =	ssyncset.done @!p0 $0x0  }
0x44: {  	s12 =	sadd.s32 @!p0 s12, s6;
	s13 =	simm.s32 @!p0 $0x80;
	[sflag:s16] =	ssyncadd.s32 @!p0 $0xFFFFFF80  }
0x45: {  	[tilespmem:s13], [sflag:$0x4] =	stream.linear.gather @!p0 [hbm4b:s12+s14], $0x80, $0x38;
	[tilespmem:$0x8100] =	vst v63  }
0x46: {  	_ =	swait.ge @!p0 [sflag:s16], $0x80  }
0x47: {  	[sflag:s16] =	ssyncset.done @!p0 $0x0  }
0x48: {  	s12 =	simm.s32 @!p0 $0x100;
	[sflag:s16] =	ssyncadd.s32 @!p0 $0xFFFFFF80  }
0x49: {  	[tilespmem:s12], [sflag:$0x1] =	stream.indirect.gather @!p0 [hbm4b:s1+s13], $0x80, s14, s13, $0xb8;
	[tilespmem:$0x8100] =	vst v63  }
0x4a: {  	s15 =	simm.s32 @!p0 $0x4100;
	s17 =	simm.s32 @!p0 $0x1  }
0x4b: {  	[tilespmem:s15], [sflag:$0x2] =	stream.indirect.gather @!p0 [hbm4b:s1+s13], $0x80, s13, s13, $0xb8;
	[tilespmem:$0x8100] =	vst v63  }
0x4c: {  	_ =	swait.ge @!p0 [sflag:s17], $0x4000  }
0x4d: {  	[sflag:s17] =	ssyncset.done @!p0 $0x0  }
0x4e: {  	s13 =	simm.s32 @!p0 $0x2;
	[sflag:s17] =	ssyncadd.s32 @!p0 $0xFFFFC000  }
0x4f: {  	_ =	swait.ge @!p0 [sflag:s13], $0x4000  }
0x50: {  	[sflag:s13] =	ssyncset.done @!p0 $0x0  }
0x51: {  	[sflag:s13] =	ssyncadd.s32 @!p0 $0xFFFFC000  }
0x52: {  	[hbm4b:s10+s14] =	stream.linear.scatter @!p0 [tilespmem:s12], [sflag:$0x4], $0x4000, $0x38;
	[tilespmem:$0x8100] =	vst v63  }
0x53: {  	s3 =	sadd.s32 $0x1, s3;
	_ =	swait.ge @!p0 [sflag:s16], $0x4000  }
0x54: {  	p1 =	sne.s32 s3, s5;
	[sflag:s16] =	ssyncset.done @!p0 $0x0  }
.Ltmp1:
0x55: {  	s10 =	simm.s32 @!p0 $0x3;
	[sflag:s16] =	ssyncadd.s32 @!p0 $0xFFFFC000;
	(pc) =	sbr.rel @p1 .LBB2_1-.Ltmp1, $4  }
0x56: {  	[hbm4b:s11+s14] =	stream.linear.scatter @!p0 [tilespmem:s15], [sflag:$0x3], $0x4000, $0x38;
	[tilespmem:$0x8100] =	vst v63  }
0x57: {  	_ =	swait.ge @!p0 [sflag:s10], $0x4000  }
0x58: {  	[sflag:s10] =	ssyncset.done @!p0 $0x0  }
0x59: {  	[sflag:s10] =	ssyncadd.s32 @!p0 $0xFFFFC000  }
0x5a: {  	_ =	sfence.sel $0x180000  }
0x5b: {  	[bflag:$0x0] =	sbarrier.arrive $0xFFFF  }
0x5c: {  	p0 =	sne.s32 s2, $0x0;
	_ =	strace $0x90000047  }
0x5d: {  	s0 =	sadd.s32 @!p0 $0x100000, s0;
	[bflag:$0x2] =	sbarrier.arrive $0xFFFF  }
0x5e: {  	[sflag:s0] =	ssyncadd.tile.s32 @!p0 $0x1;
	_ =	shalt  }
.Lfunc_end2:
_tile_overlayer_lowered:
.L_overlay_start_2:
0x5f: {  	(tag) =	ssettag $0x2  }
0x60: {  	s0 =	rddreg [dreg:$0x0];
	s2 =	stileid.u32  }
0x61: {  	s1 =	rddreg [dreg:$0x1];
	p0 =	sne.s32 s2, $0x0  }
0x62: {  	s3 =	rddreg [dreg:$0x2];
	[bflag:$0x3] =	sbarrier.arrive $0xFFFF;
	s2 =	simm.s32 @!p0 $0x1C03  }
0x63: {  	[timem:s3], [sflag:s2] =	dma.local @!p0 [hbm:s0], s1  }
0x64: {  	s0 =	simm.s32 @!p0 $0x3  }
0x65: {  	_ =	swait.ge @!p0 [sflag:s0], s1  }
0x66: {  	s1 =	ssub.s32 @!p0 $0x0, s1;
	[sflag:s0] =	ssyncset.done @!p0 $0x0  }
0x67: {  	[sflag:s0] =	ssyncadd.s32 @!p0 s1  }
0x68: {  	[bflag:$0x3] =	sbarrier.arrive $0xFFFF  }
0x69: {  	_ =	shalt  }

// kernel: kernel.23.cloned.1.call-start
scs
__scs_entry_jumppad:
0x0: {  	(pc) =	sbr.rel $0x88, $3  }
0x1: {  	(tag) =	ssettag $0x0;
	lr =	simm.s32 $0x1  }
0x2: {  	[smem:$0x3F84] =	sst lr;
	_ =	strace $0xD0000000  }
0x3: {  	_ = 	snop  }
0x4: {  	_ = 	snop  }
0x5: {  	_ = 	snop  }
0x6: {  	_ = 	snop  }
0x7: {  	_ = 	snop  }
__scs_overlays_trampoline_lowered:
0x8: {  	[smem:$0x3F93] =	sst s0  }
0x9: {  	[smem:$0x3F94] =	sst s1  }
0xa: {  	[smem:$0x3F95] =	sst s2  }
0xb: {  	[smem:$0x3F96] =	sst s3  }
0xc: {  	[smem:$0x3F97] =	sst s4  }
0xd: {  	[smem:$0x3F98] =	sst s5  }
0xe: {  	[smem:$0x3F99] =	sst s6  }
0xf: {  	[smem:$0x3F9A] =	sst s7  }
0x10: {  	[smem:$0x3F9B] =	sst s8  }
0x11: {  	[smem:$0x3F9C] =	sst s9;
	s0 =	simm.s32 @!p0 $0x0  }
0x12: {  	s1 =	sld [smem:$0x3F82];
	s0 =	simm.s32 @p0 $0x1  }
0x13: {  	[smem:$0x3F9D] =	sst s0;
	s0 =	simm.s32 @!p1 $0x0  }
0x14: {  	s2 =	sld [smem:$0x3F81];
	s0 =	simm.s32 @p1 $0x1  }
0x15: {  	[smem:$0x3F9E] =	sst s0;
	s0 =	simm.s32 @!p2 $0x0  }
0x16: {  	s3 =	sld [smem:$0x3FDB];
	s0 =	simm.s32 @p2 $0x1  }
0x17: {  	s4 =	simm.s32 $0x1BF5;
	[smem:$0x3FA0] =	sst s0  }
0x18: {  	s0 =	sld [smem:$0x3F83];
	_ =	swait.ge [sflag:s4], $0x0  }
0x19: {  	s7 =	sld [smem:$0x3F84]  }
0x1a: {  	s8 =	sadd.s32 $0xFFFFE003, lr  }
0x1b: {  	s9 =	sadd.s32 $0xFFFFFEF7, lr;
	s5 =	simm.s32 $0xFFFFFFFF;
	p2 =	slt.u32 s8, $0xFFFFF086  }
0x1c: {  	p1 =	slt.u32 s9, $0xF7A;
	s5 =	simm.s32 @!p2 $0x0  }
0x1d: {  	s5 =	simm.s32 @p1 $0x1;
	p0 =	seq.s32 s7, s2  }
0x1e: {  	s7 =	smul.u32 @!p0 $0xF7A, s2;
	p2 =	seq.s32 @!p0 s5, $0x0  }
0x1f: {  	s9 =	smul.u32 $0xF7A, s1;
	s8 =	simm.s32 @!p0 $0x1BF5;
	p2 =	por !p2, p0  }
0x20: {  	[sflag:s8] =	ssyncset.s32 @!p0 $0xFFFFF086;
	s6 =	sadd.s32 @!p0 s3, s7;
	s7 =	simm.s32 @!p0 $0x108  }
0x21: {  	s3 =	sadd.s32 s3, s9;
	s6 =	sadd.s32 @!p0 $0x88, s6;
	s7 =	simm.s32 @p2 $0x1082  }
0x22: {  	[simem:s7], [sflag:s8] =	dma.local @!p0 [hbm:s6], $0xF7A  }
0x23: {  	s9 =	sor.u32 $0xD0000000, s2;
	s6 =	simm.s32 $0x108;
	_ =	swait.ge @!p0 [sflag:s8], $0x0  }
0x24: {  	s3 =	sadd.s32 $0x88, s3;
	s6 =	simm.s32 @!p1 $0x1082;
	[sflag:s4] =	ssyncset.s32 $0xFFFFF086  }
0x25: {  	[simem:s6], [sflag:s4] =	dma.local [hbm:s3], $0xF7A  }
0x26: {  	[smem:$0x3F84] =	sst s1;
	(tag) =	ssettag s2;
	_ =	strace s9  }
0x27: {  	s1 =	sld [smem:$0x3F94]  }
0x28: {  	s2 =	sld [smem:$0x3F95]  }
0x29: {  	s4 =	sld [smem:$0x3F97]  }
0x2a: {  	p0 =	seq.s32 s5, $0x0;
	s5 =	sld [smem:$0x3F98]  }
0x2b: {  	s6 =	sld [smem:$0x3F99]  }
0x2c: {  	s7 =	sld [smem:$0x3F9A]  }
0x2d: {  	s3 =	simm.s32 $0x108;
	s8 =	sld [smem:$0x3F9B]  }
0x2e: {  	s3 =	simm.s32 @!p0 $0x1082;
	s9 =	sld [smem:$0x3F9C]  }
0x2f: {  	lr =	sadd.s32 s0, s3;
	s0 =	sld [smem:$0x3F93]  }
0x30: {  	s3 =	sld [smem:$0x3F96]  }
0x31: {  	[smem:$0x3F9F] =	sst s10  }
0x32: {  	s10 =	sld [smem:$0x3F9D];
	_ =	sdelay $0x3  }
0x33: {  	p0 =	seq.s32 s10, $0x1;
	s10 =	sld [smem:$0x3F9F];
	_ =	sdelay $0x3  }
0x34: {  	[smem:$0x3F9F] =	sst s10  }
0x35: {  	s10 =	sld [smem:$0x3F9E];
	_ =	sdelay $0x3  }
0x36: {  	p1 =	seq.s32 s10, $0x1;
	s10 =	sld [smem:$0x3F9F];
	_ =	sdelay $0x3  }
0x37: {  	[smem:$0x3F9F] =	sst s10  }
0x38: {  	s10 =	sld [smem:$0x3FA0]  }
0x39: {  	_ = 	snop;
	(pc) =	sbr.ind lr, $3  }
0x3a: {  	_ = 	snop  }
0x3b: {  	_ = 	snop  }
0x3c: {  	p2 =	seq.s32 s10, $0x1;
	s10 =	sld [smem:$0x3F9F]  }
0x3d: {  	_ =	shalt  }
0x3e: {  	_ =	shalt  }
0x3f: {  	_ =	shalt  }
0x40: {  	_ =	shalt  }
0x41: {  	_ =	shalt  }
0x42: {  	_ =	shalt  }
0x43: {  	_ =	shalt  }
0x44: {  	_ =	shalt  }
0x45: {  	_ =	shalt  }
0x46: {  	_ =	shalt  }
0x47: {  	_ =	shalt  }
0x48: {  	_ =	shalt  }
0x49: {  	_ =	shalt  }
0x4a: {  	_ =	shalt  }
0x4b: {  	_ =	shalt  }
0x4c: {  	_ =	shalt  }
0x4d: {  	_ =	shalt  }
0x4e: {  	_ =	shalt  }
0x4f: {  	_ =	shalt  }
0x50: {  	_ =	shalt  }
0x51: {  	_ =	shalt  }
0x52: {  	_ =	shalt  }
0x53: {  	_ =	shalt  }
0x54: {  	_ =	shalt  }
0x55: {  	_ =	shalt  }
0x56: {  	_ =	shalt  }
0x57: {  	_ =	shalt  }
0x58: {  	_ =	shalt  }
0x59: {  	_ =	shalt  }
0x5a: {  	_ =	shalt  }
0x5b: {  	_ =	shalt  }
0x5c: {  	_ =	shalt  }
0x5d: {  	_ =	shalt  }
0x5e: {  	_ =	shalt  }
0x5f: {  	_ =	shalt  }
0x60: {  	_ =	shalt  }
0x61: {  	_ =	shalt  }
0x62: {  	_ =	shalt  }
0x63: {  	_ =	shalt  }
0x64: {  	_ =	shalt  }
0x65: {  	_ =	shalt  }
0x66: {  	_ =	shalt  }
0x67: {  	_ =	shalt  }
0x68: {  	_ =	shalt  }
0x69: {  	_ =	shalt  }
0x6a: {  	_ =	shalt  }
0x6b: {  	_ =	shalt  }
0x6c: {  	_ =	shalt  }
0x6d: {  	_ =	shalt  }
0x6e: {  	_ =	shalt  }
0x6f: {  	_ =	shalt  }
0x70: {  	_ =	shalt  }
0x71: {  	_ =	shalt  }
0x72: {  	_ =	shalt  }
0x73: {  	_ =	shalt  }
0x74: {  	_ =	shalt  }
0x75: {  	_ =	shalt  }
0x76: {  	_ =	shalt  }
0x77: {  	_ =	shalt  }
0x78: {  	_ =	shalt  }
0x79: {  	_ =	shalt  }
0x7a: {  	_ =	shalt  }
0x7b: {  	_ =	shalt  }
0x7c: {  	_ =	shalt  }
0x7d: {  	_ =	shalt  }
0x7e: {  	_ =	shalt  }
0x7f: {  	_ =	shalt  }
0x80: {  	_ =	shalt  }
0x81: {  	_ =	shalt  }
0x82: {  	_ =	shalt  }
0x83: {  	_ =	shalt  }
0x84: {  	_ =	shalt  }
0x85: {  	_ =	shalt  }
0x86: {  	_ =	shalt  }
0x87: {  	_ =	shalt  }
.Lfunc_end0:
.L_simem_size_0:
called_computation.4_lowered:
.L_overlay_start_0:
0x88: {  	s2 =	sld [smem:$0x3FD9]  }
0x89: {  	s3 =	sld [smem:$0x3FFE];
	_ =	sdelay $0x1  }
0x8a: {  	s1 =	srdreg.scid  }
0x8b: {  	s0 =	sand.u32 $0x1, s1  }
0x8c: {  	s17 =	sshll.u32 s0, $0xA;
	s2 =	sadd.s32 s3, s2  }
0x8d: {  	s2 =	sadd.s32 s2, s17  }
0x8e: {  	[smem:$0x3FAB] =	sst s2  }
0x8f: {  	_ = 	snop  }
0x90: {  	(tm) =	ssettm $0x1  }
0x91: {  	s18 =	sld [smem:$0x3FFB];
	_ =	sdelay $0x3  }
0x92: {  	_ =	strace s18  }
0x93: {  	s2 =	sld [smem:$0x3FFC];
	_ =	sdelay $0x3  }
0x94: {  	_ =	strace s2  }
0x95: {  	s2 =	sld [smem:$0x3FFD];
	_ =	sdelay $0x3  }
0x96: {  	_ =	strace s2  }
0x97: {  	_ =	strace $0x8FFFFFFF  }
0x98: {  	s19 =	sld [smem:$0x3FDB];
	_ =	sdelay $0x1  }
0x99: {  	s20 =	simm.s32 $_scs_section_size  }
0x9a: {  	s4 =	simm.s32 $_size__tile_overlayer_lowered;
	s5 =	simm.s32 $_tile_overlayer_lowered  }
0x9b: {  	s6 =	simm.s32 $0x1BFF;
	s21 =	sshll.u32 s5, $0x1;
	s3 =	sadd.s32 s20, s19  }
0x9c: {  	s22 =	simm.s32 $0x0;
	s4 =	sshll.u32 s4, $0x1;
	s5 =	sadd.s32 s21, s3  }
0x9d: {  	[timem:s22], [sflag:s6] =	dma.local [hbm:s5], s4  }
0x9e: {  	_ =	swait.ge [sflag:s6], s4  }
0x9f: {  	s4 =	ssub.s32 $0x0, s4;
	[sflag:s6] =	ssyncset.done $0x0  }
0xa0: {  	[sflag:s6] =	ssyncadd.s32 s4;
	_ =	sdelay $0x1  }
0xa1: {  	s23 =	simm.s32 $0x1B8B  }
0xa2: {  	_ =	swait.ge [sflag:s23], $0x1  }
0xa3: {  	[sflag:s23] =	ssyncset.done $0x0  }
0xa4: {  	[sflag:s23] =	ssyncadd.s32 $0xFFFFFFFF  }
0xa5: {  	s4 =	sld [smem:$0x0]  }
0xa6: {  	s5 =	sand.u32 $0xFFFFFFFE, s1  }
0xa7: {  	p0 =	sne.s32 s1, s5  }
0xa8: {  	s5 =	sshll.u32 @p0 s5, $0xE  }
0xa9: {  	s5 =	sadd.s32 @p0 $0x11B8D, s5;
	s6 =	sshll.u32 @p0 s4, $0x11  }
0xaa: {  	s5 =	sor.u32 @p0 s6, s5  }
0xab: {  	[sflag:s5] =	ssyncadd.remote.s32 @p0 $0x1;
	_ =	sdelay $0x1  }
0xac: {  	s5 =	simm.s32 @p0 $0x1B8D  }
0xad: {  	_ =	swait.eq @p0 [sflag:s5], $0x1  }
0xae: {  	[sflag:s5] =	ssyncadd.s32 @p0 $0xFFFFFFFF  }
0xaf: {  	s6 =	sshll.u32 @!p0 s1, $0xE  }
0xb0: {  	s6 =	sor.u32 @!p0 $0x4000, s6;
	s5 =	simm.s32 @!p0 $0x1B8D  }
0xb1: {  	s4 =	sshll.u32 @!p0 s4, $0x11;
	s6 =	sadd.s32 @!p0 $0x11B8D, s6;
	_ =	swait.eq @!p0 [sflag:s5], $0x1  }
0xb2: {  	s4 =	sor.u32 @!p0 s4, s6;
	[sflag:s5] =	ssyncadd.s32 @!p0 $0xFFFFFFFF  }
0xb3: {  	s25 =	simm.s32 $0x1B8E;
	s24 =	sld [smem:$0x3FFE];
	[sflag:s4] =	ssyncadd.remote.s32 @!p0 $0x1  }
0xb4: {  	s26 =	simm.s32 $execute0_lowered;
	[smem:$0x3FD2] =	sst s25  }
0xb5: {  	s5 =	sshll.u32 s26, $0x1;
	_ =	strace $0x8000004C;
	[dreg:$0x1] =	wrdreg $0xFFFFFFFF  }
0xb6: {  	s28 =	simm.s32 $_size_execute0_lowered;
	s3 =	sadd.s32 s3, s5;
	[dreg:$0x0] =	wrdreg $0x0  }
0xb7: {  	s5 =	sshll.u32 s28, $0x1;
	[dreg:$0x2] =	wrdreg s3  }
0xb8: {  	[dreg:$0x3] =	wrdreg s5  }
0xb9: {  	[dreg:$0x4] =	wrdreg $0xC0  }
0xba: {  	_ =	task [dreg:s22], $0x5FFFF  }
0xbb: {  	[dreg:$0x1] =	wrdreg $0xFFFFFFFF  }
0xbc: {  	[dreg:$0x0] =	wrdreg $0x60  }
0xbd: {  	[dreg:$0x2] =	wrdreg s24  }
0xbe: {  	[dreg:$0x3] =	wrdreg $0x40800  }
0xbf: {  	[dreg:$0x4] =	wrdreg $0x9  }
0xc0: {  	_ =	task.clear_ibuf [dreg:s22], $0x5FFFF;
	_ =	strace $0x9000004C  }
0xc1: {  	s29 =	simm.s32 $0x9;
	_ =	strace $0x8000004E  }
0xc2: {  	_ =	swait.ge [sflag:s29], $0x1  }
0xc3: {  	[sflag:s29] =	ssyncadd.s32 $0xFFFFFFFF  }
0xc4: {  	_ =	strace $0x9000004E  }
0xc5: {  	_ =	sfence  }
0xc6: {  	s30 =	sld [smem:$0x0];
	_ =	sdelay $0x2  }
0xc7: {  	s31 =	sshll.u32 s1, $0xD;
	s1 =	sshrl.u32 s1, $0x2  }
0xc8: {  	s4 =	sand.u32 $0x4000, s31;
	s1 =	sadd.s32 s1, s30  }
0xc9: {  	s0 =	sor.u32 s4, s0;
	s1 =	sshll.u32 s1, $0x11  }
0xca: {  	s0 =	sor.u32 s1, s0  }
0xcb: {  	s0 =	sadd.s32 $0x8F2B, s0  }
0xcc: {  	[sflag:s0] =	ssyncadd.remote.s32 $0x1  }
0xcd: {  	_ =	sfence.sel $0xFFFF  }
0xce: {  	[dreg:$0x0] =	wrdreg $0xFFFFFFFF;
	(pc) =	sbr.abs _section_cstart, $3  }
0xcf: {  	[dreg:$0x1] =	wrdreg $0xFFFFFFFF  }
0xd0: {  	_ =	task.clear_ibuf [dreg:s22], $0x2FFFF;
	_ =	strace $0x9FFFFFFF  }
0xd1: {  	(tm) =	ssettm $0x7FFFFFFF  }
tec
execute0_lowered:
.L_overlay_start_1:
0x0: {  	(tag) =	ssettag $0x1  }
0x1: {  	s4 =	rddreg [dreg:$0x0]  }
0x2: {  	s1 =	rddreg [dreg:$0x1]  }
0x3: {  	s0 =	rddreg [dreg:$0x2];
	s3 =	simm.s32 $0x0;
	s2 =	stileid.u32  }
0x4: {  	s5 =	srdreg.scid;
	[smem:$0x7FF] =	sst s3;
	s6 =	sshll.u32 s2, $0x5  }
0x5: {  	s7 =	smul.u32 $0x2780, s2;
	s8 =	sand.u32 $0x1, s5;
	s23 =	sshll.u32 s2, $0xC  }
0x6: {  	s11 =	smul.u32 $0x4F000, s2;
	s29 =	sshll.u32 s2, $0x6;
	_ =	strace $0x8000004D  }
0x7: {  	s10 =	sadd.s32 s6, s4;
	s24 =	smul.u32 $0x27800, s8;
	s9 =	sadd.s32 s23, s4  }
0x8: {  	s25 =	ssub.s32 $0x2, s8;
	s30 =	sshll.u32 s8, $0xB;
	s31 =	sshll.u32 s8, $0x4  }
0x9: {  	s12 =	sadd.s32 s7, s4;
	s26 =	sshrl.u32 s25, $0x1;
	s28 =	sshrl.u32 s11, $0x2  }
0xa: {  	s9 =	sadd.s32 s30, s9;
	s10 =	sadd.s32 s31, s10;
	s6 =	sadd.s32 s7, s24  }
0xb: {  	s14 =	ssub.s32 s25, s26;
	s11 =	sadd.s32 s28, s1;
	s5 =	sadd.s32 $0x10400, s12  }
0xc: {  	s9 =	sadd.s32 $0x1888C00, s9;
	s10 =	sadd.s32 $0xAC00, s10;
	s12 =	simm.s32 $0x1  }
0xd: {  	s13 =	sadd.s32 s6, s4;
	s4 =	sshll.u32 s2, $0x1;
	s6 =	sor.u32 $0x1C01, s29  }
0xe: {  	s8 =	smax.u32 s14, $0x1;
	s11 =	sshrl.u32 s11, $0x3;
	s7 =	sadd.s32 $0x37C00, s13  }
.LBB2_1:
0xf: {  	[spmem:s11], [sflag:s6] =	dma.local [hbm:s5], $0x2780  }
0x10: {  	_ =	swait.ge [sflag:s12], $0x2780  }
0x11: {  	s13 =	sadd.s32 $0x0, s4;
	[sflag:s12] =	ssyncset.done $0x0  }
0x12: {  	p0 =	sgt.u32 s13, $0x4E1;
	[sflag:s12] =	ssyncadd.s32 $0xFFFFD880  }
0x13: {  	s13 =	simm.s32 @!p0 $0x0;
	s15 =	simm.s32 @!p0 $0x2;
	[bflag:$0x0] =	sbarrier.arrive $0xFFFF  }
0x14: {  	[tilespmem:s13], [sflag:$0x2] =	stream.linear.gather @!p0 [hbm4b:s10+s13], $0x80, $0x38;
	[tilespmem:$0x17C80] =	vst v63  }
0x15: {  	_ =	swait.ge @!p0 [sflag:s15], $0x80  }
0x16: {  	[sflag:s15] =	ssyncset.done @!p0 $0x0;
	p0 =	por p0, p0  }
0x17: {  	[sflag:s15] =	ssyncadd.s32 @!p0 $0xFFFFFF80;
	s17 =	simm.s32 @!p0 $0x80  }
0x18: {  	[tilespmem:s17], [sflag:$0x2] =	stream.linear.gather @!p0 [hbm4b:s9+s13], $0x4000, $0x38;
	[tilespmem:$0x17C80] =	vst v63  }
0x19: {  	_ =	swait.ge @!p0 [sflag:s15], $0x4000  }
0x1a: {  	[sflag:s15] =	ssyncset.done @!p0 $0x0  }
0x1b: {  	s31 =	sadd.s32 $0x20, s4;
	s16 =	simm.s32 @!p0 $0x1;
	[sflag:s15] =	ssyncadd.s32 @!p0 $0xFFFFC000  }
0x1c: {  	[spmem:s1] =	stream.indirect.scatter.add.f32 @!p0 [tilespmem:s17], [sflag:$0x1], $0x80, s13, s17, $0xb8;
	[tilespmem:$0x17C80] =	vst v63  }
0x1d: {  	s14 =	simm.s32 $0x40;
	p1 =	sgt.u32 s31, $0x4E1;
	_ =	swait.ge @!p0 [sflag:s16], $0x4000  }
0x1e: {  	s15 =	sadd.s32 $0x200, s10;
	s13 =	sadd.s32 $0x10000, s9;
	[sflag:s16] =	ssyncset.done @!p0 $0x0  }
.LBB2_2:
0x1f: {  	s17 =	simm.s32 @!p1 $0x0;
	s18 =	simm.s32 @!p1 $0x2;
	[sflag:s16] =	ssyncadd.s32 @!p0 $0xFFFFC000  }
0x20: {  	[tilespmem:s17], [sflag:$0x2] =	stream.linear.gather @!p1 [hbm4b:s15+s17], $0x80, $0x38;
	[tilespmem:$0x17C80] =	vst v63  }
0x21: {  	s19 =	smov.u32 s14;
	s14 =	sadd.s32 $0x20, s14;
	_ =	swait.ge @!p1 [sflag:s18], $0x80  }
0x22: {  	p0 =	por p1, p1;
	p2 =	sne.s32 s14, $0x500;
	[sflag:s18] =	ssyncset.done @!p1 $0x0  }
0x23: {  	s20 =	simm.s32 @!p0 $0x80;
	[sflag:s18] =	ssyncadd.s32 @!p0 $0xFFFFFF80  }
0x24: {  	[tilespmem:s20], [sflag:$0x2] =	stream.linear.gather @!p0 [hbm4b:s13+s17], $0x4000, $0x38;
	[tilespmem:$0x17C80] =	vst v63  }
0x25: {  	_ =	swait.ge @!p0 [sflag:s18], $0x4000  }
.Ltmp0:
0x26: {  	[sflag:s18] =	ssyncset.done @!p0 $0x0;
	(pc) =	sbr.rel @p2 .LBB2_2-.Ltmp0, $4  }
0x27: {  	s16 =	simm.s32 @!p0 $0x1;
	[sflag:s18] =	ssyncadd.s32 @!p0 $0xFFFFC000  }
0x28: {  	[spmem:s1] =	stream.indirect.scatter.add.f32 @!p0 [tilespmem:s20], [sflag:$0x1], $0x80, s17, s20, $0xb8;
	[tilespmem:$0x17C80] =	vst v63  }
0x29: {  	s15 =	sadd.s32 $0x200, s15;
	s17 =	sadd.s32 s19, s4;
	_ =	swait.ge @!p0 [sflag:s16], $0x4000  }
0x2a: {  	s13 =	sadd.s32 $0x10000, s13;
	p1 =	sgt.u32 s17, $0x4E1;
	[sflag:s16] =	ssyncset.done @!p0 $0x0  }
0x2b: {  	s14 =	simm.s32 @!p1 $0x0;
	s17 =	simm.s32 @!p1 $0x2;
	[sflag:s16] =	ssyncadd.s32 @!p0 $0xFFFFC000  }
0x2c: {  	[tilespmem:s14], [sflag:$0x2] =	stream.linear.gather @!p1 [hbm4b:s15+s14], $0x80, $0x38;
	[tilespmem:$0x17C80] =	vst v63  }
0x2d: {  	_ =	swait.ge @!p1 [sflag:s17], $0x80  }
0x2e: {  	p0 =	por p1, p1;
	[sflag:s17] =	ssyncset.done @!p1 $0x0  }
0x2f: {  	s15 =	simm.s32 @!p0 $0x80;
	[sflag:s17] =	ssyncadd.s32 @!p0 $0xFFFFFF80  }
0x30: {  	[tilespmem:s15], [sflag:$0x2] =	stream.linear.gather @!p0 [hbm4b:s13+s14], $0x4000, $0x38;
	[tilespmem:$0x17C80] =	vst v63  }
0x31: {  	_ =	swait.ge @!p0 [sflag:s17], $0x4000  }
0x32: {  	[sflag:s17] =	ssyncset.done @!p0 $0x0  }
0x33: {  	s13 =	simm.s32 @!p0 $0x1;
	[sflag:s17] =	ssyncadd.s32 @!p0 $0xFFFFC000  }
0x34: {  	[spmem:s1] =	stream.indirect.scatter.add.f32 @!p0 [tilespmem:s15], [sflag:$0x1], $0x80, s14, s15, $0xb8;
	[tilespmem:$0x17C80] =	vst v63  }
0x35: {  	_ =	swait.ge @!p0 [sflag:s13], $0x4000  }
0x36: {  	s3 =	sadd.s32 $0x1, s3;
	[sflag:s13] =	ssyncset.done @!p0 $0x0  }
0x37: {  	[sflag:s13] =	ssyncadd.s32 @!p0 $0xFFFFC000;
	p0 =	sne.s32 s3, s8  }
.Ltmp1:
0x38: {  	[bflag:$0x0] =	sbarrier.arrive $0xFFFF;
	(pc) =	sbr.rel @p0 .LBB2_1-.Ltmp1, $4  }
0x39: {  	[hbm:s7], [sflag:s6] =	dma.local [spmem:s11], $0x2780  }
0x3a: {  	_ =	swait.ge [sflag:s12], $0x2780  }
0x3b: {  	[sflag:s12] =	ssyncset.done $0x0  }
0x3c: {  	[sflag:s12] =	ssyncadd.s32 $0xFFFFD880  }
0x3d: {  	_ =	sfence.sel $0x180000  }
0x3e: {  	[bflag:$0x0] =	sbarrier.arrive $0xFFFF  }
0x3f: {  	p0 =	sne.s32 s2, $0x0;
	_ =	strace $0x9000004D  }
0x40: {  	s0 =	sadd.s32 @!p0 $0x100000, s0;
	[bflag:$0x2] =	sbarrier.arrive $0xFFFF  }
0x41: {  	[sflag:s0] =	ssyncadd.tile.s32 @!p0 $0x1;
	_ =	shalt  }
.Lfunc_end2:
_tile_overlayer_lowered:
.L_overlay_start_2:
0x42: {  	(tag) =	ssettag $0x2  }
0x43: {  	s0 =	rddreg [dreg:$0x0];
	s2 =	stileid.u32  }
0x44: {  	s1 =	rddreg [dreg:$0x1];
	p0 =	sne.s32 s2, $0x0  }
0x45: {  	s3 =	rddreg [dreg:$0x2];
	[bflag:$0x3] =	sbarrier.arrive $0xFFFF;
	s2 =	simm.s32 @!p0 $0x1C01  }
0x46: {  	[timem:s3], [sflag:s2] =	dma.local @!p0 [hbm:s0], s1  }
0x47: {  	s0 =	simm.s32 @!p0 $0x1  }
0x48: {  	_ =	swait.ge @!p0 [sflag:s0], s1  }
0x49: {  	s1 =	ssub.s32 @!p0 $0x0, s1;
	[sflag:s0] =	ssyncset.done @!p0 $0x0  }
0x4a: {  	[sflag:s0] =	ssyncadd.s32 @!p0 s1  }
0x4b: {  	[bflag:$0x3] =	sbarrier.arrive $0xFFFF  }
0x4c: {  	_ =	shalt  }

// kernel: kernel.26.cloned.1.call-start
scs
__scs_entry_jumppad:
0x0: {  	(pc) =	sbr.rel $0x88, $3  }
0x1: {  	(tag) =	ssettag $0x0;
	lr =	simm.s32 $0x1  }
0x2: {  	[smem:$0x3F84] =	sst lr;
	_ =	strace $0xD0000000  }
0x3: {  	_ = 	snop  }
0x4: {  	_ = 	snop  }
0x5: {  	_ = 	snop  }
0x6: {  	_ = 	snop  }
0x7: {  	_ = 	snop  }
__scs_overlays_trampoline_lowered:
0x8: {  	[smem:$0x3F93] =	sst s0  }
0x9: {  	[smem:$0x3F94] =	sst s1  }
0xa: {  	[smem:$0x3F95] =	sst s2  }
0xb: {  	[smem:$0x3F96] =	sst s3  }
0xc: {  	[smem:$0x3F97] =	sst s4  }
0xd: {  	[smem:$0x3F98] =	sst s5  }
0xe: {  	[smem:$0x3F99] =	sst s6  }
0xf: {  	[smem:$0x3F9A] =	sst s7  }
0x10: {  	[smem:$0x3F9B] =	sst s8  }
0x11: {  	[smem:$0x3F9C] =	sst s9;
	s0 =	simm.s32 @!p0 $0x0  }
0x12: {  	s1 =	sld [smem:$0x3F82];
	s0 =	simm.s32 @p0 $0x1  }
0x13: {  	[smem:$0x3F9D] =	sst s0;
	s0 =	simm.s32 @!p1 $0x0  }
0x14: {  	s2 =	sld [smem:$0x3F81];
	s0 =	simm.s32 @p1 $0x1  }
0x15: {  	[smem:$0x3F9E] =	sst s0;
	s0 =	simm.s32 @!p2 $0x0  }
0x16: {  	s3 =	sld [smem:$0x3FDB];
	s0 =	simm.s32 @p2 $0x1  }
0x17: {  	s4 =	simm.s32 $0x1BF5;
	[smem:$0x3FA0] =	sst s0  }
0x18: {  	s0 =	sld [smem:$0x3F83];
	_ =	swait.ge [sflag:s4], $0x0  }
0x19: {  	s7 =	sld [smem:$0x3F84]  }
0x1a: {  	s8 =	sadd.s32 $0xFFFFE003, lr  }
0x1b: {  	s9 =	sadd.s32 $0xFFFFFEF7, lr;
	s5 =	simm.s32 $0xFFFFFFFF;
	p2 =	slt.u32 s8, $0xFFFFF086  }
0x1c: {  	p1 =	slt.u32 s9, $0xF7A;
	s5 =	simm.s32 @!p2 $0x0  }
0x1d: {  	s5 =	simm.s32 @p1 $0x1;
	p0 =	seq.s32 s7, s2  }
0x1e: {  	s7 =	smul.u32 @!p0 $0xF7A, s2;
	p2 =	seq.s32 @!p0 s5, $0x0  }
0x1f: {  	s9 =	smul.u32 $0xF7A, s1;
	s8 =	simm.s32 @!p0 $0x1BF5;
	p2 =	por !p2, p0  }
0x20: {  	[sflag:s8] =	ssyncset.s32 @!p0 $0xFFFFF086;
	s6 =	sadd.s32 @!p0 s3, s7;
	s7 =	simm.s32 @!p0 $0x108  }
0x21: {  	s3 =	sadd.s32 s3, s9;
	s6 =	sadd.s32 @!p0 $0x88, s6;
	s7 =	simm.s32 @p2 $0x1082  }
0x22: {  	[simem:s7], [sflag:s8] =	dma.local @!p0 [hbm:s6], $0xF7A  }
0x23: {  	s9 =	sor.u32 $0xD0000000, s2;
	s6 =	simm.s32 $0x108;
	_ =	swait.ge @!p0 [sflag:s8], $0x0  }
0x24: {  	s3 =	sadd.s32 $0x88, s3;
	s6 =	simm.s32 @!p1 $0x1082;
	[sflag:s4] =	ssyncset.s32 $0xFFFFF086  }
0x25: {  	[simem:s6], [sflag:s4] =	dma.local [hbm:s3], $0xF7A  }
0x26: {  	[smem:$0x3F84] =	sst s1;
	(tag) =	ssettag s2;
	_ =	strace s9  }
0x27: {  	s1 =	sld [smem:$0x3F94]  }
0x28: {  	s2 =	sld [smem:$0x3F95]  }
0x29: {  	s4 =	sld [smem:$0x3F97]  }
0x2a: {  	p0 =	seq.s32 s5, $0x0;
	s5 =	sld [smem:$0x3F98]  }
0x2b: {  	s6 =	sld [smem:$0x3F99]  }
0x2c: {  	s7 =	sld [smem:$0x3F9A]  }
0x2d: {  	s3 =	simm.s32 $0x108;
	s8 =	sld [smem:$0x3F9B]  }
0x2e: {  	s3 =	simm.s32 @!p0 $0x1082;
	s9 =	sld [smem:$0x3F9C]  }
0x2f: {  	lr =	sadd.s32 s0, s3;
	s0 =	sld [smem:$0x3F93]  }
0x30: {  	s3 =	sld [smem:$0x3F96]  }
0x31: {  	[smem:$0x3F9F] =	sst s10  }
0x32: {  	s10 =	sld [smem:$0x3F9D];
	_ =	sdelay $0x3  }
0x33: {  	p0 =	seq.s32 s10, $0x1;
	s10 =	sld [smem:$0x3F9F];
	_ =	sdelay $0x3  }
0x34: {  	[smem:$0x3F9F] =	sst s10  }
0x35: {  	s10 =	sld [smem:$0x3F9E];
	_ =	sdelay $0x3  }
0x36: {  	p1 =	seq.s32 s10, $0x1;
	s10 =	sld [smem:$0x3F9F];
	_ =	sdelay $0x3  }
0x37: {  	[smem:$0x3F9F] =	sst s10  }
0x38: {  	s10 =	sld [smem:$0x3FA0]  }
0x39: {  	_ = 	snop;
	(pc) =	sbr.ind lr, $3  }
0x3a: {  	_ = 	snop  }
0x3b: {  	_ = 	snop  }
0x3c: {  	p2 =	seq.s32 s10, $0x1;
	s10 =	sld [smem:$0x3F9F]  }
0x3d: {  	_ =	shalt  }
0x3e: {  	_ =	shalt  }
0x3f: {  	_ =	shalt  }
0x40: {  	_ =	shalt  }
0x41: {  	_ =	shalt  }
0x42: {  	_ =	shalt  }
0x43: {  	_ =	shalt  }
0x44: {  	_ =	shalt  }
0x45: {  	_ =	shalt  }
0x46: {  	_ =	shalt  }
0x47: {  	_ =	shalt  }
0x48: {  	_ =	shalt  }
0x49: {  	_ =	shalt  }
0x4a: {  	_ =	shalt  }
0x4b: {  	_ =	shalt  }
0x4c: {  	_ =	shalt  }
0x4d: {  	_ =	shalt  }
0x4e: {  	_ =	shalt  }
0x4f: {  	_ =	shalt  }
0x50: {  	_ =	shalt  }
0x51: {  	_ =	shalt  }
0x52: {  	_ =	shalt  }
0x53: {  	_ =	shalt  }
0x54: {  	_ =	shalt  }
0x55: {  	_ =	shalt  }
0x56: {  	_ =	shalt  }
0x57: {  	_ =	shalt  }
0x58: {  	_ =	shalt  }
0x59: {  	_ =	shalt  }
0x5a: {  	_ =	shalt  }
0x5b: {  	_ =	shalt  }
0x5c: {  	_ =	shalt  }
0x5d: {  	_ =	shalt  }
0x5e: {  	_ =	shalt  }
0x5f: {  	_ =	shalt  }
0x60: {  	_ =	shalt  }
0x61: {  	_ =	shalt  }
0x62: {  	_ =	shalt  }
0x63: {  	_ =	shalt  }
0x64: {  	_ =	shalt  }
0x65: {  	_ =	shalt  }
0x66: {  	_ =	shalt  }
0x67: {  	_ =	shalt  }
0x68: {  	_ =	shalt  }
0x69: {  	_ =	shalt  }
0x6a: {  	_ =	shalt  }
0x6b: {  	_ =	shalt  }
0x6c: {  	_ =	shalt  }
0x6d: {  	_ =	shalt  }
0x6e: {  	_ =	shalt  }
0x6f: {  	_ =	shalt  }
0x70: {  	_ =	shalt  }
0x71: {  	_ =	shalt  }
0x72: {  	_ =	shalt  }
0x73: {  	_ =	shalt  }
0x74: {  	_ =	shalt  }
0x75: {  	_ =	shalt  }
0x76: {  	_ =	shalt  }
0x77: {  	_ =	shalt  }
0x78: {  	_ =	shalt  }
0x79: {  	_ =	shalt  }
0x7a: {  	_ =	shalt  }
0x7b: {  	_ =	shalt  }
0x7c: {  	_ =	shalt  }
0x7d: {  	_ =	shalt  }
0x7e: {  	_ =	shalt  }
0x7f: {  	_ =	shalt  }
0x80: {  	_ =	shalt  }
0x81: {  	_ =	shalt  }
0x82: {  	_ =	shalt  }
0x83: {  	_ =	shalt  }
0x84: {  	_ =	shalt  }
0x85: {  	_ =	shalt  }
0x86: {  	_ =	shalt  }
0x87: {  	_ =	shalt  }
.Lfunc_end0:
.L_simem_size_0:
called_computation.5_lowered:
.L_overlay_start_0:
0x88: {  	s2 =	sld [smem:$0x3FD9]  }
0x89: {  	s3 =	sld [smem:$0x3FFE];
	_ =	sdelay $0x1  }
0x8a: {  	s1 =	srdreg.scid  }
0x8b: {  	s0 =	sand.u32 $0x1, s1  }
0x8c: {  	s17 =	sshll.u32 s0, $0xA;
	s2 =	sadd.s32 s3, s2  }
0x8d: {  	s2 =	sadd.s32 s2, s17  }
0x8e: {  	[smem:$0x3FAB] =	sst s2  }
0x8f: {  	_ = 	snop  }
0x90: {  	(tm) =	ssettm $0x1  }
0x91: {  	s18 =	sld [smem:$0x3FFB];
	_ =	sdelay $0x3  }
0x92: {  	_ =	strace s18  }
0x93: {  	s2 =	sld [smem:$0x3FFC];
	_ =	sdelay $0x3  }
0x94: {  	_ =	strace s2  }
0x95: {  	s2 =	sld [smem:$0x3FFD];
	_ =	sdelay $0x3  }
0x96: {  	_ =	strace s2  }
0x97: {  	_ =	strace $0x8FFFFFFF  }
0x98: {  	s19 =	sld [smem:$0x3FDB];
	_ =	sdelay $0x1  }
0x99: {  	s20 =	simm.s32 $_scs_section_size  }
0x9a: {  	s4 =	simm.s32 $_size__tile_overlayer_lowered;
	s5 =	simm.s32 $_tile_overlayer_lowered  }
0x9b: {  	s6 =	simm.s32 $0x1BFF;
	s21 =	sshll.u32 s5, $0x1;
	s3 =	sadd.s32 s20, s19  }
0x9c: {  	s22 =	simm.s32 $0x0;
	s4 =	sshll.u32 s4, $0x1;
	s5 =	sadd.s32 s21, s3  }
0x9d: {  	[timem:s22], [sflag:s6] =	dma.local [hbm:s5], s4  }
0x9e: {  	_ =	swait.ge [sflag:s6], s4  }
0x9f: {  	s4 =	ssub.s32 $0x0, s4;
	[sflag:s6] =	ssyncset.done $0x0  }
0xa0: {  	[sflag:s6] =	ssyncadd.s32 s4;
	_ =	sdelay $0x1  }
0xa1: {  	s23 =	simm.s32 $0x1B8B  }
0xa2: {  	_ =	swait.ge [sflag:s23], $0x1  }
0xa3: {  	[sflag:s23] =	ssyncset.done $0x0  }
0xa4: {  	[sflag:s23] =	ssyncadd.s32 $0xFFFFFFFF  }
0xa5: {  	s4 =	sld [smem:$0x0]  }
0xa6: {  	s5 =	sand.u32 $0xFFFFFFFE, s1  }
0xa7: {  	p0 =	sne.s32 s1, s5  }
0xa8: {  	s5 =	sshll.u32 @p0 s5, $0xE  }
0xa9: {  	s5 =	sadd.s32 @p0 $0x11B8D, s5;
	s6 =	sshll.u32 @p0 s4, $0x11  }
0xaa: {  	s5 =	sor.u32 @p0 s6, s5  }
0xab: {  	[sflag:s5] =	ssyncadd.remote.s32 @p0 $0x1;
	_ =	sdelay $0x1  }
0xac: {  	s5 =	simm.s32 @p0 $0x1B8D  }
0xad: {  	_ =	swait.eq @p0 [sflag:s5], $0x1  }
0xae: {  	[sflag:s5] =	ssyncadd.s32 @p0 $0xFFFFFFFF  }
0xaf: {  	s6 =	sshll.u32 @!p0 s1, $0xE  }
0xb0: {  	s6 =	sor.u32 @!p0 $0x4000, s6;
	s5 =	simm.s32 @!p0 $0x1B8D  }
0xb1: {  	s4 =	sshll.u32 @!p0 s4, $0x11;
	s6 =	sadd.s32 @!p0 $0x11B8D, s6;
	_ =	swait.eq @!p0 [sflag:s5], $0x1  }
0xb2: {  	s4 =	sor.u32 @!p0 s4, s6;
	[sflag:s5] =	ssyncadd.s32 @!p0 $0xFFFFFFFF  }
0xb3: {  	s25 =	simm.s32 $0x1B8E;
	s24 =	sld [smem:$0x3FFE];
	[sflag:s4] =	ssyncadd.remote.s32 @!p0 $0x1  }
0xb4: {  	s26 =	simm.s32 $execute0_lowered;
	[smem:$0x3FD2] =	sst s25  }
0xb5: {  	s5 =	sshll.u32 s26, $0x1;
	_ =	strace $0x8000004F;
	[dreg:$0x1] =	wrdreg $0xFFFFFFFF  }
0xb6: {  	s28 =	simm.s32 $_size_execute0_lowered;
	s3 =	sadd.s32 s3, s5;
	[dreg:$0x0] =	wrdreg $0x0  }
0xb7: {  	s5 =	sshll.u32 s28, $0x1;
	[dreg:$0x2] =	wrdreg s3  }
0xb8: {  	[dreg:$0x3] =	wrdreg s5  }
0xb9: {  	[dreg:$0x4] =	wrdreg $0xC0  }
0xba: {  	_ =	task [dreg:s22], $0x5FFFF  }
0xbb: {  	[dreg:$0x1] =	wrdreg $0xFFFFFFFF  }
0xbc: {  	[dreg:$0x0] =	wrdreg $0x60  }
0xbd: {  	[dreg:$0x2] =	wrdreg s24  }
0xbe: {  	[dreg:$0x3] =	wrdreg $0x40800  }
0xbf: {  	[dreg:$0x4] =	wrdreg $0xA  }
0xc0: {  	_ =	task.clear_ibuf [dreg:s22], $0x5FFFF;
	_ =	strace $0x9000004F  }
0xc1: {  	s29 =	simm.s32 $0xA;
	_ =	strace $0x80000051  }
0xc2: {  	_ =	swait.ge [sflag:s29], $0x1  }
0xc3: {  	[sflag:s29] =	ssyncadd.s32 $0xFFFFFFFF  }
0xc4: {  	_ =	strace $0x90000051  }
0xc5: {  	_ =	sfence  }
0xc6: {  	s30 =	sld [smem:$0x0];
	_ =	sdelay $0x2  }
0xc7: {  	s31 =	sshll.u32 s1, $0xD;
	s1 =	sshrl.u32 s1, $0x2  }
0xc8: {  	s4 =	sand.u32 $0x4000, s31;
	s1 =	sadd.s32 s1, s30  }
0xc9: {  	s0 =	sor.u32 s4, s0;
	s1 =	sshll.u32 s1, $0x11  }
0xca: {  	s0 =	sor.u32 s1, s0  }
0xcb: {  	s0 =	sadd.s32 $0x8F2B, s0  }
0xcc: {  	[sflag:s0] =	ssyncadd.remote.s32 $0x1  }
0xcd: {  	_ =	sfence.sel $0xFFFF  }
0xce: {  	[dreg:$0x0] =	wrdreg $0xFFFFFFFF;
	(pc) =	sbr.abs _section_cstart, $3  }
0xcf: {  	[dreg:$0x1] =	wrdreg $0xFFFFFFFF  }
0xd0: {  	_ =	task.clear_ibuf [dreg:s22], $0x2FFFF;
	_ =	strace $0x9FFFFFFF  }
0xd1: {  	(tm) =	ssettm $0x7FFFFFFF  }
tec
execute0_lowered:
.L_overlay_start_1:
0x0: {  	(tag) =	ssettag $0x1  }
0x1: {  	s4 =	rddreg [dreg:$0x0]  }
0x2: {  	s1 =	rddreg [dreg:$0x1]  }
0x3: {  	s0 =	rddreg [dreg:$0x2];
	s3 =	simm.s32 $0x0;
	s2 =	stileid.u32  }
0x4: {  	s5 =	srdreg.scid;
	[smem:$0x7FF] =	sst s3;
	s6 =	sshll.u32 s2, $0x5  }
0x5: {  	s7 =	smul.u32 $0x2780, s2;
	s8 =	sand.u32 $0x1, s5;
	s23 =	sshll.u32 s2, $0xC  }
0x6: {  	s11 =	smul.u32 $0x4F000, s2;
	s29 =	sshll.u32 s2, $0x6;
	_ =	strace $0x80000050  }
0x7: {  	s10 =	sadd.s32 s6, s4;
	s24 =	smul.u32 $0x27800, s8;
	s9 =	sadd.s32 s23, s4  }
0x8: {  	s25 =	ssub.s32 $0x2, s8;
	s30 =	sshll.u32 s8, $0xB;
	s31 =	sshll.u32 s8, $0x4  }
0x9: {  	s12 =	sadd.s32 s7, s4;
	s26 =	sshrl.u32 s25, $0x1;
	s28 =	sshrl.u32 s11, $0x2  }
0xa: {  	s9 =	sadd.s32 s30, s9;
	s10 =	sadd.s32 s31, s10;
	s6 =	sadd.s32 s7, s24  }
0xb: {  	s14 =	ssub.s32 s25, s26;
	s11 =	sadd.s32 s28, s1;
	s5 =	sadd.s32 $0x10400, s12  }
0xc: {  	s9 =	sadd.s32 $0x1AF9C00, s9;
	s10 =	sadd.s32 $0xAC00, s10;
	s12 =	simm.s32 $0x1  }
0xd: {  	s13 =	sadd.s32 s6, s4;
	s4 =	sshll.u32 s2, $0x1;
	s6 =	sor.u32 $0x1C01, s29  }
0xe: {  	s8 =	smax.u32 s14, $0x1;
	s11 =	sshrl.u32 s11, $0x3;
	s7 =	sadd.s32 $0x86C00, s13  }
.LBB2_1:
0xf: {  	[spmem:s11], [sflag:s6] =	dma.local [hbm:s5], $0x2780  }
0x10: {  	_ =	swait.ge [sflag:s12], $0x2780  }
0x11: {  	s13 =	sadd.s32 $0x0, s4;
	[sflag:s12] =	ssyncset.done $0x0  }
0x12: {  	p0 =	sgt.u32 s13, $0x4E1;
	[sflag:s12] =	ssyncadd.s32 $0xFFFFD880  }
0x13: {  	s13 =	simm.s32 @!p0 $0x0;
	s15 =	simm.s32 @!p0 $0x2;
	[bflag:$0x0] =	sbarrier.arrive $0xFFFF  }
0x14: {  	[tilespmem:s13], [sflag:$0x2] =	stream.linear.gather @!p0 [hbm4b:s10+s13], $0x80, $0x38;
	[tilespmem:$0x17C80] =	vst v63  }
0x15: {  	_ =	swait.ge @!p0 [sflag:s15], $0x80  }
0x16: {  	[sflag:s15] =	ssyncset.done @!p0 $0x0;
	p0 =	por p0, p0  }
0x17: {  	[sflag:s15] =	ssyncadd.s32 @!p0 $0xFFFFFF80;
	s17 =	simm.s32 @!p0 $0x80  }
0x18: {  	[tilespmem:s17], [sflag:$0x2] =	stream.linear.gather @!p0 [hbm4b:s9+s13], $0x4000, $0x38;
	[tilespmem:$0x17C80] =	vst v63  }
0x19: {  	_ =	swait.ge @!p0 [sflag:s15], $0x4000  }
0x1a: {  	[sflag:s15] =	ssyncset.done @!p0 $0x0  }
0x1b: {  	s31 =	sadd.s32 $0x20, s4;
	s16 =	simm.s32 @!p0 $0x1;
	[sflag:s15] =	ssyncadd.s32 @!p0 $0xFFFFC000  }
0x1c: {  	[spmem:s1] =	stream.indirect.scatter.add.f32 @!p0 [tilespmem:s17], [sflag:$0x1], $0x80, s13, s17, $0xb8;
	[tilespmem:$0x17C80] =	vst v63  }
0x1d: {  	s14 =	simm.s32 $0x40;
	p1 =	sgt.u32 s31, $0x4E1;
	_ =	swait.ge @!p0 [sflag:s16], $0x4000  }
0x1e: {  	s15 =	sadd.s32 $0x200, s10;
	s13 =	sadd.s32 $0x10000, s9;
	[sflag:s16] =	ssyncset.done @!p0 $0x0  }
.LBB2_2:
0x1f: {  	s17 =	simm.s32 @!p1 $0x0;
	s18 =	simm.s32 @!p1 $0x2;
	[sflag:s16] =	ssyncadd.s32 @!p0 $0xFFFFC000  }
0x20: {  	[tilespmem:s17], [sflag:$0x2] =	stream.linear.gather @!p1 [hbm4b:s15+s17], $0x80, $0x38;
	[tilespmem:$0x17C80] =	vst v63  }
0x21: {  	s19 =	smov.u32 s14;
	s14 =	sadd.s32 $0x20, s14;
	_ =	swait.ge @!p1 [sflag:s18], $0x80  }
0x22: {  	p0 =	por p1, p1;
	p2 =	sne.s32 s14, $0x500;
	[sflag:s18] =	ssyncset.done @!p1 $0x0  }
0x23: {  	s20 =	simm.s32 @!p0 $0x80;
	[sflag:s18] =	ssyncadd.s32 @!p0 $0xFFFFFF80  }
0x24: {  	[tilespmem:s20], [sflag:$0x2] =	stream.linear.gather @!p0 [hbm4b:s13+s17], $0x4000, $0x38;
	[tilespmem:$0x17C80] =	vst v63  }
0x25: {  	_ =	swait.ge @!p0 [sflag:s18], $0x4000  }
.Ltmp0:
0x26: {  	[sflag:s18] =	ssyncset.done @!p0 $0x0;
	(pc) =	sbr.rel @p2 .LBB2_2-.Ltmp0, $4  }
0x27: {  	s16 =	simm.s32 @!p0 $0x1;
	[sflag:s18] =	ssyncadd.s32 @!p0 $0xFFFFC000  }
0x28: {  	[spmem:s1] =	stream.indirect.scatter.add.f32 @!p0 [tilespmem:s20], [sflag:$0x1], $0x80, s17, s20, $0xb8;
	[tilespmem:$0x17C80] =	vst v63  }
0x29: {  	s15 =	sadd.s32 $0x200, s15;
	s17 =	sadd.s32 s19, s4;
	_ =	swait.ge @!p0 [sflag:s16], $0x4000  }
0x2a: {  	s13 =	sadd.s32 $0x10000, s13;
	p1 =	sgt.u32 s17, $0x4E1;
	[sflag:s16] =	ssyncset.done @!p0 $0x0  }
0x2b: {  	s14 =	simm.s32 @!p1 $0x0;
	s17 =	simm.s32 @!p1 $0x2;
	[sflag:s16] =	ssyncadd.s32 @!p0 $0xFFFFC000  }
0x2c: {  	[tilespmem:s14], [sflag:$0x2] =	stream.linear.gather @!p1 [hbm4b:s15+s14], $0x80, $0x38;
	[tilespmem:$0x17C80] =	vst v63  }
0x2d: {  	_ =	swait.ge @!p1 [sflag:s17], $0x80  }
0x2e: {  	p0 =	por p1, p1;
	[sflag:s17] =	ssyncset.done @!p1 $0x0  }
0x2f: {  	s15 =	simm.s32 @!p0 $0x80;
	[sflag:s17] =	ssyncadd.s32 @!p0 $0xFFFFFF80  }
0x30: {  	[tilespmem:s15], [sflag:$0x2] =	stream.linear.gather @!p0 [hbm4b:s13+s14], $0x4000, $0x38;
	[tilespmem:$0x17C80] =	vst v63  }
0x31: {  	_ =	swait.ge @!p0 [sflag:s17], $0x4000  }
0x32: {  	[sflag:s17] =	ssyncset.done @!p0 $0x0  }
0x33: {  	s13 =	simm.s32 @!p0 $0x1;
	[sflag:s17] =	ssyncadd.s32 @!p0 $0xFFFFC000  }
0x34: {  	[spmem:s1] =	stream.indirect.scatter.add.f32 @!p0 [tilespmem:s15], [sflag:$0x1], $0x80, s14, s15, $0xb8;
	[tilespmem:$0x17C80] =	vst v63  }
0x35: {  	_ =	swait.ge @!p0 [sflag:s13], $0x4000  }
0x36: {  	s3 =	sadd.s32 $0x1, s3;
	[sflag:s13] =	ssyncset.done @!p0 $0x0  }
0x37: {  	[sflag:s13] =	ssyncadd.s32 @!p0 $0xFFFFC000;
	p0 =	sne.s32 s3, s8  }
.Ltmp1:
0x38: {  	[bflag:$0x0] =	sbarrier.arrive $0xFFFF;
	(pc) =	sbr.rel @p0 .LBB2_1-.Ltmp1, $4  }
0x39: {  	[hbm:s7], [sflag:s6] =	dma.local [spmem:s11], $0x2780  }
0x3a: {  	_ =	swait.ge [sflag:s12], $0x2780  }
0x3b: {  	[sflag:s12] =	ssyncset.done $0x0  }
0x3c: {  	[sflag:s12] =	ssyncadd.s32 $0xFFFFD880  }
0x3d: {  	_ =	sfence.sel $0x180000  }
0x3e: {  	[bflag:$0x0] =	sbarrier.arrive $0xFFFF  }
0x3f: {  	p0 =	sne.s32 s2, $0x0;
	_ =	strace $0x90000050  }
0x40: {  	s0 =	sadd.s32 @!p0 $0x100000, s0;
	[bflag:$0x2] =	sbarrier.arrive $0xFFFF  }
0x41: {  	[sflag:s0] =	ssyncadd.tile.s32 @!p0 $0x1;
	_ =	shalt  }
.Lfunc_end2:
_tile_overlayer_lowered:
.L_overlay_start_2:
0x42: {  	(tag) =	ssettag $0x2  }
0x43: {  	s0 =	rddreg [dreg:$0x0];
	s2 =	stileid.u32  }
0x44: {  	s1 =	rddreg [dreg:$0x1];
	p0 =	sne.s32 s2, $0x0  }
0x45: {  	s3 =	rddreg [dreg:$0x2];
	[bflag:$0x3] =	sbarrier.arrive $0xFFFF;
	s2 =	simm.s32 @!p0 $0x1C01  }
0x46: {  	[timem:s3], [sflag:s2] =	dma.local @!p0 [hbm:s0], s1  }
0x47: {  	s0 =	simm.s32 @!p0 $0x1  }
0x48: {  	_ =	swait.ge @!p0 [sflag:s0], s1  }
0x49: {  	s1 =	ssub.s32 @!p0 $0x0, s1;
	[sflag:s0] =	ssyncset.done @!p0 $0x0  }
0x4a: {  	[sflag:s0] =	ssyncadd.s32 @!p0 s1  }
0x4b: {  	[bflag:$0x3] =	sbarrier.arrive $0xFFFF  }
0x4c: {  	_ =	shalt  }

</sc_bundles>
